<compile_context>
chip_gen: v7x
topology: tpu7x:2x2x1
jax: 0.10.2.dev20260603
libtpu: 0.0.44.dev20260713+nightly
codegen_flags: <defaults>
</compile_context>

<pallas_src>
import functools

import jax
import jax.numpy as jnp
from jax import lax
from jax.experimental import pallas as pl
from jax.experimental.pallas import tpu as pltpu
from jax.experimental.pallas import tpu_sc as plsc

NC = 2
NS = 16
NW = NC * NS
CHUNK = 80


def _make_deg_kernel(n2, ept2):
    mesh = plsc.VectorSubcoreMesh(core_axis_name="c", subcore_axis_name="s")

    @functools.partial(
        pl.kernel,
        out_type=jax.ShapeDtypeStruct((NC, NS, 1, n2), jnp.float32),
        mesh=mesh,
        scratch_types=[
            pltpu.VMEM((ept2,), jnp.int32),
            pltpu.VMEM((n2,), jnp.float32),
        ],
        compiler_params=pltpu.CompilerParams(needs_layout_passes=False),
    )
    def deg_kernel(edge_hbm, zeros_hbm, out_hbm, idx_v, hist):
        cid = lax.axis_index("c")
        sid = lax.axis_index("s")
        wid = sid * NC + cid
        nbin = jnp.full((16,), n2 // 2, jnp.int32)
        pltpu.sync_copy(zeros_hbm, hist)
        one16 = jnp.ones((16,), jnp.float32)

        pltpu.sync_copy(edge_hbm.at[0, wid, 0], idx_v)

        def body(i, carry):
            for u in range(5):
                vec = idx_v[pl.ds(pl.multiple_of(i * 80 + u * 16, 16), 16)]
                plsc.addupdate_scatter(hist, [vec], one16)
            return carry

        lax.fori_loop(0, ept2 // 80, body, 0)

        pltpu.sync_copy(edge_hbm.at[1, wid, 0], idx_v)

        def body2(i, carry):
            for u in range(5):
                vec = idx_v[pl.ds(pl.multiple_of(i * 80 + u * 16, 16), 16)] + nbin
                plsc.addupdate_scatter(hist, [vec], one16)
            return carry

        lax.fori_loop(0, ept2 // 80, body2, 0)
        pltpu.sync_copy(hist, out_hbm.at[cid, sid, 0])

    return deg_kernel


def _make_agg_kernel(n, d, nch):
    stripe = n // NS
    mesh = plsc.VectorSubcoreMesh(core_axis_name="c", subcore_axis_name="s")

    @functools.partial(
        pl.kernel,
        out_type=jax.ShapeDtypeStruct((NC, n, d), jnp.float32),
        mesh=mesh,
        scratch_types=[
            pltpu.VMEM((nch * CHUNK,), jnp.int32),
            [pltpu.VMEM((CHUNK,), jnp.int32)] * 3,
            [pltpu.VMEM((CHUNK, d), jnp.float32)] * 3,
            [pltpu.SemaphoreType.DMA] * 3,
            [pltpu.SemaphoreType.DMA] * 3,
            [pltpu.SemaphoreType.DMA] * 3,
            pltpu.VMEM_SHARED((n, d), jnp.float32),
        ],
    )
    def agg_kernel(h_hbm, src_hbm, dst_hbm, zeros_hbm, out_hbm,
                   sidx, didx, rows, gsem, dsem, ssem, acc):
        cid = lax.axis_index("c")
        sid = lax.axis_index("s")
        wid = sid * NC + cid
        pltpu.sync_copy(zeros_hbm, acc.at[pl.ds(sid * stripe, stripe)])
        pltpu.sync_copy(src_hbm.at[0, wid, 0], sidx)
        plsc.subcore_barrier()

        base = wid * nch

        def src_at(c):
            return sidx.at[pl.ds(pl.multiple_of(c * CHUNK, 16), CHUNK)]

        def issue(c, j):
            pltpu.async_copy(dst_hbm.at[1, base + c, 0], didx[j], dsem[j])
            pltpu.async_copy(h_hbm.at[src_at(c)], rows[j], gsem[j])

        def gwait(j):
            pltpu.make_async_copy(h_hbm.at[src_at(0)], rows[j], gsem[j]).wait()
            pltpu.make_async_copy(dst_hbm.at[1, base, 0], didx[j], dsem[j]).wait()

        def scat(j):
            pltpu.async_copy(rows[j], acc.at[didx[j]], ssem[j], add=True)

        def swait(j):
            pltpu.make_async_copy(rows[j], acc.at[didx[j]], ssem[j]).wait()

        issue(0, 0)
        issue(1, 1)
        gwait(0)
        scat(0)
        issue(2, 2)
        gwait(1)
        scat(1)

        def steady(o, carry):
            s0 = 2 + o * 3

            def step(s, j, jn):
                swait(jn)
                issue(s + 1, jn)
                gwait(j)
                scat(j)

            step(s0, 2, 0)
            step(s0 + 1, 0, 1)
            step(s0 + 2, 1, 2)
            return carry

        lax.fori_loop(0, (nch - 5) // 3, steady, 0)
        j_a = (nch - 3) % 3
        j_b = (nch - 2) % 3
        j_c = (nch - 1) % 3
        swait(j_b)
        issue(nch - 2, j_b)
        gwait(j_a)
        scat(j_a)
        swait(j_c)
        issue(nch - 1, j_c)
        gwait(j_b)
        scat(j_b)
        swait(j_a)
        gwait(j_c)
        scat(j_c)
        swait(j_b)
        swait(j_c)
        plsc.subcore_barrier()
        pltpu.sync_copy(
            acc.at[pl.ds(sid * stripe, stripe)],
            out_hbm.at[cid, pl.ds(sid * stripe, stripe)],
        )

    return agg_kernel


def _mm1_body(x_ref, w_ref, ds_ref, dd_ref, h_ref, ns_ref, nd_ref):
    ns = lax.rsqrt(jnp.maximum(
        jnp.sum(ds_ref[:, 0, 0, :], axis=0, keepdims=True), 1.0)).T
    nd = lax.rsqrt(jnp.maximum(
        jnp.sum(dd_ref[:, 0, 0, :], axis=0, keepdims=True), 1.0)).T
    h_ref[...] = jnp.dot(x_ref[...], w_ref[...],
                         preferred_element_type=jnp.float32) * ns
    ns_ref[...] = ns
    nd_ref[...] = nd


def _mid_body(p0, p1, nd, ns, b, o_ref):
    t = (p0[0] + p1[0]) * nd[...] + b[...]
    o_ref[...] = jnp.maximum(t, 0.0) * ns[...]


def _fin_body(p0, p1, nd, w, b, o_ref):
    s = p0[0] + p1[0]
    o_ref[...] = jnp.dot(s, w[...], preferred_element_type=jnp.float32) * nd[...] + b[...]


def kernel(x, edge_index, W1, b1, W2, b2):
    n, d_in = x.shape
    d_hid = W1.shape[1]
    n_cls = W2.shape[1]
    e = edge_index.shape[1]
    assert (2 * e) % (NW * 16) == 0 and n % NS == 0

    npad = -(-n // (8 * NS)) * (8 * NS)
    n2pad = 2 * n
    epad = -(-e // (NW * CHUNK)) * (NW * CHUNK)
    while (epad // (NW * CHUNK)) % 3 != 2 or epad // (NW * CHUNK) < 5:
        epad += NW * CHUNK
    ept = epad // NW
    nch = ept // CHUNK
    if epad == e:
        edges = edge_index
    else:
        pad = jnp.stack([
            jnp.zeros((epad - e,), jnp.int32),
            jnp.full((epad - e,), n, jnp.int32),
        ])
        edges = jnp.concatenate([edge_index, pad], axis=1)
    srcr = edges.reshape(2, NW, 1, ept)
    dstr = edges.reshape(2, NW * nch, 1, CHUNK)

    zeros_h = jnp.zeros((npad // NS, d_hid), jnp.float32)

    degpart = _make_deg_kernel(n2pad, e // NW)(
        edge_index.reshape(2, NW, 1, e // NW),
        jnp.zeros((n2pad,), jnp.float32))
    deg_all = degpart.reshape(NW, n2pad)

    bn = 1000
    noff = n // bn
    grid = (n // bn,)
    deg4 = deg_all.reshape(NW, 2 * noff, 1, bn)
    h1p, ns_col, nd_col = pl.pallas_call(
        _mm1_body,
        grid=grid,
        in_specs=[
            pl.BlockSpec((bn, d_in), lambda i: (i, 0)),
            pl.BlockSpec((d_in, d_hid), lambda i: (0, 0)),
            pl.BlockSpec((NW, 1, 1, bn), lambda i: (0, i, 0, 0)),
            pl.BlockSpec((NW, 1, 1, bn), lambda i: (0, i + noff, 0, 0)),
        ],
        out_specs=[
            pl.BlockSpec((bn, d_hid), lambda i: (i, 0)),
            pl.BlockSpec((bn, 1), lambda i: (i, 0)),
            pl.BlockSpec((bn, 1), lambda i: (i, 0)),
        ],
        out_shape=[
            jax.ShapeDtypeStruct((n, d_hid), jnp.float32),
            jax.ShapeDtypeStruct((n, 1), jnp.float32),
            jax.ShapeDtypeStruct((n, 1), jnp.float32),
        ],
    )(x, W1, deg4, deg4)

    agg_fn = _make_agg_kernel(npad, d_hid, nch)
    part1 = agg_fn(h1p, srcr, dstr, zeros_h)

    h2p = pl.pallas_call(
        _mid_body,
        grid=grid,
        in_specs=[
            pl.BlockSpec((1, bn, d_hid), lambda i: (0, i, 0)),
            pl.BlockSpec((1, bn, d_hid), lambda i: (1, i, 0)),
            pl.BlockSpec((bn, 1), lambda i: (i, 0)),
            pl.BlockSpec((bn, 1), lambda i: (i, 0)),
            pl.BlockSpec((1, d_hid), lambda i: (0, 0)),
        ],
        out_specs=pl.BlockSpec((bn, d_hid), lambda i: (i, 0)),
        out_shape=jax.ShapeDtypeStruct((n, d_hid), jnp.float32),
    )(part1, part1, nd_col, ns_col, b1.reshape(1, d_hid))

    part2 = agg_fn(h2p, srcr, dstr, zeros_h)

    out = pl.pallas_call(
        _fin_body,
        grid=grid,
        in_specs=[
            pl.BlockSpec((1, bn, d_hid), lambda i: (0, i, 0)),
            pl.BlockSpec((1, bn, d_hid), lambda i: (1, i, 0)),
            pl.BlockSpec((bn, 1), lambda i: (i, 0)),
            pl.BlockSpec((d_hid, n_cls), lambda i: (0, 0)),
            pl.BlockSpec((1, n_cls), lambda i: (0, 0)),
        ],
        out_specs=pl.BlockSpec((bn, n_cls), lambda i: (i, 0)),
        out_shape=jax.ShapeDtypeStruct((n, n_cls), jnp.float32),
    )(part2, part2, nd_col, W2, b2.reshape(1, n_cls))

    return out

# --- scband reference (transcript-rebuilt; emitter-appended) ---
"""Pipeline reference for scband-dropedge-63763084476890 (READ-ONLY COPY).

The authoritative reference and input builder live on the scoring server;
editing this copy changes nothing except your own understanding.
"""

import jax, jax.numpy as jnp
import numpy as np

N = 10000
E = 320000
D_IN = 128
D_HID = 128
N_CLASSES = 64


def setup_inputs(seed: int = 0) -> dict:
    key = jax.random.key(seed)
    ks = jax.random.split(key, 6)
    x = jax.random.normal(ks[0], (N, D_IN), dtype=jnp.float32)
    edge_index = jax.random.randint(ks[1], (2, E), 0, N, dtype=jnp.int32)
    W1 = jax.random.normal(ks[2], (D_IN, D_HID), dtype=jnp.float32) / np.sqrt(D_IN)
    b1 = jnp.zeros((D_HID,), dtype=jnp.float32)
    W2 = jax.random.normal(ks[3], (D_HID, N_CLASSES), dtype=jnp.float32) / np.sqrt(D_HID)
    b2 = jnp.zeros((N_CLASSES,), dtype=jnp.float32)
    return {"x": x, "edge_index": edge_index, "W1": W1, "b1": b1, "W2": W2, "b2": b2}


def _gcn_layer(h, src, dst, n, W, b, norm_src, norm_dst, act):
    # DGL GraphConv with norm='both' (eval mode: no dropedge, no dropout):
    # h' = D_in^{-1/2} A (D_out^{-1/2} h W) + b
    h = h * norm_src[:, None]
    h = h @ W
    m = jax.ops.segment_sum(h[src], dst, num_segments=n)
    m = m * norm_dst[:, None] + b
    if act:
        m = jax.nn.relu(m)
    return m


def reference(x, edge_index, W1, b1, W2, b2):
    n = x.shape[0]
    src = edge_index[0]
    dst = edge_index[1]
    ones = jnp.ones((src.shape[0],), dtype=jnp.float32)
    deg_out = jnp.clip(jax.ops.segment_sum(ones, src, num_segments=n), 1.0, None)
    deg_in = jnp.clip(jax.ops.segment_sum(ones, dst, num_segments=n), 1.0, None)
    norm_src = deg_out ** -0.5
    norm_dst = deg_in ** -0.5
    h = _gcn_layer(x, src, dst, n, W1, b1, norm_src, norm_dst, True)
    h = _gcn_layer(h, src, dst, n, W2, b2, norm_src, norm_dst, False)
    return h

if __name__ == "__main__":
    import jax
    _d = setup_inputs()
    print(jax.jit(kernel)(*tuple(_d.values())))

</pallas_src>

<mosaic_0001>
#map = affine_map<(d0, d1) -> (0, 0, 0, 0)>
#map1 = affine_map<(d0, d1) -> (0)>
module attributes {stable_mosaic.version = 14 : i64} {
  func.func @deg_kernel(%arg0: i32, %arg1: i32, %arg2: memref<2x32x1x10000xi32, #tpu.memory_space<hbm>>, %arg3: memref<20000xf32, #tpu.memory_space<hbm>>, %arg4: memref<2x16x1x20000xf32, #tpu.memory_space<hbm>>, %arg5: memref<10000xi32, #tpu.memory_space<vmem>>, %arg6: memref<20000xf32, #tpu.memory_space<vmem>>) attributes {dimension_semantics = [#tpu.dimension_semantics<core_parallel>, #tpu.dimension_semantics<subcore_parallel>], iteration_bounds = array<i64: 2, 16>, scalar_prefetch = 0 : i64, scratch_operands = 2 : i64, tpu.core_type = #tpu.core_type<sc_vector_subcore>, window_params = [{transform_indices = #map}, {transform_indices = #map1}, {transform_indices = #map}]} {
    %mul3A = arith.constant 2 : i32
    %mul3A_0 = arith.muli %arg1, %mul3A : i32
    %add3A = arith.addi %mul3A_0, %arg0 : i32
    %broadcast_in_dim3A = arith.constant 10000 : i32
    %broadcast_in_dim3A_1 = vector.broadcast %broadcast_in_dim3A : i32 to vector<16xi32>
    "tpu.region"() ({
      %run_scoped3A_19 = tpu.sem_alloc : memref<!tpu.dma_semaphore, #tpu.memory_space<semaphore_mem>>
      tpu.enqueue_dma source(%arg3 : memref<20000xf32, #tpu.memory_space<hbm>>) target(%arg6 : memref<20000xf32, #tpu.memory_space<vmem>>) target_semaphore(%run_scoped3A_19 : memref<!tpu.dma_semaphore, #tpu.memory_space<semaphore_mem>>)
      tpu.wait_dma2 semaphore(%run_scoped3A_19 : memref<!tpu.dma_semaphore, #tpu.memory_space<semaphore_mem>>) src(%arg3 : memref<20000xf32, #tpu.memory_space<hbm>>) dst(%arg6 : memref<20000xf32, #tpu.memory_space<vmem>>)
      tpu.yield
    }) : () -> ()
    %broadcast_in_dim3A_2 = arith.constant 1.000000e+00 : f32
    %broadcast_in_dim3A_3 = vector.broadcast %broadcast_in_dim3A_2 : f32 to vector<16xf32>
    %run_scoped3A = arith.constant 0 : i32
    %run_scoped3A_4 = arith.constant 0 : i32
    "tpu.region"() ({
      %run_scoped3A_19 = tpu.sem_alloc : memref<!tpu.dma_semaphore, #tpu.memory_space<semaphore_mem>>
      %dma_start3A = arith.constant 0 : i32
      %dma_start3A_20 = tpu.memref_slice %arg2[%run_scoped3A, %add3A, %run_scoped3A_4, %dma_start3A] : memref<2x32x1x10000xi32, #tpu.memory_space<hbm>> -> memref<1x1x1x10000xi32, #tpu.memory_space<hbm>>
      %dma_start3A_21 = tpu.memref_squeeze %dma_start3A_20 : memref<1x1x1x10000xi32, #tpu.memory_space<hbm>> -> memref<10000xi32, #tpu.memory_space<hbm>>
      %dma_start3A_22 = arith.constant 0 : i32
      %dma_start3A_23 = tpu.memref_slice %arg2[%run_scoped3A, %add3A, %run_scoped3A_4, %dma_start3A_22] : memref<2x32x1x10000xi32, #tpu.memory_space<hbm>> -> memref<1x1x1x10000xi32, #tpu.memory_space<hbm>>
      %dma_start3A_24 = tpu.memref_squeeze %dma_start3A_23 : memref<1x1x1x10000xi32, #tpu.memory_space<hbm>> -> memref<10000xi32, #tpu.memory_space<hbm>>
      tpu.enqueue_dma source(%dma_start3A_24 : memref<10000xi32, #tpu.memory_space<hbm>>) target(%arg5 : memref<10000xi32, #tpu.memory_space<vmem>>) target_semaphore(%run_scoped3A_19 : memref<!tpu.dma_semaphore, #tpu.memory_space<semaphore_mem>>)
      %dma_wait3A = arith.constant 0 : i32
      %dma_wait3A_25 = tpu.memref_slice %arg2[%run_scoped3A, %add3A, %run_scoped3A_4, %dma_wait3A] : memref<2x32x1x10000xi32, #tpu.memory_space<hbm>> -> memref<1x1x1x10000xi32, #tpu.memory_space<hbm>>
      %dma_wait3A_26 = tpu.memref_squeeze %dma_wait3A_25 : memref<1x1x1x10000xi32, #tpu.memory_space<hbm>> -> memref<10000xi32, #tpu.memory_space<hbm>>
      %dma_wait3A_27 = arith.constant 0 : i32
      %dma_wait3A_28 = tpu.memref_slice %arg2[%run_scoped3A, %add3A, %run_scoped3A_4, %dma_wait3A_27] : memref<2x32x1x10000xi32, #tpu.memory_space<hbm>> -> memref<1x1x1x10000xi32, #tpu.memory_space<hbm>>
      %dma_wait3A_29 = tpu.memref_squeeze %dma_wait3A_28 : memref<1x1x1x10000xi32, #tpu.memory_space<hbm>> -> memref<10000xi32, #tpu.memory_space<hbm>>
      tpu.wait_dma2 semaphore(%run_scoped3A_19 : memref<!tpu.dma_semaphore, #tpu.memory_space<semaphore_mem>>) src(%dma_wait3A_29 : memref<10000xi32, #tpu.memory_space<hbm>>) dst(%arg5 : memref<10000xi32, #tpu.memory_space<vmem>>)
      tpu.yield
    }) : () -> ()
    %scan3A = arith.constant 0 : i32
    %scan3A_5 = arith.constant 0 : i32
    %scan3A_6 = arith.constant 125 : i32
    %scan3A_7 = arith.addi %scan3A_5, %scan3A_6 : i32
    %scan3A_8 = arith.constant 1 : i32
    scf.for %scan3A_19 = %scan3A_5 to %scan3A_7 step %scan3A_8  : i32 {
      %mul3A_20 = arith.constant 80 : i32
      %mul3A_21 = arith.muli %scan3A_19, %mul3A_20 : i32
      %add3A_22 = arith.constant 0 : i32
      %add3A_23 = arith.addi %mul3A_21, %add3A_22 : i32
      %multiple_of3A = tpu.assume_multiple %add3A_23, 16 : i32
      %get3A = arith.index_cast %multiple_of3A : i32 to index
      %get3A_24 = tpu.vector_load %arg5[%get3A] {strides = array<i32>} : memref<10000xi32, #tpu.memory_space<vmem>>, vector<16xi32>,
      tpu.vector_store_idx %arg6[%get3A_24], %broadcast_in_dim3A_3 {add = true} : memref<20000xf32, #tpu.memory_space<vmem>>[vector<16xi32>], vector<16xf32>,
      %mul3A_25 = arith.constant 80 : i32
      %mul3A_26 = arith.muli %scan3A_19, %mul3A_25 : i32
      %add3A_27 = arith.constant 16 : i32
      %add3A_28 = arith.addi %mul3A_26, %add3A_27 : i32
      %multiple_of3A_29 = tpu.assume_multiple %add3A_28, 16 : i32
      %get3A_30 = arith.index_cast %multiple_of3A_29 : i32 to index
      %get3A_31 = tpu.vector_load %arg5[%get3A_30] {strides = array<i32>} : memref<10000xi32, #tpu.memory_space<vmem>>, vector<16xi32>,
      tpu.vector_store_idx %arg6[%get3A_31], %broadcast_in_dim3A_3 {add = true} : memref<20000xf32, #tpu.memory_space<vmem>>[vector<16xi32>], vector<16xf32>,
      %mul3A_32 = arith.constant 80 : i32
      %mul3A_33 = arith.muli %scan3A_19, %mul3A_32 : i32
      %add3A_34 = arith.constant 32 : i32
      %add3A_35 = arith.addi %mul3A_33, %add3A_34 : i32
      %multiple_of3A_36 = tpu.assume_multiple %add3A_35, 16 : i32
      %get3A_37 = arith.index_cast %multiple_of3A_36 : i32 to index
      %get3A_38 = tpu.vector_load %arg5[%get3A_37] {strides = array<i32>} : memref<10000xi32, #tpu.memory_space<vmem>>, vector<16xi32>,
      tpu.vector_store_idx %arg6[%get3A_38], %broadcast_in_dim3A_3 {add = true} : memref<20000xf32, #tpu.memory_space<vmem>>[vector<16xi32>], vector<16xf32>,
      %mul3A_39 = arith.constant 80 : i32
      %mul3A_40 = arith.muli %scan3A_19, %mul3A_39 : i32
      %add3A_41 = arith.constant 48 : i32
      %add3A_42 = arith.addi %mul3A_40, %add3A_41 : i32
      %multiple_of3A_43 = tpu.assume_multiple %add3A_42, 16 : i32
      %get3A_44 = arith.index_cast %multiple_of3A_43 : i32 to index
      %get3A_45 = tpu.vector_load %arg5[%get3A_44] {strides = array<i32>} : memref<10000xi32, #tpu.memory_space<vmem>>, vector<16xi32>,
      tpu.vector_store_idx %arg6[%get3A_45], %broadcast_in_dim3A_3 {add = true} : memref<20000xf32, #tpu.memory_space<vmem>>[vector<16xi32>], vector<16xf32>,
      %mul3A_46 = arith.constant 80 : i32
      %mul3A_47 = arith.muli %scan3A_19, %mul3A_46 : i32
      %add3A_48 = arith.constant 64 : i32
      %add3A_49 = arith.addi %mul3A_47, %add3A_48 : i32
      %multiple_of3A_50 = tpu.assume_multiple %add3A_49, 16 : i32
      %get3A_51 = arith.index_cast %multiple_of3A_50 : i32 to index
      %get3A_52 = tpu.vector_load %arg5[%get3A_51] {strides = array<i32>} : memref<10000xi32, #tpu.memory_space<vmem>>, vector<16xi32>,
      tpu.vector_store_idx %arg6[%get3A_52], %broadcast_in_dim3A_3 {add = true} : memref<20000xf32, #tpu.memory_space<vmem>>[vector<16xi32>], vector<16xf32>,
    }
    %scan3A_9 = arith.constant 125 : i32
    %run_scoped3A_10 = arith.constant 1 : i32
    %run_scoped3A_11 = arith.constant 0 : i32
    "tpu.region"() ({
      %run_scoped3A_19 = tpu.sem_alloc : memref<!tpu.dma_semaphore, #tpu.memory_space<semaphore_mem>>
      %dma_start3A = arith.constant 0 : i32
      %dma_start3A_20 = tpu.memref_slice %arg2[%run_scoped3A_10, %add3A, %run_scoped3A_11, %dma_start3A] : memref<2x32x1x10000xi32, #tpu.memory_space<hbm>> -> memref<1x1x1x10000xi32, #tpu.memory_space<hbm>>
      %dma_start3A_21 = tpu.memref_squeeze %dma_start3A_20 : memref<1x1x1x10000xi32, #tpu.memory_space<hbm>> -> memref<10000xi32, #tpu.memory_space<hbm>>
      %dma_start3A_22 = arith.constant 0 : i32
      %dma_start3A_23 = tpu.memref_slice %arg2[%run_scoped3A_10, %add3A, %run_scoped3A_11, %dma_start3A_22] : memref<2x32x1x10000xi32, #tpu.memory_space<hbm>> -> memref<1x1x1x10000xi32, #tpu.memory_space<hbm>>
      %dma_start3A_24 = tpu.memref_squeeze %dma_start3A_23 : memref<1x1x1x10000xi32, #tpu.memory_space<hbm>> -> memref<10000xi32, #tpu.memory_space<hbm>>
      tpu.enqueue_dma source(%dma_start3A_24 : memref<10000xi32, #tpu.memory_space<hbm>>) target(%arg5 : memref<10000xi32, #tpu.memory_space<vmem>>) target_semaphore(%run_scoped3A_19 : memref<!tpu.dma_semaphore, #tpu.memory_space<semaphore_mem>>)
      %dma_wait3A = arith.constant 0 : i32
      %dma_wait3A_25 = tpu.memref_slice %arg2[%run_scoped3A_10, %add3A, %run_scoped3A_11, %dma_wait3A] : memref<2x32x1x10000xi32, #tpu.memory_space<hbm>> -> memref<1x1x1x10000xi32, #tpu.memory_space<hbm>>
      %dma_wait3A_26 = tpu.memref_squeeze %dma_wait3A_25 : memref<1x1x1x10000xi32, #tpu.memory_space<hbm>> -> memref<10000xi32, #tpu.memory_space<hbm>>
      %dma_wait3A_27 = arith.constant 0 : i32
      %dma_wait3A_28 = tpu.memref_slice %arg2[%run_scoped3A_10, %add3A, %run_scoped3A_11, %dma_wait3A_27] : memref<2x32x1x10000xi32, #tpu.memory_space<hbm>> -> memref<1x1x1x10000xi32, #tpu.memory_space<hbm>>
      %dma_wait3A_29 = tpu.memref_squeeze %dma_wait3A_28 : memref<1x1x1x10000xi32, #tpu.memory_space<hbm>> -> memref<10000xi32, #tpu.memory_space<hbm>>
      tpu.wait_dma2 semaphore(%run_scoped3A_19 : memref<!tpu.dma_semaphore, #tpu.memory_space<semaphore_mem>>) src(%dma_wait3A_29 : memref<10000xi32, #tpu.memory_space<hbm>>) dst(%arg5 : memref<10000xi32, #tpu.memory_space<vmem>>)
      tpu.yield
    }) : () -> ()
    %scan3A_12 = arith.constant 0 : i32
    %scan3A_13 = arith.constant 0 : i32
    %scan3A_14 = arith.constant 125 : i32
    %scan3A_15 = arith.addi %scan3A_13, %scan3A_14 : i32
    %scan3A_16 = arith.constant 1 : i32
    scf.for %scan3A_19 = %scan3A_13 to %scan3A_15 step %scan3A_16  : i32 {
      %mul3A_20 = arith.constant 80 : i32
      %mul3A_21 = arith.muli %scan3A_19, %mul3A_20 : i32
      %add3A_22 = arith.constant 0 : i32
      %add3A_23 = arith.addi %mul3A_21, %add3A_22 : i32
      %multiple_of3A = tpu.assume_multiple %add3A_23, 16 : i32
      %get3A = arith.index_cast %multiple_of3A : i32 to index
      %get3A_24 = tpu.vector_load %arg5[%get3A] {strides = array<i32>} : memref<10000xi32, #tpu.memory_space<vmem>>, vector<16xi32>,
      %add3A_25 = arith.addi %get3A_24, %broadcast_in_dim3A_1 : vector<16xi32>
      tpu.vector_store_idx %arg6[%add3A_25], %broadcast_in_dim3A_3 {add = true} : memref<20000xf32, #tpu.memory_space<vmem>>[vector<16xi32>], vector<16xf32>,
      %mul3A_26 = arith.constant 80 : i32
      %mul3A_27 = arith.muli %scan3A_19, %mul3A_26 : i32
      %add3A_28 = arith.constant 16 : i32
      %add3A_29 = arith.addi %mul3A_27, %add3A_28 : i32
      %multiple_of3A_30 = tpu.assume_multiple %add3A_29, 16 : i32
      %get3A_31 = arith.index_cast %multiple_of3A_30 : i32 to index
      %get3A_32 = tpu.vector_load %arg5[%get3A_31] {strides = array<i32>} : memref<10000xi32, #tpu.memory_space<vmem>>, vector<16xi32>,
      %add3A_33 = arith.addi %get3A_32, %broadcast_in_dim3A_1 : vector<16xi32>
      tpu.vector_store_idx %arg6[%add3A_33], %broadcast_in_dim3A_3 {add = true} : memref<20000xf32, #tpu.memory_space<vmem>>[vector<16xi32>], vector<16xf32>,
      %mul3A_34 = arith.constant 80 : i32
      %mul3A_35 = arith.muli %scan3A_19, %mul3A_34 : i32
      %add3A_36 = arith.constant 32 : i32
      %add3A_37 = arith.addi %mul3A_35, %add3A_36 : i32
      %multiple_of3A_38 = tpu.assume_multiple %add3A_37, 16 : i32
      %get3A_39 = arith.index_cast %multiple_of3A_38 : i32 to index
      %get3A_40 = tpu.vector_load %arg5[%get3A_39] {strides = array<i32>} : memref<10000xi32, #tpu.memory_space<vmem>>, vector<16xi32>,
      %add3A_41 = arith.addi %get3A_40, %broadcast_in_dim3A_1 : vector<16xi32>
      tpu.vector_store_idx %arg6[%add3A_41], %broadcast_in_dim3A_3 {add = true} : memref<20000xf32, #tpu.memory_space<vmem>>[vector<16xi32>], vector<16xf32>,
      %mul3A_42 = arith.constant 80 : i32
      %mul3A_43 = arith.muli %scan3A_19, %mul3A_42 : i32
      %add3A_44 = arith.constant 48 : i32
      %add3A_45 = arith.addi %mul3A_43, %add3A_44 : i32
      %multiple_of3A_46 = tpu.assume_multiple %add3A_45, 16 : i32
      %get3A_47 = arith.index_cast %multiple_of3A_46 : i32 to index
      %get3A_48 = tpu.vector_load %arg5[%get3A_47] {strides = array<i32>} : memref<10000xi32, #tpu.memory_space<vmem>>, vector<16xi32>,
      %add3A_49 = arith.addi %get3A_48, %broadcast_in_dim3A_1 : vector<16xi32>
      tpu.vector_store_idx %arg6[%add3A_49], %broadcast_in_dim3A_3 {add = true} : memref<20000xf32, #tpu.memory_space<vmem>>[vector<16xi32>], vector<16xf32>,
      %mul3A_50 = arith.constant 80 : i32
      %mul3A_51 = arith.muli %scan3A_19, %mul3A_50 : i32
      %add3A_52 = arith.constant 64 : i32
      %add3A_53 = arith.addi %mul3A_51, %add3A_52 : i32
      %multiple_of3A_54 = tpu.assume_multiple %add3A_53, 16 : i32
      %get3A_55 = arith.index_cast %multiple_of3A_54 : i32 to index
      %get3A_56 = tpu.vector_load %arg5[%get3A_55] {strides = array<i32>} : memref<10000xi32, #tpu.memory_space<vmem>>, vector<16xi32>,
      %add3A_57 = arith.addi %get3A_56, %broadcast_in_dim3A_1 : vector<16xi32>
      tpu.vector_store_idx %arg6[%add3A_57], %broadcast_in_dim3A_3 {add = true} : memref<20000xf32, #tpu.memory_space<vmem>>[vector<16xi32>], vector<16xf32>,
    }
    %scan3A_17 = arith.constant 125 : i32
    %run_scoped3A_18 = arith.constant 0 : i32
    "tpu.region"() ({
      %run_scoped3A_19 = tpu.sem_alloc : memref<!tpu.dma_semaphore, #tpu.memory_space<semaphore_mem>>
      %dma_start3A = arith.constant 0 : i32
      %dma_start3A_20 = tpu.memref_slice %arg4[%arg0, %arg1, %run_scoped3A_18, %dma_start3A] : memref<2x16x1x20000xf32, #tpu.memory_space<hbm>> -> memref<1x1x1x20000xf32, #tpu.memory_space<hbm>>
      %dma_start3A_21 = tpu.memref_squeeze %dma_start3A_20 : memref<1x1x1x20000xf32, #tpu.memory_space<hbm>> -> memref<20000xf32, #tpu.memory_space<hbm>>
      %dma_start3A_22 = arith.constant 0 : i32
      %dma_start3A_23 = tpu.memref_slice %arg4[%arg0, %arg1, %run_scoped3A_18, %dma_start3A_22] : memref<2x16x1x20000xf32, #tpu.memory_space<hbm>> -> memref<1x1x1x20000xf32, #tpu.memory_space<hbm>>
      %dma_start3A_24 = tpu.memref_squeeze %dma_start3A_23 : memref<1x1x1x20000xf32, #tpu.memory_space<hbm>> -> memref<20000xf32, #tpu.memory_space<hbm>>
      tpu.enqueue_dma source(%arg6 : memref<20000xf32, #tpu.memory_space<vmem>>) target(%dma_start3A_24 : memref<20000xf32, #tpu.memory_space<hbm>>) target_semaphore(%run_scoped3A_19 : memref<!tpu.dma_semaphore, #tpu.memory_space<semaphore_mem>>)
      %dma_wait3A = arith.constant 0 : i32
      %dma_wait3A_25 = tpu.memref_slice %arg4[%arg0, %arg1, %run_scoped3A_18, %dma_wait3A] : memref<2x16x1x20000xf32, #tpu.memory_space<hbm>> -> memref<1x1x1x20000xf32, #tpu.memory_space<hbm>>
      %dma_wait3A_26 = tpu.memref_squeeze %dma_wait3A_25 : memref<1x1x1x20000xf32, #tpu.memory_space<hbm>> -> memref<20000xf32, #tpu.memory_space<hbm>>
      %dma_wait3A_27 = arith.constant 0 : i32
      %dma_wait3A_28 = tpu.memref_slice %arg4[%arg0, %arg1, %run_scoped3A_18, %dma_wait3A_27] : memref<2x16x1x20000xf32, #tpu.memory_space<hbm>> -> memref<1x1x1x20000xf32, #tpu.memory_space<hbm>>
      %dma_wait3A_29 = tpu.memref_squeeze %dma_wait3A_28 : memref<1x1x1x20000xf32, #tpu.memory_space<hbm>> -> memref<20000xf32, #tpu.memory_space<hbm>>
      tpu.wait_dma2 semaphore(%run_scoped3A_19 : memref<!tpu.dma_semaphore, #tpu.memory_space<semaphore_mem>>) src(%arg6 : memref<20000xf32, #tpu.memory_space<vmem>>) dst(%dma_wait3A_29 : memref<20000xf32, #tpu.memory_space<hbm>>)
      tpu.yield
    }) : () -> ()
    return
  }
}

#map = affine_map<(d0, d1) -> (0, 0)>
#map1 = affine_map<(d0, d1) -> (0, 0, 0, 0)>
#map2 = affine_map<(d0, d1) -> (0, 0, 0)>
module attributes {stable_mosaic.version = 14 : i64} {
  func.func @agg_kernel(%arg0: i32, %arg1: i32, %arg2: memref<10000x128xf32, #tpu.memory_space<hbm>>, %arg3: memref<2x32x1x10000xi32, #tpu.memory_space<hbm>>, %arg4: memref<2x4000x1x80xi32, #tpu.memory_space<hbm>>, %arg5: memref<632x128xf32, #tpu.memory_space<hbm>>, %arg6: memref<2x10112x128xf32, #tpu.memory_space<hbm>>, %arg7: memref<10000xi32, #tpu.memory_space<vmem>>, %arg8: memref<80xi32, #tpu.memory_space<vmem>>, %arg9: memref<80xi32, #tpu.memory_space<vmem>>, %arg10: memref<80xi32, #tpu.memory_space<vmem>>, %arg11: memref<80x128xf32, #tpu.memory_space<vmem>>, %arg12: memref<80x128xf32, #tpu.memory_space<vmem>>, %arg13: memref<80x128xf32, #tpu.memory_space<vmem>>, %arg14: memref<!tpu.dma_semaphore, #tpu.memory_space<semaphore_mem>>, %arg15: memref<!tpu.dma_semaphore, #tpu.memory_space<semaphore_mem>>, %arg16: memref<!tpu.dma_semaphore, #tpu.memory_space<semaphore_mem>>, %arg17: memref<!tpu.dma_semaphore, #tpu.memory_space<semaphore_mem>>, %arg18: memref<!tpu.dma_semaphore, #tpu.memory_space<semaphore_mem>>, %arg19: memref<!tpu.dma_semaphore, #tpu.memory_space<semaphore_mem>>, %arg20: memref<!tpu.dma_semaphore, #tpu.memory_space<semaphore_mem>>, %arg21: memref<!tpu.dma_semaphore, #tpu.memory_space<semaphore_mem>>, %arg22: memref<!tpu.dma_semaphore, #tpu.memory_space<semaphore_mem>>, %arg23: memref<10112x128xf32, #tpu.memory_space<vmem_shared>>) attributes {dimension_semantics = [#tpu.dimension_semantics<core_parallel>, #tpu.dimension_semantics<subcore_parallel>], iteration_bounds = array<i64: 2, 16>, scalar_prefetch = 0 : i64, scratch_operands = 17 : i64, tpu.core_type = #tpu.core_type<sc_vector_subcore>, window_params = [{transform_indices = #map}, {transform_indices = #map1}, {transform_indices = #map1}, {transform_indices = #map}, {transform_indices = #map2}]} {
    %mul3A = arith.constant 2 : i32
    %mul3A_0 = arith.muli %arg1, %mul3A : i32
    %add3A = arith.addi %mul3A_0, %arg0 : i32
    %mul3A_1 = arith.constant 632 : i32
    %mul3A_2 = arith.muli %arg1, %mul3A_1 : i32
    "tpu.region"() ({
      %run_scoped3A_193 = tpu.sem_alloc : memref<!tpu.dma_semaphore, #tpu.memory_space<semaphore_mem>>
      %dma_start3A_194 = arith.constant 0 : i32
      %dma_start3A_195 = tpu.memref_slice %arg23[%mul3A_2, %dma_start3A_194] : memref<10112x128xf32, #tpu.memory_space<vmem_shared>> -> memref<632x128xf32, #tpu.memory_space<vmem_shared>>
      tpu.enqueue_dma source(%arg5 : memref<632x128xf32, #tpu.memory_space<hbm>>) target(%dma_start3A_195 : memref<632x128xf32, #tpu.memory_space<vmem_shared>>) target_semaphore(%run_scoped3A_193 : memref<!tpu.dma_semaphore, #tpu.memory_space<semaphore_mem>>)
      %dma_wait3A_196 = arith.constant 0 : i32
      %dma_wait3A_197 = tpu.memref_slice %arg23[%mul3A_2, %dma_wait3A_196] : memref<10112x128xf32, #tpu.memory_space<vmem_shared>> -> memref<632x128xf32, #tpu.memory_space<vmem_shared>>
      tpu.wait_dma2 semaphore(%run_scoped3A_193 : memref<!tpu.dma_semaphore, #tpu.memory_space<semaphore_mem>>) src(%arg5 : memref<632x128xf32, #tpu.memory_space<hbm>>) dst(%dma_wait3A_197 : memref<632x128xf32, #tpu.memory_space<vmem_shared>>)
      tpu.yield
    }) : () -> ()
    %run_scoped3A = arith.constant 0 : i32
    %run_scoped3A_3 = arith.constant 0 : i32
    "tpu.region"() ({
      %run_scoped3A_193 = tpu.sem_alloc : memref<!tpu.dma_semaphore, #tpu.memory_space<semaphore_mem>>
      %dma_start3A_194 = arith.constant 0 : i32
      %dma_start3A_195 = tpu.memref_slice %arg3[%run_scoped3A, %add3A, %run_scoped3A_3, %dma_start3A_194] : memref<2x32x1x10000xi32, #tpu.memory_space<hbm>> -> memref<1x1x1x10000xi32, #tpu.memory_space<hbm>>
      %dma_start3A_196 = tpu.memref_squeeze %dma_start3A_195 : memref<1x1x1x10000xi32, #tpu.memory_space<hbm>> -> memref<10000xi32, #tpu.memory_space<hbm>>
      %dma_start3A_197 = arith.constant 0 : i32
      %dma_start3A_198 = tpu.memref_slice %arg3[%run_scoped3A, %add3A, %run_scoped3A_3, %dma_start3A_197] : memref<2x32x1x10000xi32, #tpu.memory_space<hbm>> -> memref<1x1x1x10000xi32, #tpu.memory_space<hbm>>
      %dma_start3A_199 = tpu.memref_squeeze %dma_start3A_198 : memref<1x1x1x10000xi32, #tpu.memory_space<hbm>> -> memref<10000xi32, #tpu.memory_space<hbm>>
      tpu.enqueue_dma source(%dma_start3A_199 : memref<10000xi32, #tpu.memory_space<hbm>>) target(%arg7 : memref<10000xi32, #tpu.memory_space<vmem>>) target_semaphore(%run_scoped3A_193 : memref<!tpu.dma_semaphore, #tpu.memory_space<semaphore_mem>>)
      %dma_wait3A_200 = arith.constant 0 : i32
      %dma_wait3A_201 = tpu.memref_slice %arg3[%run_scoped3A, %add3A, %run_scoped3A_3, %dma_wait3A_200] : memref<2x32x1x10000xi32, #tpu.memory_space<hbm>> -> memref<1x1x1x10000xi32, #tpu.memory_space<hbm>>
      %dma_wait3A_202 = tpu.memref_squeeze %dma_wait3A_201 : memref<1x1x1x10000xi32, #tpu.memory_space<hbm>> -> memref<10000xi32, #tpu.memory_space<hbm>>
      %dma_wait3A_203 = arith.constant 0 : i32
      %dma_wait3A_204 = tpu.memref_slice %arg3[%run_scoped3A, %add3A, %run_scoped3A_3, %dma_wait3A_203] : memref<2x32x1x10000xi32, #tpu.memory_space<hbm>> -> memref<1x1x1x10000xi32, #tpu.memory_space<hbm>>
      %dma_wait3A_205 = tpu.memref_squeeze %dma_wait3A_204 : memref<1x1x1x10000xi32, #tpu.memory_space<hbm>> -> memref<10000xi32, #tpu.memory_space<hbm>>
      tpu.wait_dma2 semaphore(%run_scoped3A_193 : memref<!tpu.dma_semaphore, #tpu.memory_space<semaphore_mem>>) src(%dma_wait3A_205 : memref<10000xi32, #tpu.memory_space<hbm>>) dst(%arg7 : memref<10000xi32, #tpu.memory_space<vmem>>)
      tpu.yield
    }) : () -> ()
    %barrier3A = arith.constant 0 : index
    tpu.barrier barrier_id(%barrier3A)
    %mul3A_4 = arith.constant 125 : i32
    %mul3A_5 = arith.muli %add3A, %mul3A_4 : i32
    %add3A_6 = arith.constant 0 : i32
    %add3A_7 = arith.addi %mul3A_5, %add3A_6 : i32
    %dma_start3A = arith.constant 1 : i32
    %dma_start3A_8 = arith.constant 0 : i32
    %dma_start3A_9 = arith.constant 0 : i32
    %dma_start3A_10 = tpu.memref_slice %arg4[%dma_start3A, %add3A_7, %dma_start3A_8, %dma_start3A_9] : memref<2x4000x1x80xi32, #tpu.memory_space<hbm>> -> memref<1x1x1x80xi32, #tpu.memory_space<hbm>>
    %dma_start3A_11 = tpu.memref_squeeze %dma_start3A_10 : memref<1x1x1x80xi32, #tpu.memory_space<hbm>> -> memref<80xi32, #tpu.memory_space<hbm>>
    %dma_start3A_12 = arith.constant 0 : i32
    %dma_start3A_13 = tpu.memref_slice %arg4[%dma_start3A, %add3A_7, %dma_start3A_8, %dma_start3A_12] : memref<2x4000x1x80xi32, #tpu.memory_space<hbm>> -> memref<1x1x1x80xi32, #tpu.memory_space<hbm>>
    %dma_start3A_14 = tpu.memref_squeeze %dma_start3A_13 : memref<1x1x1x80xi32, #tpu.memory_space<hbm>> -> memref<80xi32, #tpu.memory_space<hbm>>
    tpu.enqueue_dma source(%dma_start3A_14 : memref<80xi32, #tpu.memory_space<hbm>>) target(%arg8 : memref<80xi32, #tpu.memory_space<vmem>>) target_semaphore(%arg17 : memref<!tpu.dma_semaphore, #tpu.memory_space<semaphore_mem>>)
    %multiple_of3A = arith.constant 0 : i32
    %multiple_of3A_15 = tpu.assume_multiple %multiple_of3A, 16 : i32
    %dma_start3A_16 = tpu.memref_slice %arg7[%multiple_of3A_15] : memref<10000xi32, #tpu.memory_space<vmem>> -> memref<80xi32, #tpu.memory_space<vmem>>
    %dma_start3A_17 = arith.constant 0 : i32
    %dma_start3A_18 = arith.constant 0 : i32
    %dma_start3A_19 = tpu.memref_slice %arg2[%dma_start3A_17, %dma_start3A_18] : memref<10000x128xf32, #tpu.memory_space<hbm>> -> memref<10000x128xf32, #tpu.memory_space<hbm>>
    tpu.enqueue_indirect_dma source(%dma_start3A_19 : memref<10000x128xf32, #tpu.memory_space<hbm>>) target(%arg11 : memref<80x128xf32, #tpu.memory_space<vmem>>) offsets(%dma_start3A_16 : memref<80xi32, #tpu.memory_space<vmem>>) semaphore(%arg14 : memref<!tpu.dma_semaphore, #tpu.memory_space<semaphore_mem>>)
    %add3A_20 = arith.constant 1 : i32
    %add3A_21 = arith.addi %mul3A_5, %add3A_20 : i32
    %dma_start3A_22 = arith.constant 1 : i32
    %dma_start3A_23 = arith.constant 0 : i32
    %dma_start3A_24 = arith.constant 0 : i32
    %dma_start3A_25 = tpu.memref_slice %arg4[%dma_start3A_22, %add3A_21, %dma_start3A_23, %dma_start3A_24] : memref<2x4000x1x80xi32, #tpu.memory_space<hbm>> -> memref<1x1x1x80xi32, #tpu.memory_space<hbm>>
    %dma_start3A_26 = tpu.memref_squeeze %dma_start3A_25 : memref<1x1x1x80xi32, #tpu.memory_space<hbm>> -> memref<80xi32, #tpu.memory_space<hbm>>
    %dma_start3A_27 = arith.constant 0 : i32
    %dma_start3A_28 = tpu.memref_slice %arg4[%dma_start3A_22, %add3A_21, %dma_start3A_23, %dma_start3A_27] : memref<2x4000x1x80xi32, #tpu.memory_space<hbm>> -> memref<1x1x1x80xi32, #tpu.memory_space<hbm>>
    %dma_start3A_29 = tpu.memref_squeeze %dma_start3A_28 : memref<1x1x1x80xi32, #tpu.memory_space<hbm>> -> memref<80xi32, #tpu.memory_space<hbm>>
    tpu.enqueue_dma source(%dma_start3A_29 : memref<80xi32, #tpu.memory_space<hbm>>) target(%arg9 : memref<80xi32, #tpu.memory_space<vmem>>) target_semaphore(%arg18 : memref<!tpu.dma_semaphore, #tpu.memory_space<semaphore_mem>>)
    %multiple_of3A_30 = arith.constant 80 : i32
    %multiple_of3A_31 = tpu.assume_multiple %multiple_of3A_30, 16 : i32
    %dma_start3A_32 = tpu.memref_slice %arg7[%multiple_of3A_31] : memref<10000xi32, #tpu.memory_space<vmem>> -> memref<80xi32, #tpu.memory_space<vmem>>
    %dma_start3A_33 = arith.constant 0 : i32
    %dma_start3A_34 = arith.constant 0 : i32
    %dma_start3A_35 = tpu.memref_slice %arg2[%dma_start3A_33, %dma_start3A_34] : memref<10000x128xf32, #tpu.memory_space<hbm>> -> memref<10000x128xf32, #tpu.memory_space<hbm>>
    tpu.enqueue_indirect_dma source(%dma_start3A_35 : memref<10000x128xf32, #tpu.memory_space<hbm>>) target(%arg12 : memref<80x128xf32, #tpu.memory_space<vmem>>) offsets(%dma_start3A_32 : memref<80xi32, #tpu.memory_space<vmem>>) semaphore(%arg15 : memref<!tpu.dma_semaphore, #tpu.memory_space<semaphore_mem>>)
    %multiple_of3A_36 = arith.constant 0 : i32
    %multiple_of3A_37 = tpu.assume_multiple %multiple_of3A_36, 16 : i32
    %dma_wait3A = tpu.memref_slice %arg7[%multiple_of3A_37] : memref<10000xi32, #tpu.memory_space<vmem>> -> memref<80xi32, #tpu.memory_space<vmem>>
    %dma_wait3A_38 = arith.constant 0 : i32
    %dma_wait3A_39 = arith.constant 0 : i32
    %dma_wait3A_40 = tpu.memref_slice %arg2[%dma_wait3A_38, %dma_wait3A_39] : memref<10000x128xf32, #tpu.memory_space<hbm>> -> memref<10000x128xf32, #tpu.memory_space<hbm>>
    tpu.wait_indirect_dma semaphore(%arg14 : memref<!tpu.dma_semaphore, #tpu.memory_space<semaphore_mem>>) src(%dma_wait3A_40 : memref<10000x128xf32, #tpu.memory_space<hbm>>) dst(%arg11 : memref<80x128xf32, #tpu.memory_space<vmem>>)
    %dma_wait3A_41 = arith.constant 1 : i32
    %dma_wait3A_42 = arith.constant 0 : i32
    %dma_wait3A_43 = arith.constant 0 : i32
    %dma_wait3A_44 = tpu.memref_slice %arg4[%dma_wait3A_41, %mul3A_5, %dma_wait3A_42, %dma_wait3A_43] : memref<2x4000x1x80xi32, #tpu.memory_space<hbm>> -> memref<1x1x1x80xi32, #tpu.memory_space<hbm>>
    %dma_wait3A_45 = tpu.memref_squeeze %dma_wait3A_44 : memref<1x1x1x80xi32, #tpu.memory_space<hbm>> -> memref<80xi32, #tpu.memory_space<hbm>>
    %dma_wait3A_46 = arith.constant 0 : i32
    %dma_wait3A_47 = tpu.memref_slice %arg4[%dma_wait3A_41, %mul3A_5, %dma_wait3A_42, %dma_wait3A_46] : memref<2x4000x1x80xi32, #tpu.memory_space<hbm>> -> memref<1x1x1x80xi32, #tpu.memory_space<hbm>>
    %dma_wait3A_48 = tpu.memref_squeeze %dma_wait3A_47 : memref<1x1x1x80xi32, #tpu.memory_space<hbm>> -> memref<80xi32, #tpu.memory_space<hbm>>
    tpu.wait_dma2 semaphore(%arg17 : memref<!tpu.dma_semaphore, #tpu.memory_space<semaphore_mem>>) src(%dma_wait3A_48 : memref<80xi32, #tpu.memory_space<hbm>>) dst(%arg8 : memref<80xi32, #tpu.memory_space<vmem>>)
    %dma_start3A_49 = arith.constant 0 : i32
    %dma_start3A_50 = arith.constant 0 : i32
    %dma_start3A_51 = tpu.memref_slice %arg23[%dma_start3A_49, %dma_start3A_50] : memref<10112x128xf32, #tpu.memory_space<vmem_shared>> -> memref<10112x128xf32, #tpu.memory_space<vmem_shared>>
    tpu.enqueue_indirect_dma source(%arg11 : memref<80x128xf32, #tpu.memory_space<vmem>>) target(%dma_start3A_51 : memref<10112x128xf32, #tpu.memory_space<vmem_shared>>) offsets(%arg8 : memref<80xi32, #tpu.memory_space<vmem>>) semaphore(%arg20 : memref<!tpu.dma_semaphore, #tpu.memory_space<semaphore_mem>>) {add = true}
    %add3A_52 = arith.constant 2 : i32
    %add3A_53 = arith.addi %mul3A_5, %add3A_52 : i32
    %dma_start3A_54 = arith.constant 1 : i32
    %dma_start3A_55 = arith.constant 0 : i32
    %dma_start3A_56 = arith.constant 0 : i32
    %dma_start3A_57 = tpu.memref_slice %arg4[%dma_start3A_54, %add3A_53, %dma_start3A_55, %dma_start3A_56] : memref<2x4000x1x80xi32, #tpu.memory_space<hbm>> -> memref<1x1x1x80xi32, #tpu.memory_space<hbm>>
    %dma_start3A_58 = tpu.memref_squeeze %dma_start3A_57 : memref<1x1x1x80xi32, #tpu.memory_space<hbm>> -> memref<80xi32, #tpu.memory_space<hbm>>
    %dma_start3A_59 = arith.constant 0 : i32
    %dma_start3A_60 = tpu.memref_slice %arg4[%dma_start3A_54, %add3A_53, %dma_start3A_55, %dma_start3A_59] : memref<2x4000x1x80xi32, #tpu.memory_space<hbm>> -> memref<1x1x1x80xi32, #tpu.memory_space<hbm>>
    %dma_start3A_61 = tpu.memref_squeeze %dma_start3A_60 : memref<1x1x1x80xi32, #tpu.memory_space<hbm>> -> memref<80xi32, #tpu.memory_space<hbm>>
    tpu.enqueue_dma source(%dma_start3A_61 : memref<80xi32, #tpu.memory_space<hbm>>) target(%arg10 : memref<80xi32, #tpu.memory_space<vmem>>) target_semaphore(%arg19 : memref<!tpu.dma_semaphore, #tpu.memory_space<semaphore_mem>>)
    %multiple_of3A_62 = arith.constant 160 : i32
    %multiple_of3A_63 = tpu.assume_multiple %multiple_of3A_62, 16 : i32
    %dma_start3A_64 = tpu.memref_slice %arg7[%multiple_of3A_63] : memref<10000xi32, #tpu.memory_space<vmem>> -> memref<80xi32, #tpu.memory_space<vmem>>
    %dma_start3A_65 = arith.constant 0 : i32
    %dma_start3A_66 = arith.constant 0 : i32
    %dma_start3A_67 = tpu.memref_slice %arg2[%dma_start3A_65, %dma_start3A_66] : memref<10000x128xf32, #tpu.memory_space<hbm>> -> memref<10000x128xf32, #tpu.memory_space<hbm>>
    tpu.enqueue_indirect_dma source(%dma_start3A_67 : memref<10000x128xf32, #tpu.memory_space<hbm>>) target(%arg13 : memref<80x128xf32, #tpu.memory_space<vmem>>) offsets(%dma_start3A_64 : memref<80xi32, #tpu.memory_space<vmem>>) semaphore(%arg16 : memref<!tpu.dma_semaphore, #tpu.memory_space<semaphore_mem>>)
    %multiple_of3A_68 = arith.constant 0 : i32
    %multiple_of3A_69 = tpu.assume_multiple %multiple_of3A_68, 16 : i32
    %dma_wait3A_70 = tpu.memref_slice %arg7[%multiple_of3A_69] : memref<10000xi32, #tpu.memory_space<vmem>> -> memref<80xi32, #tpu.memory_space<vmem>>
    %dma_wait3A_71 = arith.constant 0 : i32
    %dma_wait3A_72 = arith.constant 0 : i32
    %dma_wait3A_73 = tpu.memref_slice %arg2[%dma_wait3A_71, %dma_wait3A_72] : memref<10000x128xf32, #tpu.memory_space<hbm>> -> memref<10000x128xf32, #tpu.memory_space<hbm>>
    tpu.wait_indirect_dma semaphore(%arg15 : memref<!tpu.dma_semaphore, #tpu.memory_space<semaphore_mem>>) src(%dma_wait3A_73 : memref<10000x128xf32, #tpu.memory_space<hbm>>) dst(%arg12 : memref<80x128xf32, #tpu.memory_space<vmem>>)
    %dma_wait3A_74 = arith.constant 1 : i32
    %dma_wait3A_75 = arith.constant 0 : i32
    %dma_wait3A_76 = arith.constant 0 : i32
    %dma_wait3A_77 = tpu.memref_slice %arg4[%dma_wait3A_74, %mul3A_5, %dma_wait3A_75, %dma_wait3A_76] : memref<2x4000x1x80xi32, #tpu.memory_space<hbm>> -> memref<1x1x1x80xi32, #tpu.memory_space<hbm>>
    %dma_wait3A_78 = tpu.memref_squeeze %dma_wait3A_77 : memref<1x1x1x80xi32, #tpu.memory_space<hbm>> -> memref<80xi32, #tpu.memory_space<hbm>>
    %dma_wait3A_79 = arith.constant 0 : i32
    %dma_wait3A_80 = tpu.memref_slice %arg4[%dma_wait3A_74, %mul3A_5, %dma_wait3A_75, %dma_wait3A_79] : memref<2x4000x1x80xi32, #tpu.memory_space<hbm>> -> memref<1x1x1x80xi32, #tpu.memory_space<hbm>>
    %dma_wait3A_81 = tpu.memref_squeeze %dma_wait3A_80 : memref<1x1x1x80xi32, #tpu.memory_space<hbm>> -> memref<80xi32, #tpu.memory_space<hbm>>
    tpu.wait_dma2 semaphore(%arg18 : memref<!tpu.dma_semaphore, #tpu.memory_space<semaphore_mem>>) src(%dma_wait3A_81 : memref<80xi32, #tpu.memory_space<hbm>>) dst(%arg9 : memref<80xi32, #tpu.memory_space<vmem>>)
    %dma_start3A_82 = arith.constant 0 : i32
    %dma_start3A_83 = arith.constant 0 : i32
    %dma_start3A_84 = tpu.memref_slice %arg23[%dma_start3A_82, %dma_start3A_83] : memref<10112x128xf32, #tpu.memory_space<vmem_shared>> -> memref<10112x128xf32, #tpu.memory_space<vmem_shared>>
    tpu.enqueue_indirect_dma source(%arg12 : memref<80x128xf32, #tpu.memory_space<vmem>>) target(%dma_start3A_84 : memref<10112x128xf32, #tpu.memory_space<vmem_shared>>) offsets(%arg9 : memref<80xi32, #tpu.memory_space<vmem>>) semaphore(%arg21 : memref<!tpu.dma_semaphore, #tpu.memory_space<semaphore_mem>>) {add = true}
    %scan3A = arith.constant 0 : i32
    %scan3A_85 = arith.constant 0 : i32
    %scan3A_86 = arith.constant 40 : i32
    %scan3A_87 = arith.addi %scan3A_85, %scan3A_86 : i32
    %scan3A_88 = arith.constant 1 : i32
    scf.for %scan3A_193 = %scan3A_85 to %scan3A_87 step %scan3A_88  : i32 {
      %mul3A_194 = arith.constant 3 : i32
      %mul3A_195 = arith.muli %scan3A_193, %mul3A_194 : i32
      %add3A_196 = arith.constant 2 : i32
      %add3A_197 = arith.addi %add3A_196, %mul3A_195 : i32
      %dma_wait3A_198 = arith.constant 0 : i32
      %dma_wait3A_199 = arith.constant 0 : i32
      %dma_wait3A_200 = tpu.memref_slice %arg23[%dma_wait3A_198, %dma_wait3A_199] : memref<10112x128xf32, #tpu.memory_space<vmem_shared>> -> memref<10112x128xf32, #tpu.memory_space<vmem_shared>>
      tpu.wait_indirect_dma semaphore(%arg20 : memref<!tpu.dma_semaphore, #tpu.memory_space<semaphore_mem>>) src(%arg11 : memref<80x128xf32, #tpu.memory_space<vmem>>) dst(%dma_wait3A_200 : memref<10112x128xf32, #tpu.memory_space<vmem_shared>>)
      %add3A_201 = arith.constant 1 : i32
      %add3A_202 = arith.addi %add3A_197, %add3A_201 : i32
      %add3A_203 = arith.addi %mul3A_5, %add3A_202 : i32
      %dma_start3A_204 = arith.constant 1 : i32
      %dma_start3A_205 = arith.constant 0 : i32
      %dma_start3A_206 = arith.constant 0 : i32
      %dma_start3A_207 = tpu.memref_slice %arg4[%dma_start3A_204, %add3A_203, %dma_start3A_205, %dma_start3A_206] : memref<2x4000x1x80xi32, #tpu.memory_space<hbm>> -> memref<1x1x1x80xi32, #tpu.memory_space<hbm>>
      %dma_start3A_208 = tpu.memref_squeeze %dma_start3A_207 : memref<1x1x1x80xi32, #tpu.memory_space<hbm>> -> memref<80xi32, #tpu.memory_space<hbm>>
      %dma_start3A_209 = arith.constant 0 : i32
      %dma_start3A_210 = tpu.memref_slice %arg4[%dma_start3A_204, %add3A_203, %dma_start3A_205, %dma_start3A_209] : memref<2x4000x1x80xi32, #tpu.memory_space<hbm>> -> memref<1x1x1x80xi32, #tpu.memory_space<hbm>>
      %dma_start3A_211 = tpu.memref_squeeze %dma_start3A_210 : memref<1x1x1x80xi32, #tpu.memory_space<hbm>> -> memref<80xi32, #tpu.memory_space<hbm>>
      tpu.enqueue_dma source(%dma_start3A_211 : memref<80xi32, #tpu.memory_space<hbm>>) target(%arg8 : memref<80xi32, #tpu.memory_space<vmem>>) target_semaphore(%arg17 : memref<!tpu.dma_semaphore, #tpu.memory_space<semaphore_mem>>)
      %mul3A_212 = arith.constant 80 : i32
      %mul3A_213 = arith.muli %add3A_202, %mul3A_212 : i32
      %multiple_of3A_214 = tpu.assume_multiple %mul3A_213, 16 : i32
      %dma_start3A_215 = tpu.memref_slice %arg7[%multiple_of3A_214] : memref<10000xi32, #tpu.memory_space<vmem>> -> memref<80xi32, #tpu.memory_space<vmem>>
      %dma_start3A_216 = arith.constant 0 : i32
      %dma_start3A_217 = arith.constant 0 : i32
      %dma_start3A_218 = tpu.memref_slice %arg2[%dma_start3A_216, %dma_start3A_217] : memref<10000x128xf32, #tpu.memory_space<hbm>> -> memref<10000x128xf32, #tpu.memory_space<hbm>>
      tpu.enqueue_indirect_dma source(%dma_start3A_218 : memref<10000x128xf32, #tpu.memory_space<hbm>>) target(%arg11 : memref<80x128xf32, #tpu.memory_space<vmem>>) offsets(%dma_start3A_215 : memref<80xi32, #tpu.memory_space<vmem>>) semaphore(%arg14 : memref<!tpu.dma_semaphore, #tpu.memory_space<semaphore_mem>>)
      %multiple_of3A_219 = arith.constant 0 : i32
      %multiple_of3A_220 = tpu.assume_multiple %multiple_of3A_219, 16 : i32
      %dma_wait3A_221 = tpu.memref_slice %arg7[%multiple_of3A_220] : memref<10000xi32, #tpu.memory_space<vmem>> -> memref<80xi32, #tpu.memory_space<vmem>>
      %dma_wait3A_222 = arith.constant 0 : i32
      %dma_wait3A_223 = arith.constant 0 : i32
      %dma_wait3A_224 = tpu.memref_slice %arg2[%dma_wait3A_222, %dma_wait3A_223] : memref<10000x128xf32, #tpu.memory_space<hbm>> -> memref<10000x128xf32, #tpu.memory_space<hbm>>
      tpu.wait_indirect_dma semaphore(%arg16 : memref<!tpu.dma_semaphore, #tpu.memory_space<semaphore_mem>>) src(%dma_wait3A_224 : memref<10000x128xf32, #tpu.memory_space<hbm>>) dst(%arg13 : memref<80x128xf32, #tpu.memory_space<vmem>>)
      %dma_wait3A_225 = arith.constant 1 : i32
      %dma_wait3A_226 = arith.constant 0 : i32
      %dma_wait3A_227 = arith.constant 0 : i32
      %dma_wait3A_228 = tpu.memref_slice %arg4[%dma_wait3A_225, %mul3A_5, %dma_wait3A_226, %dma_wait3A_227] : memref<2x4000x1x80xi32, #tpu.memory_space<hbm>> -> memref<1x1x1x80xi32, #tpu.memory_space<hbm>>
      %dma_wait3A_229 = tpu.memref_squeeze %dma_wait3A_228 : memref<1x1x1x80xi32, #tpu.memory_space<hbm>> -> memref<80xi32, #tpu.memory_space<hbm>>
      %dma_wait3A_230 = arith.constant 0 : i32
      %dma_wait3A_231 = tpu.memref_slice %arg4[%dma_wait3A_225, %mul3A_5, %dma_wait3A_226, %dma_wait3A_230] : memref<2x4000x1x80xi32, #tpu.memory_space<hbm>> -> memref<1x1x1x80xi32, #tpu.memory_space<hbm>>
      %dma_wait3A_232 = tpu.memref_squeeze %dma_wait3A_231 : memref<1x1x1x80xi32, #tpu.memory_space<hbm>> -> memref<80xi32, #tpu.memory_space<hbm>>
      tpu.wait_dma2 semaphore(%arg19 : memref<!tpu.dma_semaphore, #tpu.memory_space<semaphore_mem>>) src(%dma_wait3A_232 : memref<80xi32, #tpu.memory_space<hbm>>) dst(%arg10 : memref<80xi32, #tpu.memory_space<vmem>>)
      %dma_start3A_233 = arith.constant 0 : i32
      %dma_start3A_234 = arith.constant 0 : i32
      %dma_start3A_235 = tpu.memref_slice %arg23[%dma_start3A_233, %dma_start3A_234] : memref<10112x128xf32, #tpu.memory_space<vmem_shared>> -> memref<10112x128xf32, #tpu.memory_space<vmem_shared>>
      tpu.enqueue_indirect_dma source(%arg13 : memref<80x128xf32, #tpu.memory_space<vmem>>) target(%dma_start3A_235 : memref<10112x128xf32, #tpu.memory_space<vmem_shared>>) offsets(%arg10 : memref<80xi32, #tpu.memory_space<vmem>>) semaphore(%arg22 : memref<!tpu.dma_semaphore, #tpu.memory_space<semaphore_mem>>) {add = true}
      %add3A_236 = arith.constant 1 : i32
      %add3A_237 = arith.addi %add3A_197, %add3A_236 : i32
      %dma_wait3A_238 = arith.constant 0 : i32
      %dma_wait3A_239 = arith.constant 0 : i32
      %dma_wait3A_240 = tpu.memref_slice %arg23[%dma_wait3A_238, %dma_wait3A_239] : memref<10112x128xf32, #tpu.memory_space<vmem_shared>> -> memref<10112x128xf32, #tpu.memory_space<vmem_shared>>
      tpu.wait_indirect_dma semaphore(%arg21 : memref<!tpu.dma_semaphore, #tpu.memory_space<semaphore_mem>>) src(%arg12 : memref<80x128xf32, #tpu.memory_space<vmem>>) dst(%dma_wait3A_240 : memref<10112x128xf32, #tpu.memory_space<vmem_shared>>)
      %add3A_241 = arith.constant 1 : i32
      %add3A_242 = arith.addi %add3A_237, %add3A_241 : i32
      %add3A_243 = arith.addi %mul3A_5, %add3A_242 : i32
      %dma_start3A_244 = arith.constant 1 : i32
      %dma_start3A_245 = arith.constant 0 : i32
      %dma_start3A_246 = arith.constant 0 : i32
      %dma_start3A_247 = tpu.memref_slice %arg4[%dma_start3A_244, %add3A_243, %dma_start3A_245, %dma_start3A_246] : memref<2x4000x1x80xi32, #tpu.memory_space<hbm>> -> memref<1x1x1x80xi32, #tpu.memory_space<hbm>>
      %dma_start3A_248 = tpu.memref_squeeze %dma_start3A_247 : memref<1x1x1x80xi32, #tpu.memory_space<hbm>> -> memref<80xi32, #tpu.memory_space<hbm>>
      %dma_start3A_249 = arith.constant 0 : i32
      %dma_start3A_250 = tpu.memref_slice %arg4[%dma_start3A_244, %add3A_243, %dma_start3A_245, %dma_start3A_249] : memref<2x4000x1x80xi32, #tpu.memory_space<hbm>> -> memref<1x1x1x80xi32, #tpu.memory_space<hbm>>
      %dma_start3A_251 = tpu.memref_squeeze %dma_start3A_250 : memref<1x1x1x80xi32, #tpu.memory_space<hbm>> -> memref<80xi32, #tpu.memory_space<hbm>>
      tpu.enqueue_dma source(%dma_start3A_251 : memref<80xi32, #tpu.memory_space<hbm>>) target(%arg9 : memref<80xi32, #tpu.memory_space<vmem>>) target_semaphore(%arg18 : memref<!tpu.dma_semaphore, #tpu.memory_space<semaphore_mem>>)
      %mul3A_252 = arith.constant 80 : i32
      %mul3A_253 = arith.muli %add3A_242, %mul3A_252 : i32
      %multiple_of3A_254 = tpu.assume_multiple %mul3A_253, 16 : i32
      %dma_start3A_255 = tpu.memref_slice %arg7[%multiple_of3A_254] : memref<10000xi32, #tpu.memory_space<vmem>> -> memref<80xi32, #tpu.memory_space<vmem>>
      %dma_start3A_256 = arith.constant 0 : i32
      %dma_start3A_257 = arith.constant 0 : i32
      %dma_start3A_258 = tpu.memref_slice %arg2[%dma_start3A_256, %dma_start3A_257] : memref<10000x128xf32, #tpu.memory_space<hbm>> -> memref<10000x128xf32, #tpu.memory_space<hbm>>
      tpu.enqueue_indirect_dma source(%dma_start3A_258 : memref<10000x128xf32, #tpu.memory_space<hbm>>) target(%arg12 : memref<80x128xf32, #tpu.memory_space<vmem>>) offsets(%dma_start3A_255 : memref<80xi32, #tpu.memory_space<vmem>>) semaphore(%arg15 : memref<!tpu.dma_semaphore, #tpu.memory_space<semaphore_mem>>)
      %multiple_of3A_259 = arith.constant 0 : i32
      %multiple_of3A_260 = tpu.assume_multiple %multiple_of3A_259, 16 : i32
      %dma_wait3A_261 = tpu.memref_slice %arg7[%multiple_of3A_260] : memref<10000xi32, #tpu.memory_space<vmem>> -> memref<80xi32, #tpu.memory_space<vmem>>
      %dma_wait3A_262 = arith.constant 0 : i32
      %dma_wait3A_263 = arith.constant 0 : i32
      %dma_wait3A_264 = tpu.memref_slice %arg2[%dma_wait3A_262, %dma_wait3A_263] : memref<10000x128xf32, #tpu.memory_space<hbm>> -> memref<10000x128xf32, #tpu.memory_space<hbm>>
      tpu.wait_indirect_dma semaphore(%arg14 : memref<!tpu.dma_semaphore, #tpu.memory_space<semaphore_mem>>) src(%dma_wait3A_264 : memref<10000x128xf32, #tpu.memory_space<hbm>>) dst(%arg11 : memref<80x128xf32, #tpu.memory_space<vmem>>)
      %dma_wait3A_265 = arith.constant 1 : i32
      %dma_wait3A_266 = arith.constant 0 : i32
      %dma_wait3A_267 = arith.constant 0 : i32
      %dma_wait3A_268 = tpu.memref_slice %arg4[%dma_wait3A_265, %mul3A_5, %dma_wait3A_266, %dma_wait3A_267] : memref<2x4000x1x80xi32, #tpu.memory_space<hbm>> -> memref<1x1x1x80xi32, #tpu.memory_space<hbm>>
      %dma_wait3A_269 = tpu.memref_squeeze %dma_wait3A_268 : memref<1x1x1x80xi32, #tpu.memory_space<hbm>> -> memref<80xi32, #tpu.memory_space<hbm>>
      %dma_wait3A_270 = arith.constant 0 : i32
      %dma_wait3A_271 = tpu.memref_slice %arg4[%dma_wait3A_265, %mul3A_5, %dma_wait3A_266, %dma_wait3A_270] : memref<2x4000x1x80xi32, #tpu.memory_space<hbm>> -> memref<1x1x1x80xi32, #tpu.memory_space<hbm>>
      %dma_wait3A_272 = tpu.memref_squeeze %dma_wait3A_271 : memref<1x1x1x80xi32, #tpu.memory_space<hbm>> -> memref<80xi32, #tpu.memory_space<hbm>>
      tpu.wait_dma2 semaphore(%arg17 : memref<!tpu.dma_semaphore, #tpu.memory_space<semaphore_mem>>) src(%dma_wait3A_272 : memref<80xi32, #tpu.memory_space<hbm>>) dst(%arg8 : memref<80xi32, #tpu.memory_space<vmem>>)
      %dma_start3A_273 = arith.constant 0 : i32
      %dma_start3A_274 = arith.constant 0 : i32
      %dma_start3A_275 = tpu.memref_slice %arg23[%dma_start3A_273, %dma_start3A_274] : memref<10112x128xf32, #tpu.memory_space<vmem_shared>> -> memref<10112x128xf32, #tpu.memory_space<vmem_shared>>
      tpu.enqueue_indirect_dma source(%arg11 : memref<80x128xf32, #tpu.memory_space<vmem>>) target(%dma_start3A_275 : memref<10112x128xf32, #tpu.memory_space<vmem_shared>>) offsets(%arg8 : memref<80xi32, #tpu.memory_space<vmem>>) semaphore(%arg20 : memref<!tpu.dma_semaphore, #tpu.memory_space<semaphore_mem>>) {add = true}
      %add3A_276 = arith.constant 2 : i32
      %add3A_277 = arith.addi %add3A_197, %add3A_276 : i32
      %dma_wait3A_278 = arith.constant 0 : i32
      %dma_wait3A_279 = arith.constant 0 : i32
      %dma_wait3A_280 = tpu.memref_slice %arg23[%dma_wait3A_278, %dma_wait3A_279] : memref<10112x128xf32, #tpu.memory_space<vmem_shared>> -> memref<10112x128xf32, #tpu.memory_space<vmem_shared>>
      tpu.wait_indirect_dma semaphore(%arg22 : memref<!tpu.dma_semaphore, #tpu.memory_space<semaphore_mem>>) src(%arg13 : memref<80x128xf32, #tpu.memory_space<vmem>>) dst(%dma_wait3A_280 : memref<10112x128xf32, #tpu.memory_space<vmem_shared>>)
      %add3A_281 = arith.constant 1 : i32
      %add3A_282 = arith.addi %add3A_277, %add3A_281 : i32
      %add3A_283 = arith.addi %mul3A_5, %add3A_282 : i32
      %dma_start3A_284 = arith.constant 1 : i32
      %dma_start3A_285 = arith.constant 0 : i32
      %dma_start3A_286 = arith.constant 0 : i32
      %dma_start3A_287 = tpu.memref_slice %arg4[%dma_start3A_284, %add3A_283, %dma_start3A_285, %dma_start3A_286] : memref<2x4000x1x80xi32, #tpu.memory_space<hbm>> -> memref<1x1x1x80xi32, #tpu.memory_space<hbm>>
      %dma_start3A_288 = tpu.memref_squeeze %dma_start3A_287 : memref<1x1x1x80xi32, #tpu.memory_space<hbm>> -> memref<80xi32, #tpu.memory_space<hbm>>
      %dma_start3A_289 = arith.constant 0 : i32
      %dma_start3A_290 = tpu.memref_slice %arg4[%dma_start3A_284, %add3A_283, %dma_start3A_285, %dma_start3A_289] : memref<2x4000x1x80xi32, #tpu.memory_space<hbm>> -> memref<1x1x1x80xi32, #tpu.memory_space<hbm>>
      %dma_start3A_291 = tpu.memref_squeeze %dma_start3A_290 : memref<1x1x1x80xi32, #tpu.memory_space<hbm>> -> memref<80xi32, #tpu.memory_space<hbm>>
      tpu.enqueue_dma source(%dma_start3A_291 : memref<80xi32, #tpu.memory_space<hbm>>) target(%arg10 : memref<80xi32, #tpu.memory_space<vmem>>) target_semaphore(%arg19 : memref<!tpu.dma_semaphore, #tpu.memory_space<semaphore_mem>>)
      %mul3A_292 = arith.constant 80 : i32
      %mul3A_293 = arith.muli %add3A_282, %mul3A_292 : i32
      %multiple_of3A_294 = tpu.assume_multiple %mul3A_293, 16 : i32
      %dma_start3A_295 = tpu.memref_slice %arg7[%multiple_of3A_294] : memref<10000xi32, #tpu.memory_space<vmem>> -> memref<80xi32, #tpu.memory_space<vmem>>
      %dma_start3A_296 = arith.constant 0 : i32
      %dma_start3A_297 = arith.constant 0 : i32
      %dma_start3A_298 = tpu.memref_slice %arg2[%dma_start3A_296, %dma_start3A_297] : memref<10000x128xf32, #tpu.memory_space<hbm>> -> memref<10000x128xf32, #tpu.memory_space<hbm>>
      tpu.enqueue_indirect_dma source(%dma_start3A_298 : memref<10000x128xf32, #tpu.memory_space<hbm>>) target(%arg13 : memref<80x128xf32, #tpu.memory_space<vmem>>) offsets(%dma_start3A_295 : memref<80xi32, #tpu.memory_space<vmem>>) semaphore(%arg16 : memref<!tpu.dma_semaphore, #tpu.memory_space<semaphore_mem>>)
      %multiple_of3A_299 = arith.constant 0 : i32
      %multiple_of3A_300 = tpu.assume_multiple %multiple_of3A_299, 16 : i32
      %dma_wait3A_301 = tpu.memref_slice %arg7[%multiple_of3A_300] : memref<10000xi32, #tpu.memory_space<vmem>> -> memref<80xi32, #tpu.memory_space<vmem>>
      %dma_wait3A_302 = arith.constant 0 : i32
      %dma_wait3A_303 = arith.constant 0 : i32
      %dma_wait3A_304 = tpu.memref_slice %arg2[%dma_wait3A_302, %dma_wait3A_303] : memref<10000x128xf32, #tpu.memory_space<hbm>> -> memref<10000x128xf32, #tpu.memory_space<hbm>>
      tpu.wait_indirect_dma semaphore(%arg15 : memref<!tpu.dma_semaphore, #tpu.memory_space<semaphore_mem>>) src(%dma_wait3A_304 : memref<10000x128xf32, #tpu.memory_space<hbm>>) dst(%arg12 : memref<80x128xf32, #tpu.memory_space<vmem>>)
      %dma_wait3A_305 = arith.constant 1 : i32
      %dma_wait3A_306 = arith.constant 0 : i32
      %dma_wait3A_307 = arith.constant 0 : i32
      %dma_wait3A_308 = tpu.memref_slice %arg4[%dma_wait3A_305, %mul3A_5, %dma_wait3A_306, %dma_wait3A_307] : memref<2x4000x1x80xi32, #tpu.memory_space<hbm>> -> memref<1x1x1x80xi32, #tpu.memory_space<hbm>>
      %dma_wait3A_309 = tpu.memref_squeeze %dma_wait3A_308 : memref<1x1x1x80xi32, #tpu.memory_space<hbm>> -> memref<80xi32, #tpu.memory_space<hbm>>
      %dma_wait3A_310 = arith.constant 0 : i32
      %dma_wait3A_311 = tpu.memref_slice %arg4[%dma_wait3A_305, %mul3A_5, %dma_wait3A_306, %dma_wait3A_310] : memref<2x4000x1x80xi32, #tpu.memory_space<hbm>> -> memref<1x1x1x80xi32, #tpu.memory_space<hbm>>
      %dma_wait3A_312 = tpu.memref_squeeze %dma_wait3A_311 : memref<1x1x1x80xi32, #tpu.memory_space<hbm>> -> memref<80xi32, #tpu.memory_space<hbm>>
      tpu.wait_dma2 semaphore(%arg18 : memref<!tpu.dma_semaphore, #tpu.memory_space<semaphore_mem>>) src(%dma_wait3A_312 : memref<80xi32, #tpu.memory_space<hbm>>) dst(%arg9 : memref<80xi32, #tpu.memory_space<vmem>>)
      %dma_start3A_313 = arith.constant 0 : i32
      %dma_start3A_314 = arith.constant 0 : i32
      %dma_start3A_315 = tpu.memref_slice %arg23[%dma_start3A_313, %dma_start3A_314] : memref<10112x128xf32, #tpu.memory_space<vmem_shared>> -> memref<10112x128xf32, #tpu.memory_space<vmem_shared>>
      tpu.enqueue_indirect_dma source(%arg12 : memref<80x128xf32, #tpu.memory_space<vmem>>) target(%dma_start3A_315 : memref<10112x128xf32, #tpu.memory_space<vmem_shared>>) offsets(%arg9 : memref<80xi32, #tpu.memory_space<vmem>>) semaphore(%arg21 : memref<!tpu.dma_semaphore, #tpu.memory_space<semaphore_mem>>) {add = true}
    }
    %scan3A_89 = arith.constant 40 : i32
    %dma_wait3A_90 = arith.constant 0 : i32
    %dma_wait3A_91 = arith.constant 0 : i32
    %dma_wait3A_92 = tpu.memref_slice %arg23[%dma_wait3A_90, %dma_wait3A_91] : memref<10112x128xf32, #tpu.memory_space<vmem_shared>> -> memref<10112x128xf32, #tpu.memory_space<vmem_shared>>
    tpu.wait_indirect_dma semaphore(%arg20 : memref<!tpu.dma_semaphore, #tpu.memory_space<semaphore_mem>>) src(%arg11 : memref<80x128xf32, #tpu.memory_space<vmem>>) dst(%dma_wait3A_92 : memref<10112x128xf32, #tpu.memory_space<vmem_shared>>)
    %add3A_93 = arith.constant 123 : i32
    %add3A_94 = arith.addi %mul3A_5, %add3A_93 : i32
    %dma_start3A_95 = arith.constant 1 : i32
    %dma_start3A_96 = arith.constant 0 : i32
    %dma_start3A_97 = arith.constant 0 : i32
    %dma_start3A_98 = tpu.memref_slice %arg4[%dma_start3A_95, %add3A_94, %dma_start3A_96, %dma_start3A_97] : memref<2x4000x1x80xi32, #tpu.memory_space<hbm>> -> memref<1x1x1x80xi32, #tpu.memory_space<hbm>>
    %dma_start3A_99 = tpu.memref_squeeze %dma_start3A_98 : memref<1x1x1x80xi32, #tpu.memory_space<hbm>> -> memref<80xi32, #tpu.memory_space<hbm>>
    %dma_start3A_100 = arith.constant 0 : i32
    %dma_start3A_101 = tpu.memref_slice %arg4[%dma_start3A_95, %add3A_94, %dma_start3A_96, %dma_start3A_100] : memref<2x4000x1x80xi32, #tpu.memory_space<hbm>> -> memref<1x1x1x80xi32, #tpu.memory_space<hbm>>
    %dma_start3A_102 = tpu.memref_squeeze %dma_start3A_101 : memref<1x1x1x80xi32, #tpu.memory_space<hbm>> -> memref<80xi32, #tpu.memory_space<hbm>>
    tpu.enqueue_dma source(%dma_start3A_102 : memref<80xi32, #tpu.memory_space<hbm>>) target(%arg8 : memref<80xi32, #tpu.memory_space<vmem>>) target_semaphore(%arg17 : memref<!tpu.dma_semaphore, #tpu.memory_space<semaphore_mem>>)
    %multiple_of3A_103 = arith.constant 9840 : i32
    %multiple_of3A_104 = tpu.assume_multiple %multiple_of3A_103, 16 : i32
    %dma_start3A_105 = tpu.memref_slice %arg7[%multiple_of3A_104] : memref<10000xi32, #tpu.memory_space<vmem>> -> memref<80xi32, #tpu.memory_space<vmem>>
    %dma_start3A_106 = arith.constant 0 : i32
    %dma_start3A_107 = arith.constant 0 : i32
    %dma_start3A_108 = tpu.memref_slice %arg2[%dma_start3A_106, %dma_start3A_107] : memref<10000x128xf32, #tpu.memory_space<hbm>> -> memref<10000x128xf32, #tpu.memory_space<hbm>>
    tpu.enqueue_indirect_dma source(%dma_start3A_108 : memref<10000x128xf32, #tpu.memory_space<hbm>>) target(%arg11 : memref<80x128xf32, #tpu.memory_space<vmem>>) offsets(%dma_start3A_105 : memref<80xi32, #tpu.memory_space<vmem>>) semaphore(%arg14 : memref<!tpu.dma_semaphore, #tpu.memory_space<semaphore_mem>>)
    %multiple_of3A_109 = arith.constant 0 : i32
    %multiple_of3A_110 = tpu.assume_multiple %multiple_of3A_109, 16 : i32
    %dma_wait3A_111 = tpu.memref_slice %arg7[%multiple_of3A_110] : memref<10000xi32, #tpu.memory_space<vmem>> -> memref<80xi32, #tpu.memory_space<vmem>>
    %dma_wait3A_112 = arith.constant 0 : i32
    %dma_wait3A_113 = arith.constant 0 : i32
    %dma_wait3A_114 = tpu.memref_slice %arg2[%dma_wait3A_112, %dma_wait3A_113] : memref<10000x128xf32, #tpu.memory_space<hbm>> -> memref<10000x128xf32, #tpu.memory_space<hbm>>
    tpu.wait_indirect_dma semaphore(%arg16 : memref<!tpu.dma_semaphore, #tpu.memory_space<semaphore_mem>>) src(%dma_wait3A_114 : memref<10000x128xf32, #tpu.memory_space<hbm>>) dst(%arg13 : memref<80x128xf32, #tpu.memory_space<vmem>>)
    %dma_wait3A_115 = arith.constant 1 : i32
    %dma_wait3A_116 = arith.constant 0 : i32
    %dma_wait3A_117 = arith.constant 0 : i32
    %dma_wait3A_118 = tpu.memref_slice %arg4[%dma_wait3A_115, %mul3A_5, %dma_wait3A_116, %dma_wait3A_117] : memref<2x4000x1x80xi32, #tpu.memory_space<hbm>> -> memref<1x1x1x80xi32, #tpu.memory_space<hbm>>
    %dma_wait3A_119 = tpu.memref_squeeze %dma_wait3A_118 : memref<1x1x1x80xi32, #tpu.memory_space<hbm>> -> memref<80xi32, #tpu.memory_space<hbm>>
    %dma_wait3A_120 = arith.constant 0 : i32
    %dma_wait3A_121 = tpu.memref_slice %arg4[%dma_wait3A_115, %mul3A_5, %dma_wait3A_116, %dma_wait3A_120] : memref<2x4000x1x80xi32, #tpu.memory_space<hbm>> -> memref<1x1x1x80xi32, #tpu.memory_space<hbm>>
    %dma_wait3A_122 = tpu.memref_squeeze %dma_wait3A_121 : memref<1x1x1x80xi32, #tpu.memory_space<hbm>> -> memref<80xi32, #tpu.memory_space<hbm>>
    tpu.wait_dma2 semaphore(%arg19 : memref<!tpu.dma_semaphore, #tpu.memory_space<semaphore_mem>>) src(%dma_wait3A_122 : memref<80xi32, #tpu.memory_space<hbm>>) dst(%arg10 : memref<80xi32, #tpu.memory_space<vmem>>)
    %dma_start3A_123 = arith.constant 0 : i32
    %dma_start3A_124 = arith.constant 0 : i32
    %dma_start3A_125 = tpu.memref_slice %arg23[%dma_start3A_123, %dma_start3A_124] : memref<10112x128xf32, #tpu.memory_space<vmem_shared>> -> memref<10112x128xf32, #tpu.memory_space<vmem_shared>>
    tpu.enqueue_indirect_dma source(%arg13 : memref<80x128xf32, #tpu.memory_space<vmem>>) target(%dma_start3A_125 : memref<10112x128xf32, #tpu.memory_space<vmem_shared>>) offsets(%arg10 : memref<80xi32, #tpu.memory_space<vmem>>) semaphore(%arg22 : memref<!tpu.dma_semaphore, #tpu.memory_space<semaphore_mem>>) {add = true}
    %dma_wait3A_126 = arith.constant 0 : i32
    %dma_wait3A_127 = arith.constant 0 : i32
    %dma_wait3A_128 = tpu.memref_slice %arg23[%dma_wait3A_126, %dma_wait3A_127] : memref<10112x128xf32, #tpu.memory_space<vmem_shared>> -> memref<10112x128xf32, #tpu.memory_space<vmem_shared>>
    tpu.wait_indirect_dma semaphore(%arg21 : memref<!tpu.dma_semaphore, #tpu.memory_space<semaphore_mem>>) src(%arg12 : memref<80x128xf32, #tpu.memory_space<vmem>>) dst(%dma_wait3A_128 : memref<10112x128xf32, #tpu.memory_space<vmem_shared>>)
    %add3A_129 = arith.constant 124 : i32
    %add3A_130 = arith.addi %mul3A_5, %add3A_129 : i32
    %dma_start3A_131 = arith.constant 1 : i32
    %dma_start3A_132 = arith.constant 0 : i32
    %dma_start3A_133 = arith.constant 0 : i32
    %dma_start3A_134 = tpu.memref_slice %arg4[%dma_start3A_131, %add3A_130, %dma_start3A_132, %dma_start3A_133] : memref<2x4000x1x80xi32, #tpu.memory_space<hbm>> -> memref<1x1x1x80xi32, #tpu.memory_space<hbm>>
    %dma_start3A_135 = tpu.memref_squeeze %dma_start3A_134 : memref<1x1x1x80xi32, #tpu.memory_space<hbm>> -> memref<80xi32, #tpu.memory_space<hbm>>
    %dma_start3A_136 = arith.constant 0 : i32
    %dma_start3A_137 = tpu.memref_slice %arg4[%dma_start3A_131, %add3A_130, %dma_start3A_132, %dma_start3A_136] : memref<2x4000x1x80xi32, #tpu.memory_space<hbm>> -> memref<1x1x1x80xi32, #tpu.memory_space<hbm>>
    %dma_start3A_138 = tpu.memref_squeeze %dma_start3A_137 : memref<1x1x1x80xi32, #tpu.memory_space<hbm>> -> memref<80xi32, #tpu.memory_space<hbm>>
    tpu.enqueue_dma source(%dma_start3A_138 : memref<80xi32, #tpu.memory_space<hbm>>) target(%arg9 : memref<80xi32, #tpu.memory_space<vmem>>) target_semaphore(%arg18 : memref<!tpu.dma_semaphore, #tpu.memory_space<semaphore_mem>>)
    %multiple_of3A_139 = arith.constant 9920 : i32
    %multiple_of3A_140 = tpu.assume_multiple %multiple_of3A_139, 16 : i32
    %dma_start3A_141 = tpu.memref_slice %arg7[%multiple_of3A_140] : memref<10000xi32, #tpu.memory_space<vmem>> -> memref<80xi32, #tpu.memory_space<vmem>>
    %dma_start3A_142 = arith.constant 0 : i32
    %dma_start3A_143 = arith.constant 0 : i32
    %dma_start3A_144 = tpu.memref_slice %arg2[%dma_start3A_142, %dma_start3A_143] : memref<10000x128xf32, #tpu.memory_space<hbm>> -> memref<10000x128xf32, #tpu.memory_space<hbm>>
    tpu.enqueue_indirect_dma source(%dma_start3A_144 : memref<10000x128xf32, #tpu.memory_space<hbm>>) target(%arg12 : memref<80x128xf32, #tpu.memory_space<vmem>>) offsets(%dma_start3A_141 : memref<80xi32, #tpu.memory_space<vmem>>) semaphore(%arg15 : memref<!tpu.dma_semaphore, #tpu.memory_space<semaphore_mem>>)
    %multiple_of3A_145 = arith.constant 0 : i32
    %multiple_of3A_146 = tpu.assume_multiple %multiple_of3A_145, 16 : i32
    %dma_wait3A_147 = tpu.memref_slice %arg7[%multiple_of3A_146] : memref<10000xi32, #tpu.memory_space<vmem>> -> memref<80xi32, #tpu.memory_space<vmem>>
    %dma_wait3A_148 = arith.constant 0 : i32
    %dma_wait3A_149 = arith.constant 0 : i32
    %dma_wait3A_150 = tpu.memref_slice %arg2[%dma_wait3A_148, %dma_wait3A_149] : memref<10000x128xf32, #tpu.memory_space<hbm>> -> memref<10000x128xf32, #tpu.memory_space<hbm>>
    tpu.wait_indirect_dma semaphore(%arg14 : memref<!tpu.dma_semaphore, #tpu.memory_space<semaphore_mem>>) src(%dma_wait3A_150 : memref<10000x128xf32, #tpu.memory_space<hbm>>) dst(%arg11 : memref<80x128xf32, #tpu.memory_space<vmem>>)
    %dma_wait3A_151 = arith.constant 1 : i32
    %dma_wait3A_152 = arith.constant 0 : i32
    %dma_wait3A_153 = arith.constant 0 : i32
    %dma_wait3A_154 = tpu.memref_slice %arg4[%dma_wait3A_151, %mul3A_5, %dma_wait3A_152, %dma_wait3A_153] : memref<2x4000x1x80xi32, #tpu.memory_space<hbm>> -> memref<1x1x1x80xi32, #tpu.memory_space<hbm>>
    %dma_wait3A_155 = tpu.memref_squeeze %dma_wait3A_154 : memref<1x1x1x80xi32, #tpu.memory_space<hbm>> -> memref<80xi32, #tpu.memory_space<hbm>>
    %dma_wait3A_156 = arith.constant 0 : i32
    %dma_wait3A_157 = tpu.memref_slice %arg4[%dma_wait3A_151, %mul3A_5, %dma_wait3A_152, %dma_wait3A_156] : memref<2x4000x1x80xi32, #tpu.memory_space<hbm>> -> memref<1x1x1x80xi32, #tpu.memory_space<hbm>>
    %dma_wait3A_158 = tpu.memref_squeeze %dma_wait3A_157 : memref<1x1x1x80xi32, #tpu.memory_space<hbm>> -> memref<80xi32, #tpu.memory_space<hbm>>
    tpu.wait_dma2 semaphore(%arg17 : memref<!tpu.dma_semaphore, #tpu.memory_space<semaphore_mem>>) src(%dma_wait3A_158 : memref<80xi32, #tpu.memory_space<hbm>>) dst(%arg8 : memref<80xi32, #tpu.memory_space<vmem>>)
    %dma_start3A_159 = arith.constant 0 : i32
    %dma_start3A_160 = arith.constant 0 : i32
    %dma_start3A_161 = tpu.memref_slice %arg23[%dma_start3A_159, %dma_start3A_160] : memref<10112x128xf32, #tpu.memory_space<vmem_shared>> -> memref<10112x128xf32, #tpu.memory_space<vmem_shared>>
    tpu.enqueue_indirect_dma source(%arg11 : memref<80x128xf32, #tpu.memory_space<vmem>>) target(%dma_start3A_161 : memref<10112x128xf32, #tpu.memory_space<vmem_shared>>) offsets(%arg8 : memref<80xi32, #tpu.memory_space<vmem>>) semaphore(%arg20 : memref<!tpu.dma_semaphore, #tpu.memory_space<semaphore_mem>>) {add = true}
    %dma_wait3A_162 = arith.constant 0 : i32
    %dma_wait3A_163 = arith.constant 0 : i32
    %dma_wait3A_164 = tpu.memref_slice %arg23[%dma_wait3A_162, %dma_wait3A_163] : memref<10112x128xf32, #tpu.memory_space<vmem_shared>> -> memref<10112x128xf32, #tpu.memory_space<vmem_shared>>
    tpu.wait_indirect_dma semaphore(%arg22 : memref<!tpu.dma_semaphore, #tpu.memory_space<semaphore_mem>>) src(%arg13 : memref<80x128xf32, #tpu.memory_space<vmem>>) dst(%dma_wait3A_164 : memref<10112x128xf32, #tpu.memory_space<vmem_shared>>)
    %multiple_of3A_165 = arith.constant 0 : i32
    %multiple_of3A_166 = tpu.assume_multiple %multiple_of3A_165, 16 : i32
    %dma_wait3A_167 = tpu.memref_slice %arg7[%multiple_of3A_166] : memref<10000xi32, #tpu.memory_space<vmem>> -> memref<80xi32, #tpu.memory_space<vmem>>
    %dma_wait3A_168 = arith.constant 0 : i32
    %dma_wait3A_169 = arith.constant 0 : i32
    %dma_wait3A_170 = tpu.memref_slice %arg2[%dma_wait3A_168, %dma_wait3A_169] : memref<10000x128xf32, #tpu.memory_space<hbm>> -> memref<10000x128xf32, #tpu.memory_space<hbm>>
    tpu.wait_indirect_dma semaphore(%arg15 : memref<!tpu.dma_semaphore, #tpu.memory_space<semaphore_mem>>) src(%dma_wait3A_170 : memref<10000x128xf32, #tpu.memory_space<hbm>>) dst(%arg12 : memref<80x128xf32, #tpu.memory_space<vmem>>)
    %dma_wait3A_171 = arith.constant 1 : i32
    %dma_wait3A_172 = arith.constant 0 : i32
    %dma_wait3A_173 = arith.constant 0 : i32
    %dma_wait3A_174 = tpu.memref_slice %arg4[%dma_wait3A_171, %mul3A_5, %dma_wait3A_172, %dma_wait3A_173] : memref<2x4000x1x80xi32, #tpu.memory_space<hbm>> -> memref<1x1x1x80xi32, #tpu.memory_space<hbm>>
    %dma_wait3A_175 = tpu.memref_squeeze %dma_wait3A_174 : memref<1x1x1x80xi32, #tpu.memory_space<hbm>> -> memref<80xi32, #tpu.memory_space<hbm>>
    %dma_wait3A_176 = arith.constant 0 : i32
    %dma_wait3A_177 = tpu.memref_slice %arg4[%dma_wait3A_171, %mul3A_5, %dma_wait3A_172, %dma_wait3A_176] : memref<2x4000x1x80xi32, #tpu.memory_space<hbm>> -> memref<1x1x1x80xi32, #tpu.memory_space<hbm>>
    %dma_wait3A_178 = tpu.memref_squeeze %dma_wait3A_177 : memref<1x1x1x80xi32, #tpu.memory_space<hbm>> -> memref<80xi32, #tpu.memory_space<hbm>>
    tpu.wait_dma2 semaphore(%arg18 : memref<!tpu.dma_semaphore, #tpu.memory_space<semaphore_mem>>) src(%dma_wait3A_178 : memref<80xi32, #tpu.memory_space<hbm>>) dst(%arg9 : memref<80xi32, #tpu.memory_space<vmem>>)
    %dma_start3A_179 = arith.constant 0 : i32
    %dma_start3A_180 = arith.constant 0 : i32
    %dma_start3A_181 = tpu.memref_slice %arg23[%dma_start3A_179, %dma_start3A_180] : memref<10112x128xf32, #tpu.memory_space<vmem_shared>> -> memref<10112x128xf32, #tpu.memory_space<vmem_shared>>
    tpu.enqueue_indirect_dma source(%arg12 : memref<80x128xf32, #tpu.memory_space<vmem>>) target(%dma_start3A_181 : memref<10112x128xf32, #tpu.memory_space<vmem_shared>>) offsets(%arg9 : memref<80xi32, #tpu.memory_space<vmem>>) semaphore(%arg21 : memref<!tpu.dma_semaphore, #tpu.memory_space<semaphore_mem>>) {add = true}
    %dma_wait3A_182 = arith.constant 0 : i32
    %dma_wait3A_183 = arith.constant 0 : i32
    %dma_wait3A_184 = tpu.memref_slice %arg23[%dma_wait3A_182, %dma_wait3A_183] : memref<10112x128xf32, #tpu.memory_space<vmem_shared>> -> memref<10112x128xf32, #tpu.memory_space<vmem_shared>>
    tpu.wait_indirect_dma semaphore(%arg20 : memref<!tpu.dma_semaphore, #tpu.memory_space<semaphore_mem>>) src(%arg11 : memref<80x128xf32, #tpu.memory_space<vmem>>) dst(%dma_wait3A_184 : memref<10112x128xf32, #tpu.memory_space<vmem_shared>>)
    %dma_wait3A_185 = arith.constant 0 : i32
    %dma_wait3A_186 = arith.constant 0 : i32
    %dma_wait3A_187 = tpu.memref_slice %arg23[%dma_wait3A_185, %dma_wait3A_186] : memref<10112x128xf32, #tpu.memory_space<vmem_shared>> -> memref<10112x128xf32, #tpu.memory_space<vmem_shared>>
    tpu.wait_indirect_dma semaphore(%arg21 : memref<!tpu.dma_semaphore, #tpu.memory_space<semaphore_mem>>) src(%arg12 : memref<80x128xf32, #tpu.memory_space<vmem>>) dst(%dma_wait3A_187 : memref<10112x128xf32, #tpu.memory_space<vmem_shared>>)
    %barrier3A_188 = arith.constant 0 : index
    tpu.barrier barrier_id(%barrier3A_188)
    %mul3A_189 = arith.constant 632 : i32
    %mul3A_190 = arith.muli %arg1, %mul3A_189 : i32
    %mul3A_191 = arith.constant 632 : i32
    %mul3A_192 = arith.muli %arg1, %mul3A_191 : i32
    "tpu.region"() ({
      %run_scoped3A_193 = tpu.sem_alloc : memref<!tpu.dma_semaphore, #tpu.memory_space<semaphore_mem>>
      %dma_start3A_194 = arith.constant 0 : i32
      %dma_start3A_195 = tpu.memref_slice %arg6[%arg0, %mul3A_192, %dma_start3A_194] : memref<2x10112x128xf32, #tpu.memory_space<hbm>> -> memref<1x632x128xf32, #tpu.memory_space<hbm>>
      %dma_start3A_196 = tpu.memref_squeeze %dma_start3A_195 : memref<1x632x128xf32, #tpu.memory_space<hbm>> -> memref<632x128xf32, #tpu.memory_space<hbm>>
      %dma_start3A_197 = arith.constant 0 : i32
      %dma_start3A_198 = tpu.memref_slice %arg23[%mul3A_190, %dma_start3A_197] : memref<10112x128xf32, #tpu.memory_space<vmem_shared>> -> memref<632x128xf32, #tpu.memory_space<vmem_shared>>
      tpu.enqueue_dma source(%dma_start3A_198 : memref<632x128xf32, #tpu.memory_space<vmem_shared>>) target(%dma_start3A_196 : memref<632x128xf32, #tpu.memory_space<hbm>>) target_semaphore(%run_scoped3A_193 : memref<!tpu.dma_semaphore, #tpu.memory_space<semaphore_mem>>)
      %dma_wait3A_199 = arith.constant 0 : i32
      %dma_wait3A_200 = tpu.memref_slice %arg6[%arg0, %mul3A_192, %dma_wait3A_199] : memref<2x10112x128xf32, #tpu.memory_space<hbm>> -> memref<1x632x128xf32, #tpu.memory_space<hbm>>
      %dma_wait3A_201 = tpu.memref_squeeze %dma_wait3A_200 : memref<1x632x128xf32, #tpu.memory_space<hbm>> -> memref<632x128xf32, #tpu.memory_space<hbm>>
      %dma_wait3A_202 = arith.constant 0 : i32
      %dma_wait3A_203 = tpu.memref_slice %arg23[%mul3A_190, %dma_wait3A_202] : memref<10112x128xf32, #tpu.memory_space<vmem_shared>> -> memref<632x128xf32, #tpu.memory_space<vmem_shared>>
      tpu.wait_dma2 semaphore(%run_scoped3A_193 : memref<!tpu.dma_semaphore, #tpu.memory_space<semaphore_mem>>) src(%dma_wait3A_203 : memref<632x128xf32, #tpu.memory_space<vmem_shared>>) dst(%dma_wait3A_201 : memref<632x128xf32, #tpu.memory_space<hbm>>)
      tpu.yield
    }) : () -> ()
    return
  }
}

#map = affine_map<(d0, d1) -> (0, 0)>
#map1 = affine_map<(d0, d1) -> (0, 0, 0, 0)>
#map2 = affine_map<(d0, d1) -> (0, 0, 0)>
module attributes {stable_mosaic.version = 14 : i64} {
  func.func @agg_kernel(%arg0: i32, %arg1: i32, %arg2: memref<10000x128xf32, #tpu.memory_space<hbm>>, %arg3: memref<2x32x1x10000xi32, #tpu.memory_space<hbm>>, %arg4: memref<2x4000x1x80xi32, #tpu.memory_space<hbm>>, %arg5: memref<632x128xf32, #tpu.memory_space<hbm>>, %arg6: memref<2x10112x128xf32, #tpu.memory_space<hbm>>, %arg7: memref<10000xi32, #tpu.memory_space<vmem>>, %arg8: memref<80xi32, #tpu.memory_space<vmem>>, %arg9: memref<80xi32, #tpu.memory_space<vmem>>, %arg10: memref<80xi32, #tpu.memory_space<vmem>>, %arg11: memref<80x128xf32, #tpu.memory_space<vmem>>, %arg12: memref<80x128xf32, #tpu.memory_space<vmem>>, %arg13: memref<80x128xf32, #tpu.memory_space<vmem>>, %arg14: memref<!tpu.dma_semaphore, #tpu.memory_space<semaphore_mem>>, %arg15: memref<!tpu.dma_semaphore, #tpu.memory_space<semaphore_mem>>, %arg16: memref<!tpu.dma_semaphore, #tpu.memory_space<semaphore_mem>>, %arg17: memref<!tpu.dma_semaphore, #tpu.memory_space<semaphore_mem>>, %arg18: memref<!tpu.dma_semaphore, #tpu.memory_space<semaphore_mem>>, %arg19: memref<!tpu.dma_semaphore, #tpu.memory_space<semaphore_mem>>, %arg20: memref<!tpu.dma_semaphore, #tpu.memory_space<semaphore_mem>>, %arg21: memref<!tpu.dma_semaphore, #tpu.memory_space<semaphore_mem>>, %arg22: memref<!tpu.dma_semaphore, #tpu.memory_space<semaphore_mem>>, %arg23: memref<10112x128xf32, #tpu.memory_space<vmem_shared>>) attributes {dimension_semantics = [#tpu.dimension_semantics<core_parallel>, #tpu.dimension_semantics<subcore_parallel>], iteration_bounds = array<i64: 2, 16>, scalar_prefetch = 0 : i64, scratch_operands = 17 : i64, tpu.core_type = #tpu.core_type<sc_vector_subcore>, window_params = [{transform_indices = #map}, {transform_indices = #map1}, {transform_indices = #map1}, {transform_indices = #map}, {transform_indices = #map2}]} {
    %mul3A = arith.constant 2 : i32
    %mul3A_0 = arith.muli %arg1, %mul3A : i32
    %add3A = arith.addi %mul3A_0, %arg0 : i32
    %mul3A_1 = arith.constant 632 : i32
    %mul3A_2 = arith.muli %arg1, %mul3A_1 : i32
    "tpu.region"() ({
      %run_scoped3A_193 = tpu.sem_alloc : memref<!tpu.dma_semaphore, #tpu.memory_space<semaphore_mem>>
      %dma_start3A_194 = arith.constant 0 : i32
      %dma_start3A_195 = tpu.memref_slice %arg23[%mul3A_2, %dma_start3A_194] : memref<10112x128xf32, #tpu.memory_space<vmem_shared>> -> memref<632x128xf32, #tpu.memory_space<vmem_shared>>
      tpu.enqueue_dma source(%arg5 : memref<632x128xf32, #tpu.memory_space<hbm>>) target(%dma_start3A_195 : memref<632x128xf32, #tpu.memory_space<vmem_shared>>) target_semaphore(%run_scoped3A_193 : memref<!tpu.dma_semaphore, #tpu.memory_space<semaphore_mem>>)
      %dma_wait3A_196 = arith.constant 0 : i32
      %dma_wait3A_197 = tpu.memref_slice %arg23[%mul3A_2, %dma_wait3A_196] : memref<10112x128xf32, #tpu.memory_space<vmem_shared>> -> memref<632x128xf32, #tpu.memory_space<vmem_shared>>
      tpu.wait_dma2 semaphore(%run_scoped3A_193 : memref<!tpu.dma_semaphore, #tpu.memory_space<semaphore_mem>>) src(%arg5 : memref<632x128xf32, #tpu.memory_space<hbm>>) dst(%dma_wait3A_197 : memref<632x128xf32, #tpu.memory_space<vmem_shared>>)
      tpu.yield
    }) : () -> ()
    %run_scoped3A = arith.constant 0 : i32
    %run_scoped3A_3 = arith.constant 0 : i32
    "tpu.region"() ({
      %run_scoped3A_193 = tpu.sem_alloc : memref<!tpu.dma_semaphore, #tpu.memory_space<semaphore_mem>>
      %dma_start3A_194 = arith.constant 0 : i32
      %dma_start3A_195 = tpu.memref_slice %arg3[%run_scoped3A, %add3A, %run_scoped3A_3, %dma_start3A_194] : memref<2x32x1x10000xi32, #tpu.memory_space<hbm>> -> memref<1x1x1x10000xi32, #tpu.memory_space<hbm>>
      %dma_start3A_196 = tpu.memref_squeeze %dma_start3A_195 : memref<1x1x1x10000xi32, #tpu.memory_space<hbm>> -> memref<10000xi32, #tpu.memory_space<hbm>>
      %dma_start3A_197 = arith.constant 0 : i32
      %dma_start3A_198 = tpu.memref_slice %arg3[%run_scoped3A, %add3A, %run_scoped3A_3, %dma_start3A_197] : memref<2x32x1x10000xi32, #tpu.memory_space<hbm>> -> memref<1x1x1x10000xi32, #tpu.memory_space<hbm>>
      %dma_start3A_199 = tpu.memref_squeeze %dma_start3A_198 : memref<1x1x1x10000xi32, #tpu.memory_space<hbm>> -> memref<10000xi32, #tpu.memory_space<hbm>>
      tpu.enqueue_dma source(%dma_start3A_199 : memref<10000xi32, #tpu.memory_space<hbm>>) target(%arg7 : memref<10000xi32, #tpu.memory_space<vmem>>) target_semaphore(%run_scoped3A_193 : memref<!tpu.dma_semaphore, #tpu.memory_space<semaphore_mem>>)
      %dma_wait3A_200 = arith.constant 0 : i32
      %dma_wait3A_201 = tpu.memref_slice %arg3[%run_scoped3A, %add3A, %run_scoped3A_3, %dma_wait3A_200] : memref<2x32x1x10000xi32, #tpu.memory_space<hbm>> -> memref<1x1x1x10000xi32, #tpu.memory_space<hbm>>
      %dma_wait3A_202 = tpu.memref_squeeze %dma_wait3A_201 : memref<1x1x1x10000xi32, #tpu.memory_space<hbm>> -> memref<10000xi32, #tpu.memory_space<hbm>>
      %dma_wait3A_203 = arith.constant 0 : i32
      %dma_wait3A_204 = tpu.memref_slice %arg3[%run_scoped3A, %add3A, %run_scoped3A_3, %dma_wait3A_203] : memref<2x32x1x10000xi32, #tpu.memory_space<hbm>> -> memref<1x1x1x10000xi32, #tpu.memory_space<hbm>>
      %dma_wait3A_205 = tpu.memref_squeeze %dma_wait3A_204 : memref<1x1x1x10000xi32, #tpu.memory_space<hbm>> -> memref<10000xi32, #tpu.memory_space<hbm>>
      tpu.wait_dma2 semaphore(%run_scoped3A_193 : memref<!tpu.dma_semaphore, #tpu.memory_space<semaphore_mem>>) src(%dma_wait3A_205 : memref<10000xi32, #tpu.memory_space<hbm>>) dst(%arg7 : memref<10000xi32, #tpu.memory_space<vmem>>)
      tpu.yield
    }) : () -> ()
    %barrier3A = arith.constant 0 : index
    tpu.barrier barrier_id(%barrier3A)
    %mul3A_4 = arith.constant 125 : i32
    %mul3A_5 = arith.muli %add3A, %mul3A_4 : i32
    %add3A_6 = arith.constant 0 : i32
    %add3A_7 = arith.addi %mul3A_5, %add3A_6 : i32
    %dma_start3A = arith.constant 1 : i32
    %dma_start3A_8 = arith.constant 0 : i32
    %dma_start3A_9 = arith.constant 0 : i32
    %dma_start3A_10 = tpu.memref_slice %arg4[%dma_start3A, %add3A_7, %dma_start3A_8, %dma_start3A_9] : memref<2x4000x1x80xi32, #tpu.memory_space<hbm>> -> memref<1x1x1x80xi32, #tpu.memory_space<hbm>>
    %dma_start3A_11 = tpu.memref_squeeze %dma_start3A_10 : memref<1x1x1x80xi32, #tpu.memory_space<hbm>> -> memref<80xi32, #tpu.memory_space<hbm>>
    %dma_start3A_12 = arith.constant 0 : i32
    %dma_start3A_13 = tpu.memref_slice %arg4[%dma_start3A, %add3A_7, %dma_start3A_8, %dma_start3A_12] : memref<2x4000x1x80xi32, #tpu.memory_space<hbm>> -> memref<1x1x1x80xi32, #tpu.memory_space<hbm>>
    %dma_start3A_14 = tpu.memref_squeeze %dma_start3A_13 : memref<1x1x1x80xi32, #tpu.memory_space<hbm>> -> memref<80xi32, #tpu.memory_space<hbm>>
    tpu.enqueue_dma source(%dma_start3A_14 : memref<80xi32, #tpu.memory_space<hbm>>) target(%arg8 : memref<80xi32, #tpu.memory_space<vmem>>) target_semaphore(%arg17 : memref<!tpu.dma_semaphore, #tpu.memory_space<semaphore_mem>>)
    %multiple_of3A = arith.constant 0 : i32
    %multiple_of3A_15 = tpu.assume_multiple %multiple_of3A, 16 : i32
    %dma_start3A_16 = tpu.memref_slice %arg7[%multiple_of3A_15] : memref<10000xi32, #tpu.memory_space<vmem>> -> memref<80xi32, #tpu.memory_space<vmem>>
    %dma_start3A_17 = arith.constant 0 : i32
    %dma_start3A_18 = arith.constant 0 : i32
    %dma_start3A_19 = tpu.memref_slice %arg2[%dma_start3A_17, %dma_start3A_18] : memref<10000x128xf32, #tpu.memory_space<hbm>> -> memref<10000x128xf32, #tpu.memory_space<hbm>>
    tpu.enqueue_indirect_dma source(%dma_start3A_19 : memref<10000x128xf32, #tpu.memory_space<hbm>>) target(%arg11 : memref<80x128xf32, #tpu.memory_space<vmem>>) offsets(%dma_start3A_16 : memref<80xi32, #tpu.memory_space<vmem>>) semaphore(%arg14 : memref<!tpu.dma_semaphore, #tpu.memory_space<semaphore_mem>>)
    %add3A_20 = arith.constant 1 : i32
    %add3A_21 = arith.addi %mul3A_5, %add3A_20 : i32
    %dma_start3A_22 = arith.constant 1 : i32
    %dma_start3A_23 = arith.constant 0 : i32
    %dma_start3A_24 = arith.constant 0 : i32
    %dma_start3A_25 = tpu.memref_slice %arg4[%dma_start3A_22, %add3A_21, %dma_start3A_23, %dma_start3A_24] : memref<2x4000x1x80xi32, #tpu.memory_space<hbm>> -> memref<1x1x1x80xi32, #tpu.memory_space<hbm>>
    %dma_start3A_26 = tpu.memref_squeeze %dma_start3A_25 : memref<1x1x1x80xi32, #tpu.memory_space<hbm>> -> memref<80xi32, #tpu.memory_space<hbm>>
    %dma_start3A_27 = arith.constant 0 : i32
    %dma_start3A_28 = tpu.memref_slice %arg4[%dma_start3A_22, %add3A_21, %dma_start3A_23, %dma_start3A_27] : memref<2x4000x1x80xi32, #tpu.memory_space<hbm>> -> memref<1x1x1x80xi32, #tpu.memory_space<hbm>>
    %dma_start3A_29 = tpu.memref_squeeze %dma_start3A_28 : memref<1x1x1x80xi32, #tpu.memory_space<hbm>> -> memref<80xi32, #tpu.memory_space<hbm>>
    tpu.enqueue_dma source(%dma_start3A_29 : memref<80xi32, #tpu.memory_space<hbm>>) target(%arg9 : memref<80xi32, #tpu.memory_space<vmem>>) target_semaphore(%arg18 : memref<!tpu.dma_semaphore, #tpu.memory_space<semaphore_mem>>)
    %multiple_of3A_30 = arith.constant 80 : i32
    %multiple_of3A_31 = tpu.assume_multiple %multiple_of3A_30, 16 : i32
    %dma_start3A_32 = tpu.memref_slice %arg7[%multiple_of3A_31] : memref<10000xi32, #tpu.memory_space<vmem>> -> memref<80xi32, #tpu.memory_space<vmem>>
    %dma_start3A_33 = arith.constant 0 : i32
    %dma_start3A_34 = arith.constant 0 : i32
    %dma_start3A_35 = tpu.memref_slice %arg2[%dma_start3A_33, %dma_start3A_34] : memref<10000x128xf32, #tpu.memory_space<hbm>> -> memref<10000x128xf32, #tpu.memory_space<hbm>>
    tpu.enqueue_indirect_dma source(%dma_start3A_35 : memref<10000x128xf32, #tpu.memory_space<hbm>>) target(%arg12 : memref<80x128xf32, #tpu.memory_space<vmem>>) offsets(%dma_start3A_32 : memref<80xi32, #tpu.memory_space<vmem>>) semaphore(%arg15 : memref<!tpu.dma_semaphore, #tpu.memory_space<semaphore_mem>>)
    %multiple_of3A_36 = arith.constant 0 : i32
    %multiple_of3A_37 = tpu.assume_multiple %multiple_of3A_36, 16 : i32
    %dma_wait3A = tpu.memref_slice %arg7[%multiple_of3A_37] : memref<10000xi32, #tpu.memory_space<vmem>> -> memref<80xi32, #tpu.memory_space<vmem>>
    %dma_wait3A_38 = arith.constant 0 : i32
    %dma_wait3A_39 = arith.constant 0 : i32
    %dma_wait3A_40 = tpu.memref_slice %arg2[%dma_wait3A_38, %dma_wait3A_39] : memref<10000x128xf32, #tpu.memory_space<hbm>> -> memref<10000x128xf32, #tpu.memory_space<hbm>>
    tpu.wait_indirect_dma semaphore(%arg14 : memref<!tpu.dma_semaphore, #tpu.memory_space<semaphore_mem>>) src(%dma_wait3A_40 : memref<10000x128xf32, #tpu.memory_space<hbm>>) dst(%arg11 : memref<80x128xf32, #tpu.memory_space<vmem>>)
    %dma_wait3A_41 = arith.constant 1 : i32
    %dma_wait3A_42 = arith.constant 0 : i32
    %dma_wait3A_43 = arith.constant 0 : i32
    %dma_wait3A_44 = tpu.memref_slice %arg4[%dma_wait3A_41, %mul3A_5, %dma_wait3A_42, %dma_wait3A_43] : memref<2x4000x1x80xi32, #tpu.memory_space<hbm>> -> memref<1x1x1x80xi32, #tpu.memory_space<hbm>>
    %dma_wait3A_45 = tpu.memref_squeeze %dma_wait3A_44 : memref<1x1x1x80xi32, #tpu.memory_space<hbm>> -> memref<80xi32, #tpu.memory_space<hbm>>
    %dma_wait3A_46 = arith.constant 0 : i32
    %dma_wait3A_47 = tpu.memref_slice %arg4[%dma_wait3A_41, %mul3A_5, %dma_wait3A_42, %dma_wait3A_46] : memref<2x4000x1x80xi32, #tpu.memory_space<hbm>> -> memref<1x1x1x80xi32, #tpu.memory_space<hbm>>
    %dma_wait3A_48 = tpu.memref_squeeze %dma_wait3A_47 : memref<1x1x1x80xi32, #tpu.memory_space<hbm>> -> memref<80xi32, #tpu.memory_space<hbm>>
    tpu.wait_dma2 semaphore(%arg17 : memref<!tpu.dma_semaphore, #tpu.memory_space<semaphore_mem>>) src(%dma_wait3A_48 : memref<80xi32, #tpu.memory_space<hbm>>) dst(%arg8 : memref<80xi32, #tpu.memory_space<vmem>>)
    %dma_start3A_49 = arith.constant 0 : i32
    %dma_start3A_50 = arith.constant 0 : i32
    %dma_start3A_51 = tpu.memref_slice %arg23[%dma_start3A_49, %dma_start3A_50] : memref<10112x128xf32, #tpu.memory_space<vmem_shared>> -> memref<10112x128xf32, #tpu.memory_space<vmem_shared>>
    tpu.enqueue_indirect_dma source(%arg11 : memref<80x128xf32, #tpu.memory_space<vmem>>) target(%dma_start3A_51 : memref<10112x128xf32, #tpu.memory_space<vmem_shared>>) offsets(%arg8 : memref<80xi32, #tpu.memory_space<vmem>>) semaphore(%arg20 : memref<!tpu.dma_semaphore, #tpu.memory_space<semaphore_mem>>) {add = true}
    %add3A_52 = arith.constant 2 : i32
    %add3A_53 = arith.addi %mul3A_5, %add3A_52 : i32
    %dma_start3A_54 = arith.constant 1 : i32
    %dma_start3A_55 = arith.constant 0 : i32
    %dma_start3A_56 = arith.constant 0 : i32
    %dma_start3A_57 = tpu.memref_slice %arg4[%dma_start3A_54, %add3A_53, %dma_start3A_55, %dma_start3A_56] : memref<2x4000x1x80xi32, #tpu.memory_space<hbm>> -> memref<1x1x1x80xi32, #tpu.memory_space<hbm>>
    %dma_start3A_58 = tpu.memref_squeeze %dma_start3A_57 : memref<1x1x1x80xi32, #tpu.memory_space<hbm>> -> memref<80xi32, #tpu.memory_space<hbm>>
    %dma_start3A_59 = arith.constant 0 : i32
    %dma_start3A_60 = tpu.memref_slice %arg4[%dma_start3A_54, %add3A_53, %dma_start3A_55, %dma_start3A_59] : memref<2x4000x1x80xi32, #tpu.memory_space<hbm>> -> memref<1x1x1x80xi32, #tpu.memory_space<hbm>>
    %dma_start3A_61 = tpu.memref_squeeze %dma_start3A_60 : memref<1x1x1x80xi32, #tpu.memory_space<hbm>> -> memref<80xi32, #tpu.memory_space<hbm>>
    tpu.enqueue_dma source(%dma_start3A_61 : memref<80xi32, #tpu.memory_space<hbm>>) target(%arg10 : memref<80xi32, #tpu.memory_space<vmem>>) target_semaphore(%arg19 : memref<!tpu.dma_semaphore, #tpu.memory_space<semaphore_mem>>)
    %multiple_of3A_62 = arith.constant 160 : i32
    %multiple_of3A_63 = tpu.assume_multiple %multiple_of3A_62, 16 : i32
    %dma_start3A_64 = tpu.memref_slice %arg7[%multiple_of3A_63] : memref<10000xi32, #tpu.memory_space<vmem>> -> memref<80xi32, #tpu.memory_space<vmem>>
    %dma_start3A_65 = arith.constant 0 : i32
    %dma_start3A_66 = arith.constant 0 : i32
    %dma_start3A_67 = tpu.memref_slice %arg2[%dma_start3A_65, %dma_start3A_66] : memref<10000x128xf32, #tpu.memory_space<hbm>> -> memref<10000x128xf32, #tpu.memory_space<hbm>>
    tpu.enqueue_indirect_dma source(%dma_start3A_67 : memref<10000x128xf32, #tpu.memory_space<hbm>>) target(%arg13 : memref<80x128xf32, #tpu.memory_space<vmem>>) offsets(%dma_start3A_64 : memref<80xi32, #tpu.memory_space<vmem>>) semaphore(%arg16 : memref<!tpu.dma_semaphore, #tpu.memory_space<semaphore_mem>>)
    %multiple_of3A_68 = arith.constant 0 : i32
    %multiple_of3A_69 = tpu.assume_multiple %multiple_of3A_68, 16 : i32
    %dma_wait3A_70 = tpu.memref_slice %arg7[%multiple_of3A_69] : memref<10000xi32, #tpu.memory_space<vmem>> -> memref<80xi32, #tpu.memory_space<vmem>>
    %dma_wait3A_71 = arith.constant 0 : i32
    %dma_wait3A_72 = arith.constant 0 : i32
    %dma_wait3A_73 = tpu.memref_slice %arg2[%dma_wait3A_71, %dma_wait3A_72] : memref<10000x128xf32, #tpu.memory_space<hbm>> -> memref<10000x128xf32, #tpu.memory_space<hbm>>
    tpu.wait_indirect_dma semaphore(%arg15 : memref<!tpu.dma_semaphore, #tpu.memory_space<semaphore_mem>>) src(%dma_wait3A_73 : memref<10000x128xf32, #tpu.memory_space<hbm>>) dst(%arg12 : memref<80x128xf32, #tpu.memory_space<vmem>>)
    %dma_wait3A_74 = arith.constant 1 : i32
    %dma_wait3A_75 = arith.constant 0 : i32
    %dma_wait3A_76 = arith.constant 0 : i32
    %dma_wait3A_77 = tpu.memref_slice %arg4[%dma_wait3A_74, %mul3A_5, %dma_wait3A_75, %dma_wait3A_76] : memref<2x4000x1x80xi32, #tpu.memory_space<hbm>> -> memref<1x1x1x80xi32, #tpu.memory_space<hbm>>
    %dma_wait3A_78 = tpu.memref_squeeze %dma_wait3A_77 : memref<1x1x1x80xi32, #tpu.memory_space<hbm>> -> memref<80xi32, #tpu.memory_space<hbm>>
    %dma_wait3A_79 = arith.constant 0 : i32
    %dma_wait3A_80 = tpu.memref_slice %arg4[%dma_wait3A_74, %mul3A_5, %dma_wait3A_75, %dma_wait3A_79] : memref<2x4000x1x80xi32, #tpu.memory_space<hbm>> -> memref<1x1x1x80xi32, #tpu.memory_space<hbm>>
    %dma_wait3A_81 = tpu.memref_squeeze %dma_wait3A_80 : memref<1x1x1x80xi32, #tpu.memory_space<hbm>> -> memref<80xi32, #tpu.memory_space<hbm>>
    tpu.wait_dma2 semaphore(%arg18 : memref<!tpu.dma_semaphore, #tpu.memory_space<semaphore_mem>>) src(%dma_wait3A_81 : memref<80xi32, #tpu.memory_space<hbm>>) dst(%arg9 : memref<80xi32, #tpu.memory_space<vmem>>)
    %dma_start3A_82 = arith.constant 0 : i32
    %dma_start3A_83 = arith.constant 0 : i32
    %dma_start3A_84 = tpu.memref_slice %arg23[%dma_start3A_82, %dma_start3A_83] : memref<10112x128xf32, #tpu.memory_space<vmem_shared>> -> memref<10112x128xf32, #tpu.memory_space<vmem_shared>>
    tpu.enqueue_indirect_dma source(%arg12 : memref<80x128xf32, #tpu.memory_space<vmem>>) target(%dma_start3A_84 : memref<10112x128xf32, #tpu.memory_space<vmem_shared>>) offsets(%arg9 : memref<80xi32, #tpu.memory_space<vmem>>) semaphore(%arg21 : memref<!tpu.dma_semaphore, #tpu.memory_space<semaphore_mem>>) {add = true}
    %scan3A = arith.constant 0 : i32
    %scan3A_85 = arith.constant 0 : i32
    %scan3A_86 = arith.constant 40 : i32
    %scan3A_87 = arith.addi %scan3A_85, %scan3A_86 : i32
    %scan3A_88 = arith.constant 1 : i32
    scf.for %scan3A_193 = %scan3A_85 to %scan3A_87 step %scan3A_88  : i32 {
      %mul3A_194 = arith.constant 3 : i32
      %mul3A_195 = arith.muli %scan3A_193, %mul3A_194 : i32
      %add3A_196 = arith.constant 2 : i32
      %add3A_197 = arith.addi %add3A_196, %mul3A_195 : i32
      %dma_wait3A_198 = arith.constant 0 : i32
      %dma_wait3A_199 = arith.constant 0 : i32
      %dma_wait3A_200 = tpu.memref_slice %arg23[%dma_wait3A_198, %dma_wait3A_199] : memref<10112x128xf32, #tpu.memory_space<vmem_shared>> -> memref<10112x128xf32, #tpu.memory_space<vmem_shared>>
      tpu.wait_indirect_dma semaphore(%arg20 : memref<!tpu.dma_semaphore, #tpu.memory_space<semaphore_mem>>) src(%arg11 : memref<80x128xf32, #tpu.memory_space<vmem>>) dst(%dma_wait3A_200 : memref<10112x128xf32, #tpu.memory_space<vmem_shared>>)
      %add3A_201 = arith.constant 1 : i32
      %add3A_202 = arith.addi %add3A_197, %add3A_201 : i32
      %add3A_203 = arith.addi %mul3A_5, %add3A_202 : i32
      %dma_start3A_204 = arith.constant 1 : i32
      %dma_start3A_205 = arith.constant 0 : i32
      %dma_start3A_206 = arith.constant 0 : i32
      %dma_start3A_207 = tpu.memref_slice %arg4[%dma_start3A_204, %add3A_203, %dma_start3A_205, %dma_start3A_206] : memref<2x4000x1x80xi32, #tpu.memory_space<hbm>> -> memref<1x1x1x80xi32, #tpu.memory_space<hbm>>
      %dma_start3A_208 = tpu.memref_squeeze %dma_start3A_207 : memref<1x1x1x80xi32, #tpu.memory_space<hbm>> -> memref<80xi32, #tpu.memory_space<hbm>>
      %dma_start3A_209 = arith.constant 0 : i32
      %dma_start3A_210 = tpu.memref_slice %arg4[%dma_start3A_204, %add3A_203, %dma_start3A_205, %dma_start3A_209] : memref<2x4000x1x80xi32, #tpu.memory_space<hbm>> -> memref<1x1x1x80xi32, #tpu.memory_space<hbm>>
      %dma_start3A_211 = tpu.memref_squeeze %dma_start3A_210 : memref<1x1x1x80xi32, #tpu.memory_space<hbm>> -> memref<80xi32, #tpu.memory_space<hbm>>
      tpu.enqueue_dma source(%dma_start3A_211 : memref<80xi32, #tpu.memory_space<hbm>>) target(%arg8 : memref<80xi32, #tpu.memory_space<vmem>>) target_semaphore(%arg17 : memref<!tpu.dma_semaphore, #tpu.memory_space<semaphore_mem>>)
      %mul3A_212 = arith.constant 80 : i32
      %mul3A_213 = arith.muli %add3A_202, %mul3A_212 : i32
      %multiple_of3A_214 = tpu.assume_multiple %mul3A_213, 16 : i32
      %dma_start3A_215 = tpu.memref_slice %arg7[%multiple_of3A_214] : memref<10000xi32, #tpu.memory_space<vmem>> -> memref<80xi32, #tpu.memory_space<vmem>>
      %dma_start3A_216 = arith.constant 0 : i32
      %dma_start3A_217 = arith.constant 0 : i32
      %dma_start3A_218 = tpu.memref_slice %arg2[%dma_start3A_216, %dma_start3A_217] : memref<10000x128xf32, #tpu.memory_space<hbm>> -> memref<10000x128xf32, #tpu.memory_space<hbm>>
      tpu.enqueue_indirect_dma source(%dma_start3A_218 : memref<10000x128xf32, #tpu.memory_space<hbm>>) target(%arg11 : memref<80x128xf32, #tpu.memory_space<vmem>>) offsets(%dma_start3A_215 : memref<80xi32, #tpu.memory_space<vmem>>) semaphore(%arg14 : memref<!tpu.dma_semaphore, #tpu.memory_space<semaphore_mem>>)
      %multiple_of3A_219 = arith.constant 0 : i32
      %multiple_of3A_220 = tpu.assume_multiple %multiple_of3A_219, 16 : i32
      %dma_wait3A_221 = tpu.memref_slice %arg7[%multiple_of3A_220] : memref<10000xi32, #tpu.memory_space<vmem>> -> memref<80xi32, #tpu.memory_space<vmem>>
      %dma_wait3A_222 = arith.constant 0 : i32
      %dma_wait3A_223 = arith.constant 0 : i32
      %dma_wait3A_224 = tpu.memref_slice %arg2[%dma_wait3A_222, %dma_wait3A_223] : memref<10000x128xf32, #tpu.memory_space<hbm>> -> memref<10000x128xf32, #tpu.memory_space<hbm>>
      tpu.wait_indirect_dma semaphore(%arg16 : memref<!tpu.dma_semaphore, #tpu.memory_space<semaphore_mem>>) src(%dma_wait3A_224 : memref<10000x128xf32, #tpu.memory_space<hbm>>) dst(%arg13 : memref<80x128xf32, #tpu.memory_space<vmem>>)
      %dma_wait3A_225 = arith.constant 1 : i32
      %dma_wait3A_226 = arith.constant 0 : i32
      %dma_wait3A_227 = arith.constant 0 : i32
      %dma_wait3A_228 = tpu.memref_slice %arg4[%dma_wait3A_225, %mul3A_5, %dma_wait3A_226, %dma_wait3A_227] : memref<2x4000x1x80xi32, #tpu.memory_space<hbm>> -> memref<1x1x1x80xi32, #tpu.memory_space<hbm>>
      %dma_wait3A_229 = tpu.memref_squeeze %dma_wait3A_228 : memref<1x1x1x80xi32, #tpu.memory_space<hbm>> -> memref<80xi32, #tpu.memory_space<hbm>>
      %dma_wait3A_230 = arith.constant 0 : i32
      %dma_wait3A_231 = tpu.memref_slice %arg4[%dma_wait3A_225, %mul3A_5, %dma_wait3A_226, %dma_wait3A_230] : memref<2x4000x1x80xi32, #tpu.memory_space<hbm>> -> memref<1x1x1x80xi32, #tpu.memory_space<hbm>>
      %dma_wait3A_232 = tpu.memref_squeeze %dma_wait3A_231 : memref<1x1x1x80xi32, #tpu.memory_space<hbm>> -> memref<80xi32, #tpu.memory_space<hbm>>
      tpu.wait_dma2 semaphore(%arg19 : memref<!tpu.dma_semaphore, #tpu.memory_space<semaphore_mem>>) src(%dma_wait3A_232 : memref<80xi32, #tpu.memory_space<hbm>>) dst(%arg10 : memref<80xi32, #tpu.memory_space<vmem>>)
      %dma_start3A_233 = arith.constant 0 : i32
      %dma_start3A_234 = arith.constant 0 : i32
      %dma_start3A_235 = tpu.memref_slice %arg23[%dma_start3A_233, %dma_start3A_234] : memref<10112x128xf32, #tpu.memory_space<vmem_shared>> -> memref<10112x128xf32, #tpu.memory_space<vmem_shared>>
      tpu.enqueue_indirect_dma source(%arg13 : memref<80x128xf32, #tpu.memory_space<vmem>>) target(%dma_start3A_235 : memref<10112x128xf32, #tpu.memory_space<vmem_shared>>) offsets(%arg10 : memref<80xi32, #tpu.memory_space<vmem>>) semaphore(%arg22 : memref<!tpu.dma_semaphore, #tpu.memory_space<semaphore_mem>>) {add = true}
      %add3A_236 = arith.constant 1 : i32
      %add3A_237 = arith.addi %add3A_197, %add3A_236 : i32
      %dma_wait3A_238 = arith.constant 0 : i32
      %dma_wait3A_239 = arith.constant 0 : i32
      %dma_wait3A_240 = tpu.memref_slice %arg23[%dma_wait3A_238, %dma_wait3A_239] : memref<10112x128xf32, #tpu.memory_space<vmem_shared>> -> memref<10112x128xf32, #tpu.memory_space<vmem_shared>>
      tpu.wait_indirect_dma semaphore(%arg21 : memref<!tpu.dma_semaphore, #tpu.memory_space<semaphore_mem>>) src(%arg12 : memref<80x128xf32, #tpu.memory_space<vmem>>) dst(%dma_wait3A_240 : memref<10112x128xf32, #tpu.memory_space<vmem_shared>>)
      %add3A_241 = arith.constant 1 : i32
      %add3A_242 = arith.addi %add3A_237, %add3A_241 : i32
      %add3A_243 = arith.addi %mul3A_5, %add3A_242 : i32
      %dma_start3A_244 = arith.constant 1 : i32
      %dma_start3A_245 = arith.constant 0 : i32
      %dma_start3A_246 = arith.constant 0 : i32
      %dma_start3A_247 = tpu.memref_slice %arg4[%dma_start3A_244, %add3A_243, %dma_start3A_245, %dma_start3A_246] : memref<2x4000x1x80xi32, #tpu.memory_space<hbm>> -> memref<1x1x1x80xi32, #tpu.memory_space<hbm>>
      %dma_start3A_248 = tpu.memref_squeeze %dma_start3A_247 : memref<1x1x1x80xi32, #tpu.memory_space<hbm>> -> memref<80xi32, #tpu.memory_space<hbm>>
      %dma_start3A_249 = arith.constant 0 : i32
      %dma_start3A_250 = tpu.memref_slice %arg4[%dma_start3A_244, %add3A_243, %dma_start3A_245, %dma_start3A_249] : memref<2x4000x1x80xi32, #tpu.memory_space<hbm>> -> memref<1x1x1x80xi32, #tpu.memory_space<hbm>>
      %dma_start3A_251 = tpu.memref_squeeze %dma_start3A_250 : memref<1x1x1x80xi32, #tpu.memory_space<hbm>> -> memref<80xi32, #tpu.memory_space<hbm>>
      tpu.enqueue_dma source(%dma_start3A_251 : memref<80xi32, #tpu.memory_space<hbm>>) target(%arg9 : memref<80xi32, #tpu.memory_space<vmem>>) target_semaphore(%arg18 : memref<!tpu.dma_semaphore, #tpu.memory_space<semaphore_mem>>)
      %mul3A_252 = arith.constant 80 : i32
      %mul3A_253 = arith.muli %add3A_242, %mul3A_252 : i32
      %multiple_of3A_254 = tpu.assume_multiple %mul3A_253, 16 : i32
      %dma_start3A_255 = tpu.memref_slice %arg7[%multiple_of3A_254] : memref<10000xi32, #tpu.memory_space<vmem>> -> memref<80xi32, #tpu.memory_space<vmem>>
      %dma_start3A_256 = arith.constant 0 : i32
      %dma_start3A_257 = arith.constant 0 : i32
      %dma_start3A_258 = tpu.memref_slice %arg2[%dma_start3A_256, %dma_start3A_257] : memref<10000x128xf32, #tpu.memory_space<hbm>> -> memref<10000x128xf32, #tpu.memory_space<hbm>>
      tpu.enqueue_indirect_dma source(%dma_start3A_258 : memref<10000x128xf32, #tpu.memory_space<hbm>>) target(%arg12 : memref<80x128xf32, #tpu.memory_space<vmem>>) offsets(%dma_start3A_255 : memref<80xi32, #tpu.memory_space<vmem>>) semaphore(%arg15 : memref<!tpu.dma_semaphore, #tpu.memory_space<semaphore_mem>>)
      %multiple_of3A_259 = arith.constant 0 : i32
      %multiple_of3A_260 = tpu.assume_multiple %multiple_of3A_259, 16 : i32
      %dma_wait3A_261 = tpu.memref_slice %arg7[%multiple_of3A_260] : memref<10000xi32, #tpu.memory_space<vmem>> -> memref<80xi32, #tpu.memory_space<vmem>>
      %dma_wait3A_262 = arith.constant 0 : i32
      %dma_wait3A_263 = arith.constant 0 : i32
      %dma_wait3A_264 = tpu.memref_slice %arg2[%dma_wait3A_262, %dma_wait3A_263] : memref<10000x128xf32, #tpu.memory_space<hbm>> -> memref<10000x128xf32, #tpu.memory_space<hbm>>
      tpu.wait_indirect_dma semaphore(%arg14 : memref<!tpu.dma_semaphore, #tpu.memory_space<semaphore_mem>>) src(%dma_wait3A_264 : memref<10000x128xf32, #tpu.memory_space<hbm>>) dst(%arg11 : memref<80x128xf32, #tpu.memory_space<vmem>>)
      %dma_wait3A_265 = arith.constant 1 : i32
      %dma_wait3A_266 = arith.constant 0 : i32
      %dma_wait3A_267 = arith.constant 0 : i32
      %dma_wait3A_268 = tpu.memref_slice %arg4[%dma_wait3A_265, %mul3A_5, %dma_wait3A_266, %dma_wait3A_267] : memref<2x4000x1x80xi32, #tpu.memory_space<hbm>> -> memref<1x1x1x80xi32, #tpu.memory_space<hbm>>
      %dma_wait3A_269 = tpu.memref_squeeze %dma_wait3A_268 : memref<1x1x1x80xi32, #tpu.memory_space<hbm>> -> memref<80xi32, #tpu.memory_space<hbm>>
      %dma_wait3A_270 = arith.constant 0 : i32
      %dma_wait3A_271 = tpu.memref_slice %arg4[%dma_wait3A_265, %mul3A_5, %dma_wait3A_266, %dma_wait3A_270] : memref<2x4000x1x80xi32, #tpu.memory_space<hbm>> -> memref<1x1x1x80xi32, #tpu.memory_space<hbm>>
      %dma_wait3A_272 = tpu.memref_squeeze %dma_wait3A_271 : memref<1x1x1x80xi32, #tpu.memory_space<hbm>> -> memref<80xi32, #tpu.memory_space<hbm>>
      tpu.wait_dma2 semaphore(%arg17 : memref<!tpu.dma_semaphore, #tpu.memory_space<semaphore_mem>>) src(%dma_wait3A_272 : memref<80xi32, #tpu.memory_space<hbm>>) dst(%arg8 : memref<80xi32, #tpu.memory_space<vmem>>)
      %dma_start3A_273 = arith.constant 0 : i32
      %dma_start3A_274 = arith.constant 0 : i32
      %dma_start3A_275 = tpu.memref_slice %arg23[%dma_start3A_273, %dma_start3A_274] : memref<10112x128xf32, #tpu.memory_space<vmem_shared>> -> memref<10112x128xf32, #tpu.memory_space<vmem_shared>>
      tpu.enqueue_indirect_dma source(%arg11 : memref<80x128xf32, #tpu.memory_space<vmem>>) target(%dma_start3A_275 : memref<10112x128xf32, #tpu.memory_space<vmem_shared>>) offsets(%arg8 : memref<80xi32, #tpu.memory_space<vmem>>) semaphore(%arg20 : memref<!tpu.dma_semaphore, #tpu.memory_space<semaphore_mem>>) {add = true}
      %add3A_276 = arith.constant 2 : i32
      %add3A_277 = arith.addi %add3A_197, %add3A_276 : i32
      %dma_wait3A_278 = arith.constant 0 : i32
      %dma_wait3A_279 = arith.constant 0 : i32
      %dma_wait3A_280 = tpu.memref_slice %arg23[%dma_wait3A_278, %dma_wait3A_279] : memref<10112x128xf32, #tpu.memory_space<vmem_shared>> -> memref<10112x128xf32, #tpu.memory_space<vmem_shared>>
      tpu.wait_indirect_dma semaphore(%arg22 : memref<!tpu.dma_semaphore, #tpu.memory_space<semaphore_mem>>) src(%arg13 : memref<80x128xf32, #tpu.memory_space<vmem>>) dst(%dma_wait3A_280 : memref<10112x128xf32, #tpu.memory_space<vmem_shared>>)
      %add3A_281 = arith.constant 1 : i32
      %add3A_282 = arith.addi %add3A_277, %add3A_281 : i32
      %add3A_283 = arith.addi %mul3A_5, %add3A_282 : i32
      %dma_start3A_284 = arith.constant 1 : i32
      %dma_start3A_285 = arith.constant 0 : i32
      %dma_start3A_286 = arith.constant 0 : i32
      %dma_start3A_287 = tpu.memref_slice %arg4[%dma_start3A_284, %add3A_283, %dma_start3A_285, %dma_start3A_286] : memref<2x4000x1x80xi32, #tpu.memory_space<hbm>> -> memref<1x1x1x80xi32, #tpu.memory_space<hbm>>
      %dma_start3A_288 = tpu.memref_squeeze %dma_start3A_287 : memref<1x1x1x80xi32, #tpu.memory_space<hbm>> -> memref<80xi32, #tpu.memory_space<hbm>>
      %dma_start3A_289 = arith.constant 0 : i32
      %dma_start3A_290 = tpu.memref_slice %arg4[%dma_start3A_284, %add3A_283, %dma_start3A_285, %dma_start3A_289] : memref<2x4000x1x80xi32, #tpu.memory_space<hbm>> -> memref<1x1x1x80xi32, #tpu.memory_space<hbm>>
      %dma_start3A_291 = tpu.memref_squeeze %dma_start3A_290 : memref<1x1x1x80xi32, #tpu.memory_space<hbm>> -> memref<80xi32, #tpu.memory_space<hbm>>
      tpu.enqueue_dma source(%dma_start3A_291 : memref<80xi32, #tpu.memory_space<hbm>>) target(%arg10 : memref<80xi32, #tpu.memory_space<vmem>>) target_semaphore(%arg19 : memref<!tpu.dma_semaphore, #tpu.memory_space<semaphore_mem>>)
      %mul3A_292 = arith.constant 80 : i32
      %mul3A_293 = arith.muli %add3A_282, %mul3A_292 : i32
      %multiple_of3A_294 = tpu.assume_multiple %mul3A_293, 16 : i32
      %dma_start3A_295 = tpu.memref_slice %arg7[%multiple_of3A_294] : memref<10000xi32, #tpu.memory_space<vmem>> -> memref<80xi32, #tpu.memory_space<vmem>>
      %dma_start3A_296 = arith.constant 0 : i32
      %dma_start3A_297 = arith.constant 0 : i32
      %dma_start3A_298 = tpu.memref_slice %arg2[%dma_start3A_296, %dma_start3A_297] : memref<10000x128xf32, #tpu.memory_space<hbm>> -> memref<10000x128xf32, #tpu.memory_space<hbm>>
      tpu.enqueue_indirect_dma source(%dma_start3A_298 : memref<10000x128xf32, #tpu.memory_space<hbm>>) target(%arg13 : memref<80x128xf32, #tpu.memory_space<vmem>>) offsets(%dma_start3A_295 : memref<80xi32, #tpu.memory_space<vmem>>) semaphore(%arg16 : memref<!tpu.dma_semaphore, #tpu.memory_space<semaphore_mem>>)
      %multiple_of3A_299 = arith.constant 0 : i32
      %multiple_of3A_300 = tpu.assume_multiple %multiple_of3A_299, 16 : i32
      %dma_wait3A_301 = tpu.memref_slice %arg7[%multiple_of3A_300] : memref<10000xi32, #tpu.memory_space<vmem>> -> memref<80xi32, #tpu.memory_space<vmem>>
      %dma_wait3A_302 = arith.constant 0 : i32
      %dma_wait3A_303 = arith.constant 0 : i32
      %dma_wait3A_304 = tpu.memref_slice %arg2[%dma_wait3A_302, %dma_wait3A_303] : memref<10000x128xf32, #tpu.memory_space<hbm>> -> memref<10000x128xf32, #tpu.memory_space<hbm>>
      tpu.wait_indirect_dma semaphore(%arg15 : memref<!tpu.dma_semaphore, #tpu.memory_space<semaphore_mem>>) src(%dma_wait3A_304 : memref<10000x128xf32, #tpu.memory_space<hbm>>) dst(%arg12 : memref<80x128xf32, #tpu.memory_space<vmem>>)
      %dma_wait3A_305 = arith.constant 1 : i32
      %dma_wait3A_306 = arith.constant 0 : i32
      %dma_wait3A_307 = arith.constant 0 : i32
      %dma_wait3A_308 = tpu.memref_slice %arg4[%dma_wait3A_305, %mul3A_5, %dma_wait3A_306, %dma_wait3A_307] : memref<2x4000x1x80xi32, #tpu.memory_space<hbm>> -> memref<1x1x1x80xi32, #tpu.memory_space<hbm>>
      %dma_wait3A_309 = tpu.memref_squeeze %dma_wait3A_308 : memref<1x1x1x80xi32, #tpu.memory_space<hbm>> -> memref<80xi32, #tpu.memory_space<hbm>>
      %dma_wait3A_310 = arith.constant 0 : i32
      %dma_wait3A_311 = tpu.memref_slice %arg4[%dma_wait3A_305, %mul3A_5, %dma_wait3A_306, %dma_wait3A_310] : memref<2x4000x1x80xi32, #tpu.memory_space<hbm>> -> memref<1x1x1x80xi32, #tpu.memory_space<hbm>>
      %dma_wait3A_312 = tpu.memref_squeeze %dma_wait3A_311 : memref<1x1x1x80xi32, #tpu.memory_space<hbm>> -> memref<80xi32, #tpu.memory_space<hbm>>
      tpu.wait_dma2 semaphore(%arg18 : memref<!tpu.dma_semaphore, #tpu.memory_space<semaphore_mem>>) src(%dma_wait3A_312 : memref<80xi32, #tpu.memory_space<hbm>>) dst(%arg9 : memref<80xi32, #tpu.memory_space<vmem>>)
      %dma_start3A_313 = arith.constant 0 : i32
      %dma_start3A_314 = arith.constant 0 : i32
      %dma_start3A_315 = tpu.memref_slice %arg23[%dma_start3A_313, %dma_start3A_314] : memref<10112x128xf32, #tpu.memory_space<vmem_shared>> -> memref<10112x128xf32, #tpu.memory_space<vmem_shared>>
      tpu.enqueue_indirect_dma source(%arg12 : memref<80x128xf32, #tpu.memory_space<vmem>>) target(%dma_start3A_315 : memref<10112x128xf32, #tpu.memory_space<vmem_shared>>) offsets(%arg9 : memref<80xi32, #tpu.memory_space<vmem>>) semaphore(%arg21 : memref<!tpu.dma_semaphore, #tpu.memory_space<semaphore_mem>>) {add = true}
    }
    %scan3A_89 = arith.constant 40 : i32
    %dma_wait3A_90 = arith.constant 0 : i32
    %dma_wait3A_91 = arith.constant 0 : i32
    %dma_wait3A_92 = tpu.memref_slice %arg23[%dma_wait3A_90, %dma_wait3A_91] : memref<10112x128xf32, #tpu.memory_space<vmem_shared>> -> memref<10112x128xf32, #tpu.memory_space<vmem_shared>>
    tpu.wait_indirect_dma semaphore(%arg20 : memref<!tpu.dma_semaphore, #tpu.memory_space<semaphore_mem>>) src(%arg11 : memref<80x128xf32, #tpu.memory_space<vmem>>) dst(%dma_wait3A_92 : memref<10112x128xf32, #tpu.memory_space<vmem_shared>>)
    %add3A_93 = arith.constant 123 : i32
    %add3A_94 = arith.addi %mul3A_5, %add3A_93 : i32
    %dma_start3A_95 = arith.constant 1 : i32
    %dma_start3A_96 = arith.constant 0 : i32
    %dma_start3A_97 = arith.constant 0 : i32
    %dma_start3A_98 = tpu.memref_slice %arg4[%dma_start3A_95, %add3A_94, %dma_start3A_96, %dma_start3A_97] : memref<2x4000x1x80xi32, #tpu.memory_space<hbm>> -> memref<1x1x1x80xi32, #tpu.memory_space<hbm>>
    %dma_start3A_99 = tpu.memref_squeeze %dma_start3A_98 : memref<1x1x1x80xi32, #tpu.memory_space<hbm>> -> memref<80xi32, #tpu.memory_space<hbm>>
    %dma_start3A_100 = arith.constant 0 : i32
    %dma_start3A_101 = tpu.memref_slice %arg4[%dma_start3A_95, %add3A_94, %dma_start3A_96, %dma_start3A_100] : memref<2x4000x1x80xi32, #tpu.memory_space<hbm>> -> memref<1x1x1x80xi32, #tpu.memory_space<hbm>>
    %dma_start3A_102 = tpu.memref_squeeze %dma_start3A_101 : memref<1x1x1x80xi32, #tpu.memory_space<hbm>> -> memref<80xi32, #tpu.memory_space<hbm>>
    tpu.enqueue_dma source(%dma_start3A_102 : memref<80xi32, #tpu.memory_space<hbm>>) target(%arg8 : memref<80xi32, #tpu.memory_space<vmem>>) target_semaphore(%arg17 : memref<!tpu.dma_semaphore, #tpu.memory_space<semaphore_mem>>)
    %multiple_of3A_103 = arith.constant 9840 : i32
    %multiple_of3A_104 = tpu.assume_multiple %multiple_of3A_103, 16 : i32
    %dma_start3A_105 = tpu.memref_slice %arg7[%multiple_of3A_104] : memref<10000xi32, #tpu.memory_space<vmem>> -> memref<80xi32, #tpu.memory_space<vmem>>
    %dma_start3A_106 = arith.constant 0 : i32
    %dma_start3A_107 = arith.constant 0 : i32
    %dma_start3A_108 = tpu.memref_slice %arg2[%dma_start3A_106, %dma_start3A_107] : memref<10000x128xf32, #tpu.memory_space<hbm>> -> memref<10000x128xf32, #tpu.memory_space<hbm>>
    tpu.enqueue_indirect_dma source(%dma_start3A_108 : memref<10000x128xf32, #tpu.memory_space<hbm>>) target(%arg11 : memref<80x128xf32, #tpu.memory_space<vmem>>) offsets(%dma_start3A_105 : memref<80xi32, #tpu.memory_space<vmem>>) semaphore(%arg14 : memref<!tpu.dma_semaphore, #tpu.memory_space<semaphore_mem>>)
    %multiple_of3A_109 = arith.constant 0 : i32
    %multiple_of3A_110 = tpu.assume_multiple %multiple_of3A_109, 16 : i32
    %dma_wait3A_111 = tpu.memref_slice %arg7[%multiple_of3A_110] : memref<10000xi32, #tpu.memory_space<vmem>> -> memref<80xi32, #tpu.memory_space<vmem>>
    %dma_wait3A_112 = arith.constant 0 : i32
    %dma_wait3A_113 = arith.constant 0 : i32
    %dma_wait3A_114 = tpu.memref_slice %arg2[%dma_wait3A_112, %dma_wait3A_113] : memref<10000x128xf32, #tpu.memory_space<hbm>> -> memref<10000x128xf32, #tpu.memory_space<hbm>>
    tpu.wait_indirect_dma semaphore(%arg16 : memref<!tpu.dma_semaphore, #tpu.memory_space<semaphore_mem>>) src(%dma_wait3A_114 : memref<10000x128xf32, #tpu.memory_space<hbm>>) dst(%arg13 : memref<80x128xf32, #tpu.memory_space<vmem>>)
    %dma_wait3A_115 = arith.constant 1 : i32
    %dma_wait3A_116 = arith.constant 0 : i32
    %dma_wait3A_117 = arith.constant 0 : i32
    %dma_wait3A_118 = tpu.memref_slice %arg4[%dma_wait3A_115, %mul3A_5, %dma_wait3A_116, %dma_wait3A_117] : memref<2x4000x1x80xi32, #tpu.memory_space<hbm>> -> memref<1x1x1x80xi32, #tpu.memory_space<hbm>>
    %dma_wait3A_119 = tpu.memref_squeeze %dma_wait3A_118 : memref<1x1x1x80xi32, #tpu.memory_space<hbm>> -> memref<80xi32, #tpu.memory_space<hbm>>
    %dma_wait3A_120 = arith.constant 0 : i32
    %dma_wait3A_121 = tpu.memref_slice %arg4[%dma_wait3A_115, %mul3A_5, %dma_wait3A_116, %dma_wait3A_120] : memref<2x4000x1x80xi32, #tpu.memory_space<hbm>> -> memref<1x1x1x80xi32, #tpu.memory_space<hbm>>
    %dma_wait3A_122 = tpu.memref_squeeze %dma_wait3A_121 : memref<1x1x1x80xi32, #tpu.memory_space<hbm>> -> memref<80xi32, #tpu.memory_space<hbm>>
    tpu.wait_dma2 semaphore(%arg19 : memref<!tpu.dma_semaphore, #tpu.memory_space<semaphore_mem>>) src(%dma_wait3A_122 : memref<80xi32, #tpu.memory_space<hbm>>) dst(%arg10 : memref<80xi32, #tpu.memory_space<vmem>>)
    %dma_start3A_123 = arith.constant 0 : i32
    %dma_start3A_124 = arith.constant 0 : i32
    %dma_start3A_125 = tpu.memref_slice %arg23[%dma_start3A_123, %dma_start3A_124] : memref<10112x128xf32, #tpu.memory_space<vmem_shared>> -> memref<10112x128xf32, #tpu.memory_space<vmem_shared>>
    tpu.enqueue_indirect_dma source(%arg13 : memref<80x128xf32, #tpu.memory_space<vmem>>) target(%dma_start3A_125 : memref<10112x128xf32, #tpu.memory_space<vmem_shared>>) offsets(%arg10 : memref<80xi32, #tpu.memory_space<vmem>>) semaphore(%arg22 : memref<!tpu.dma_semaphore, #tpu.memory_space<semaphore_mem>>) {add = true}
    %dma_wait3A_126 = arith.constant 0 : i32
    %dma_wait3A_127 = arith.constant 0 : i32
    %dma_wait3A_128 = tpu.memref_slice %arg23[%dma_wait3A_126, %dma_wait3A_127] : memref<10112x128xf32, #tpu.memory_space<vmem_shared>> -> memref<10112x128xf32, #tpu.memory_space<vmem_shared>>
    tpu.wait_indirect_dma semaphore(%arg21 : memref<!tpu.dma_semaphore, #tpu.memory_space<semaphore_mem>>) src(%arg12 : memref<80x128xf32, #tpu.memory_space<vmem>>) dst(%dma_wait3A_128 : memref<10112x128xf32, #tpu.memory_space<vmem_shared>>)
    %add3A_129 = arith.constant 124 : i32
    %add3A_130 = arith.addi %mul3A_5, %add3A_129 : i32
    %dma_start3A_131 = arith.constant 1 : i32
    %dma_start3A_132 = arith.constant 0 : i32
    %dma_start3A_133 = arith.constant 0 : i32
    %dma_start3A_134 = tpu.memref_slice %arg4[%dma_start3A_131, %add3A_130, %dma_start3A_132, %dma_start3A_133] : memref<2x4000x1x80xi32, #tpu.memory_space<hbm>> -> memref<1x1x1x80xi32, #tpu.memory_space<hbm>>
    %dma_start3A_135 = tpu.memref_squeeze %dma_start3A_134 : memref<1x1x1x80xi32, #tpu.memory_space<hbm>> -> memref<80xi32, #tpu.memory_space<hbm>>
    %dma_start3A_136 = arith.constant 0 : i32
    %dma_start3A_137 = tpu.memref_slice %arg4[%dma_start3A_131, %add3A_130, %dma_start3A_132, %dma_start3A_136] : memref<2x4000x1x80xi32, #tpu.memory_space<hbm>> -> memref<1x1x1x80xi32, #tpu.memory_space<hbm>>
    %dma_start3A_138 = tpu.memref_squeeze %dma_start3A_137 : memref<1x1x1x80xi32, #tpu.memory_space<hbm>> -> memref<80xi32, #tpu.memory_space<hbm>>
    tpu.enqueue_dma source(%dma_start3A_138 : memref<80xi32, #tpu.memory_space<hbm>>) target(%arg9 : memref<80xi32, #tpu.memory_space<vmem>>) target_semaphore(%arg18 : memref<!tpu.dma_semaphore, #tpu.memory_space<semaphore_mem>>)
    %multiple_of3A_139 = arith.constant 9920 : i32
    %multiple_of3A_140 = tpu.assume_multiple %multiple_of3A_139, 16 : i32
    %dma_start3A_141 = tpu.memref_slice %arg7[%multiple_of3A_140] : memref<10000xi32, #tpu.memory_space<vmem>> -> memref<80xi32, #tpu.memory_space<vmem>>
    %dma_start3A_142 = arith.constant 0 : i32
    %dma_start3A_143 = arith.constant 0 : i32
    %dma_start3A_144 = tpu.memref_slice %arg2[%dma_start3A_142, %dma_start3A_143] : memref<10000x128xf32, #tpu.memory_space<hbm>> -> memref<10000x128xf32, #tpu.memory_space<hbm>>
    tpu.enqueue_indirect_dma source(%dma_start3A_144 : memref<10000x128xf32, #tpu.memory_space<hbm>>) target(%arg12 : memref<80x128xf32, #tpu.memory_space<vmem>>) offsets(%dma_start3A_141 : memref<80xi32, #tpu.memory_space<vmem>>) semaphore(%arg15 : memref<!tpu.dma_semaphore, #tpu.memory_space<semaphore_mem>>)
    %multiple_of3A_145 = arith.constant 0 : i32
    %multiple_of3A_146 = tpu.assume_multiple %multiple_of3A_145, 16 : i32
    %dma_wait3A_147 = tpu.memref_slice %arg7[%multiple_of3A_146] : memref<10000xi32, #tpu.memory_space<vmem>> -> memref<80xi32, #tpu.memory_space<vmem>>
    %dma_wait3A_148 = arith.constant 0 : i32
    %dma_wait3A_149 = arith.constant 0 : i32
    %dma_wait3A_150 = tpu.memref_slice %arg2[%dma_wait3A_148, %dma_wait3A_149] : memref<10000x128xf32, #tpu.memory_space<hbm>> -> memref<10000x128xf32, #tpu.memory_space<hbm>>
    tpu.wait_indirect_dma semaphore(%arg14 : memref<!tpu.dma_semaphore, #tpu.memory_space<semaphore_mem>>) src(%dma_wait3A_150 : memref<10000x128xf32, #tpu.memory_space<hbm>>) dst(%arg11 : memref<80x128xf32, #tpu.memory_space<vmem>>)
    %dma_wait3A_151 = arith.constant 1 : i32
    %dma_wait3A_152 = arith.constant 0 : i32
    %dma_wait3A_153 = arith.constant 0 : i32
    %dma_wait3A_154 = tpu.memref_slice %arg4[%dma_wait3A_151, %mul3A_5, %dma_wait3A_152, %dma_wait3A_153] : memref<2x4000x1x80xi32, #tpu.memory_space<hbm>> -> memref<1x1x1x80xi32, #tpu.memory_space<hbm>>
    %dma_wait3A_155 = tpu.memref_squeeze %dma_wait3A_154 : memref<1x1x1x80xi32, #tpu.memory_space<hbm>> -> memref<80xi32, #tpu.memory_space<hbm>>
    %dma_wait3A_156 = arith.constant 0 : i32
    %dma_wait3A_157 = tpu.memref_slice %arg4[%dma_wait3A_151, %mul3A_5, %dma_wait3A_152, %dma_wait3A_156] : memref<2x4000x1x80xi32, #tpu.memory_space<hbm>> -> memref<1x1x1x80xi32, #tpu.memory_space<hbm>>
    %dma_wait3A_158 = tpu.memref_squeeze %dma_wait3A_157 : memref<1x1x1x80xi32, #tpu.memory_space<hbm>> -> memref<80xi32, #tpu.memory_space<hbm>>
    tpu.wait_dma2 semaphore(%arg17 : memref<!tpu.dma_semaphore, #tpu.memory_space<semaphore_mem>>) src(%dma_wait3A_158 : memref<80xi32, #tpu.memory_space<hbm>>) dst(%arg8 : memref<80xi32, #tpu.memory_space<vmem>>)
    %dma_start3A_159 = arith.constant 0 : i32
    %dma_start3A_160 = arith.constant 0 : i32
    %dma_start3A_161 = tpu.memref_slice %arg23[%dma_start3A_159, %dma_start3A_160] : memref<10112x128xf32, #tpu.memory_space<vmem_shared>> -> memref<10112x128xf32, #tpu.memory_space<vmem_shared>>
    tpu.enqueue_indirect_dma source(%arg11 : memref<80x128xf32, #tpu.memory_space<vmem>>) target(%dma_start3A_161 : memref<10112x128xf32, #tpu.memory_space<vmem_shared>>) offsets(%arg8 : memref<80xi32, #tpu.memory_space<vmem>>) semaphore(%arg20 : memref<!tpu.dma_semaphore, #tpu.memory_space<semaphore_mem>>) {add = true}
    %dma_wait3A_162 = arith.constant 0 : i32
    %dma_wait3A_163 = arith.constant 0 : i32
    %dma_wait3A_164 = tpu.memref_slice %arg23[%dma_wait3A_162, %dma_wait3A_163] : memref<10112x128xf32, #tpu.memory_space<vmem_shared>> -> memref<10112x128xf32, #tpu.memory_space<vmem_shared>>
    tpu.wait_indirect_dma semaphore(%arg22 : memref<!tpu.dma_semaphore, #tpu.memory_space<semaphore_mem>>) src(%arg13 : memref<80x128xf32, #tpu.memory_space<vmem>>) dst(%dma_wait3A_164 : memref<10112x128xf32, #tpu.memory_space<vmem_shared>>)
    %multiple_of3A_165 = arith.constant 0 : i32
    %multiple_of3A_166 = tpu.assume_multiple %multiple_of3A_165, 16 : i32
    %dma_wait3A_167 = tpu.memref_slice %arg7[%multiple_of3A_166] : memref<10000xi32, #tpu.memory_space<vmem>> -> memref<80xi32, #tpu.memory_space<vmem>>
    %dma_wait3A_168 = arith.constant 0 : i32
    %dma_wait3A_169 = arith.constant 0 : i32
    %dma_wait3A_170 = tpu.memref_slice %arg2[%dma_wait3A_168, %dma_wait3A_169] : memref<10000x128xf32, #tpu.memory_space<hbm>> -> memref<10000x128xf32, #tpu.memory_space<hbm>>
    tpu.wait_indirect_dma semaphore(%arg15 : memref<!tpu.dma_semaphore, #tpu.memory_space<semaphore_mem>>) src(%dma_wait3A_170 : memref<10000x128xf32, #tpu.memory_space<hbm>>) dst(%arg12 : memref<80x128xf32, #tpu.memory_space<vmem>>)
    %dma_wait3A_171 = arith.constant 1 : i32
    %dma_wait3A_172 = arith.constant 0 : i32
    %dma_wait3A_173 = arith.constant 0 : i32
    %dma_wait3A_174 = tpu.memref_slice %arg4[%dma_wait3A_171, %mul3A_5, %dma_wait3A_172, %dma_wait3A_173] : memref<2x4000x1x80xi32, #tpu.memory_space<hbm>> -> memref<1x1x1x80xi32, #tpu.memory_space<hbm>>
    %dma_wait3A_175 = tpu.memref_squeeze %dma_wait3A_174 : memref<1x1x1x80xi32, #tpu.memory_space<hbm>> -> memref<80xi32, #tpu.memory_space<hbm>>
    %dma_wait3A_176 = arith.constant 0 : i32
    %dma_wait3A_177 = tpu.memref_slice %arg4[%dma_wait3A_171, %mul3A_5, %dma_wait3A_172, %dma_wait3A_176] : memref<2x4000x1x80xi32, #tpu.memory_space<hbm>> -> memref<1x1x1x80xi32, #tpu.memory_space<hbm>>
    %dma_wait3A_178 = tpu.memref_squeeze %dma_wait3A_177 : memref<1x1x1x80xi32, #tpu.memory_space<hbm>> -> memref<80xi32, #tpu.memory_space<hbm>>
    tpu.wait_dma2 semaphore(%arg18 : memref<!tpu.dma_semaphore, #tpu.memory_space<semaphore_mem>>) src(%dma_wait3A_178 : memref<80xi32, #tpu.memory_space<hbm>>) dst(%arg9 : memref<80xi32, #tpu.memory_space<vmem>>)
    %dma_start3A_179 = arith.constant 0 : i32
    %dma_start3A_180 = arith.constant 0 : i32
    %dma_start3A_181 = tpu.memref_slice %arg23[%dma_start3A_179, %dma_start3A_180] : memref<10112x128xf32, #tpu.memory_space<vmem_shared>> -> memref<10112x128xf32, #tpu.memory_space<vmem_shared>>
    tpu.enqueue_indirect_dma source(%arg12 : memref<80x128xf32, #tpu.memory_space<vmem>>) target(%dma_start3A_181 : memref<10112x128xf32, #tpu.memory_space<vmem_shared>>) offsets(%arg9 : memref<80xi32, #tpu.memory_space<vmem>>) semaphore(%arg21 : memref<!tpu.dma_semaphore, #tpu.memory_space<semaphore_mem>>) {add = true}
    %dma_wait3A_182 = arith.constant 0 : i32
    %dma_wait3A_183 = arith.constant 0 : i32
    %dma_wait3A_184 = tpu.memref_slice %arg23[%dma_wait3A_182, %dma_wait3A_183] : memref<10112x128xf32, #tpu.memory_space<vmem_shared>> -> memref<10112x128xf32, #tpu.memory_space<vmem_shared>>
    tpu.wait_indirect_dma semaphore(%arg20 : memref<!tpu.dma_semaphore, #tpu.memory_space<semaphore_mem>>) src(%arg11 : memref<80x128xf32, #tpu.memory_space<vmem>>) dst(%dma_wait3A_184 : memref<10112x128xf32, #tpu.memory_space<vmem_shared>>)
    %dma_wait3A_185 = arith.constant 0 : i32
    %dma_wait3A_186 = arith.constant 0 : i32
    %dma_wait3A_187 = tpu.memref_slice %arg23[%dma_wait3A_185, %dma_wait3A_186] : memref<10112x128xf32, #tpu.memory_space<vmem_shared>> -> memref<10112x128xf32, #tpu.memory_space<vmem_shared>>
    tpu.wait_indirect_dma semaphore(%arg21 : memref<!tpu.dma_semaphore, #tpu.memory_space<semaphore_mem>>) src(%arg12 : memref<80x128xf32, #tpu.memory_space<vmem>>) dst(%dma_wait3A_187 : memref<10112x128xf32, #tpu.memory_space<vmem_shared>>)
    %barrier3A_188 = arith.constant 0 : index
    tpu.barrier barrier_id(%barrier3A_188)
    %mul3A_189 = arith.constant 632 : i32
    %mul3A_190 = arith.muli %arg1, %mul3A_189 : i32
    %mul3A_191 = arith.constant 632 : i32
    %mul3A_192 = arith.muli %arg1, %mul3A_191 : i32
    "tpu.region"() ({
      %run_scoped3A_193 = tpu.sem_alloc : memref<!tpu.dma_semaphore, #tpu.memory_space<semaphore_mem>>
      %dma_start3A_194 = arith.constant 0 : i32
      %dma_start3A_195 = tpu.memref_slice %arg6[%arg0, %mul3A_192, %dma_start3A_194] : memref<2x10112x128xf32, #tpu.memory_space<hbm>> -> memref<1x632x128xf32, #tpu.memory_space<hbm>>
      %dma_start3A_196 = tpu.memref_squeeze %dma_start3A_195 : memref<1x632x128xf32, #tpu.memory_space<hbm>> -> memref<632x128xf32, #tpu.memory_space<hbm>>
      %dma_start3A_197 = arith.constant 0 : i32
      %dma_start3A_198 = tpu.memref_slice %arg23[%mul3A_190, %dma_start3A_197] : memref<10112x128xf32, #tpu.memory_space<vmem_shared>> -> memref<632x128xf32, #tpu.memory_space<vmem_shared>>
      tpu.enqueue_dma source(%dma_start3A_198 : memref<632x128xf32, #tpu.memory_space<vmem_shared>>) target(%dma_start3A_196 : memref<632x128xf32, #tpu.memory_space<hbm>>) target_semaphore(%run_scoped3A_193 : memref<!tpu.dma_semaphore, #tpu.memory_space<semaphore_mem>>)
      %dma_wait3A_199 = arith.constant 0 : i32
      %dma_wait3A_200 = tpu.memref_slice %arg6[%arg0, %mul3A_192, %dma_wait3A_199] : memref<2x10112x128xf32, #tpu.memory_space<hbm>> -> memref<1x632x128xf32, #tpu.memory_space<hbm>>
      %dma_wait3A_201 = tpu.memref_squeeze %dma_wait3A_200 : memref<1x632x128xf32, #tpu.memory_space<hbm>> -> memref<632x128xf32, #tpu.memory_space<hbm>>
      %dma_wait3A_202 = arith.constant 0 : i32
      %dma_wait3A_203 = tpu.memref_slice %arg23[%mul3A_190, %dma_wait3A_202] : memref<10112x128xf32, #tpu.memory_space<vmem_shared>> -> memref<632x128xf32, #tpu.memory_space<vmem_shared>>
      tpu.wait_dma2 semaphore(%run_scoped3A_193 : memref<!tpu.dma_semaphore, #tpu.memory_space<semaphore_mem>>) src(%dma_wait3A_203 : memref<632x128xf32, #tpu.memory_space<vmem_shared>>) dst(%dma_wait3A_201 : memref<632x128xf32, #tpu.memory_space<hbm>>)
      tpu.yield
    }) : () -> ()
    return
  }
}

module attributes {stable_mosaic.version = 14 : i64} {
  func.func @_mm1_body(%arg0: i32, %arg1: memref<1000x128xf32, #tpu.memory_space<vmem>>, %arg2: memref<128x128xf32, #tpu.memory_space<vmem>>, %arg3: memref<32x1x1x1000xf32, #tpu.memory_space<vmem>>, %arg4: memref<32x1x1x1000xf32, #tpu.memory_space<vmem>>, %arg5: memref<1000x128xf32, #tpu.memory_space<vmem>>, %arg6: memref<1000x1xf32, #tpu.memory_space<vmem>>, %arg7: memref<1000x1xf32, #tpu.memory_space<vmem>>) attributes {dimension_semantics = [#tpu.dimension_semantics<arbitrary>], iteration_bounds = array<i64: 10>, scalar_prefetch = 0 : i64, scratch_operands = 0 : i64, tpu.core_type = #tpu.core_type<tc>, window_params = [{transform_indices = @transform_0, window_bounds = array<i64: 1000, 128>}, {pipeline_mode = #tpu.pipeline_mode<synchronous>, transform_indices = @transform_1, window_bounds = array<i64: 128, 128>}, {transform_indices = @transform_2, window_bounds = array<i64: 32, 1, 1, 1000>}, {transform_indices = @transform_3, window_bounds = array<i64: 32, 1, 1, 1000>}, {transform_indices = @transform_4, window_bounds = array<i64: 1000, 128>}, {transform_indices = @transform_5, window_bounds = array<i64: 1000, 1>}, {transform_indices = @transform_6, window_bounds = array<i64: 1000, 1>}]} {
    %get3A = arith.constant 0 : index
    %get3A_0 = arith.constant 0 : index
    %get3A_1 = arith.constant 0 : index
    %get3A_2 = arith.constant 0 : index
    %get3A_3 = vector.load %arg3[%get3A, %get3A_0, %get3A_1, %get3A_2] : memref<32x1x1x1000xf32, #tpu.memory_space<vmem>>, vector<32x1x1x1000xf32>
    %get3A_4 = vector.shape_cast %get3A_3 : vector<32x1x1x1000xf32> to vector<32x1000xf32>
    %reduce_sum3A = arith.constant dense<0.000000e+00> : vector<1000xf32>
    %reduce_sum3A_5 = vector.multi_reduction <add>, %get3A_4, %reduce_sum3A [0] : vector<32x1000xf32> to vector<1000xf32>
    %broadcast_in_dim3A = vector.shape_cast %reduce_sum3A_5 : vector<1000xf32> to vector<1x1000xf32>
    %max3A = arith.constant 1.000000e+00 : f32
    %max3A_6 = vector.broadcast %max3A : f32 to vector<1x1000xf32>
    %max3A_7 = arith.maximumf %broadcast_in_dim3A, %max3A_6 : vector<1x1000xf32>
    %rsqrt3A = math.rsqrt %max3A_7 : vector<1x1000xf32>
    %transpose3A = tpu.transpose %rsqrt3A, [1, 0] : vector<1x1000xf32> -> vector<1000x1xf32>
    %get3A_8 = arith.constant 0 : index
    %get3A_9 = arith.constant 0 : index
    %get3A_10 = arith.constant 0 : index
    %get3A_11 = arith.constant 0 : index
    %get3A_12 = vector.load %arg4[%get3A_8, %get3A_9, %get3A_10, %get3A_11] : memref<32x1x1x1000xf32, #tpu.memory_space<vmem>>, vector<32x1x1x1000xf32>
    %get3A_13 = vector.shape_cast %get3A_12 : vector<32x1x1x1000xf32> to vector<32x1000xf32>
    %reduce_sum3A_14 = arith.constant dense<0.000000e+00> : vector<1000xf32>
    %reduce_sum3A_15 = vector.multi_reduction <add>, %get3A_13, %reduce_sum3A_14 [0] : vector<32x1000xf32> to vector<1000xf32>
    %broadcast_in_dim3A_16 = vector.shape_cast %reduce_sum3A_15 : vector<1000xf32> to vector<1x1000xf32>
    %max3A_17 = arith.constant 1.000000e+00 : f32
    %max3A_18 = vector.broadcast %max3A_17 : f32 to vector<1x1000xf32>
    %max3A_19 = arith.maximumf %broadcast_in_dim3A_16, %max3A_18 : vector<1x1000xf32>
    %rsqrt3A_20 = math.rsqrt %max3A_19 : vector<1x1000xf32>
    %transpose3A_21 = tpu.transpose %rsqrt3A_20, [1, 0] : vector<1x1000xf32> -> vector<1000x1xf32>
    %get3A_22 = arith.constant 0 : index
    %get3A_23 = arith.constant 0 : index
    %get3A_24 = vector.load %arg1[%get3A_22, %get3A_23] : memref<1000x128xf32, #tpu.memory_space<vmem>>, vector<1000x128xf32>
    %get3A_25 = arith.constant 0 : index
    %get3A_26 = arith.constant 0 : index
    %get3A_27 = vector.load %arg2[%get3A_25, %get3A_26] : memref<128x128xf32, #tpu.memory_space<vmem>>, vector<128x128xf32>
    %dot_general3A = arith.constant dense<0.000000e+00> : vector<1000x128xf32>
    %dot_general3A_28 = tpu.matmul %get3A_24, %get3A_27, %dot_general3A {dimension_numbers = #tpu.dot_dimension_numbers<[1], [0], [0], [1], [0, 0, 1, 1], [], []>, transpose_lhs_hint = false} : vector<1000x128xf32>, vector<128x128xf32>, vector<1000x128xf32> -> vector<1000x128xf32>
    %mul3A = vector.broadcast %transpose3A : vector<1000x1xf32> to vector<1000x128xf32>
    %mul3A_29 = arith.mulf %dot_general3A_28, %mul3A : vector<1000x128xf32>
    %swap3A = arith.constant 0 : index
    %swap3A_30 = arith.constant 0 : index
    %swap3A_31 = vector.load %arg5[%swap3A, %swap3A_30] : memref<1000x128xf32, #tpu.memory_space<vmem>>, vector<1000x128xf32>
    tpu.vector_store %arg5[%swap3A, %swap3A_30], %mul3A_29 {strides = array<i32>} : memref<1000x128xf32, #tpu.memory_space<vmem>>, vector<1000x128xf32>,
    %swap3A_32 = arith.constant 0 : index
    %swap3A_33 = arith.constant 0 : index
    %swap3A_34 = vector.load %arg6[%swap3A_32, %swap3A_33] : memref<1000x1xf32, #tpu.memory_space<vmem>>, vector<1000x1xf32>
    tpu.vector_store %arg6[%swap3A_32, %swap3A_33], %transpose3A {strides = array<i32>} : memref<1000x1xf32, #tpu.memory_space<vmem>>, vector<1000x1xf32>,
    %swap3A_35 = arith.constant 0 : index
    %swap3A_36 = arith.constant 0 : index
    %swap3A_37 = vector.load %arg7[%swap3A_35, %swap3A_36] : memref<1000x1xf32, #tpu.memory_space<vmem>>, vector<1000x1xf32>
    tpu.vector_store %arg7[%swap3A_35, %swap3A_36], %transpose3A_21 {strides = array<i32>} : memref<1000x1xf32, #tpu.memory_space<vmem>>, vector<1000x1xf32>,
    return
  }
  func.func @transform_0(%arg0: i32) -> (i32, i32) {
    %c0_i32 = arith.constant 0 : i32
    %c0_i32_0 = arith.constant 0 : i32
    return %arg0, %c0_i32 : i32, i32
  }
  func.func @transform_1(%arg0: i32) -> (i32, i32) {
    %c0_i32 = arith.constant 0 : i32
    %c0_i32_0 = arith.constant 0 : i32
    %c0_i32_1 = arith.constant 0 : i32
    return %c0_i32, %c0_i32_0 : i32, i32
  }
  func.func @transform_2(%arg0: i32) -> (i32, i32, i32, i32) {
    %c0_i32 = arith.constant 0 : i32
    %c0_i32_0 = arith.constant 0 : i32
    %c0_i32_1 = arith.constant 0 : i32
    %c0_i32_2 = arith.constant 0 : i32
    return %c0_i32, %arg0, %c0_i32_0, %c0_i32_1 : i32, i32, i32, i32
  }
  func.func @transform_3(%arg0: i32) -> (i32, i32, i32, i32) {
    %add3A = arith.constant 10 : i32
    %add3A_0 = arith.addi %arg0, %add3A : i32
    %c0_i32 = arith.constant 0 : i32
    %c0_i32_1 = arith.constant 0 : i32
    %c0_i32_2 = arith.constant 0 : i32
    %c0_i32_3 = arith.constant 0 : i32
    return %c0_i32, %add3A_0, %c0_i32_1, %c0_i32_2 : i32, i32, i32, i32
  }
  func.func @transform_4(%arg0: i32) -> (i32, i32) {
    %c0_i32 = arith.constant 0 : i32
    %c0_i32_0 = arith.constant 0 : i32
    return %arg0, %c0_i32 : i32, i32
  }
  func.func @transform_5(%arg0: i32) -> (i32, i32) {
    %c0_i32 = arith.constant 0 : i32
    %c0_i32_0 = arith.constant 0 : i32
    return %arg0, %c0_i32 : i32, i32
  }
  func.func @transform_6(%arg0: i32) -> (i32, i32) {
    %c0_i32 = arith.constant 0 : i32
    %c0_i32_0 = arith.constant 0 : i32
    return %arg0, %c0_i32 : i32, i32
  }
}

module attributes {stable_mosaic.version = 14 : i64} {
  func.func @_mid_body(%arg0: i32, %arg1: memref<1x1000x128xf32, #tpu.memory_space<vmem>>, %arg2: memref<1x1000x128xf32, #tpu.memory_space<vmem>>, %arg3: memref<1000x1xf32, #tpu.memory_space<vmem>>, %arg4: memref<1000x1xf32, #tpu.memory_space<vmem>>, %arg5: memref<1x128xf32, #tpu.memory_space<vmem>>, %arg6: memref<1000x128xf32, #tpu.memory_space<vmem>>) attributes {dimension_semantics = [#tpu.dimension_semantics<arbitrary>], iteration_bounds = array<i64: 10>, scalar_prefetch = 0 : i64, scratch_operands = 0 : i64, tpu.core_type = #tpu.core_type<tc>, window_params = [{transform_indices = @transform_0, window_bounds = array<i64: 1, 1000, 128>}, {transform_indices = @transform_1, window_bounds = array<i64: 1, 1000, 128>}, {transform_indices = @transform_2, window_bounds = array<i64: 1000, 1>}, {transform_indices = @transform_3, window_bounds = array<i64: 1000, 1>}, {pipeline_mode = #tpu.pipeline_mode<synchronous>, transform_indices = @transform_4, window_bounds = array<i64: 1, 128>}, {transform_indices = @transform_5, window_bounds = array<i64: 1000, 128>}]} {
    %get3A = arith.constant 0 : index
    %get3A_0 = arith.constant 0 : index
    %get3A_1 = arith.constant 0 : index
    %get3A_2 = vector.load %arg1[%get3A, %get3A_0, %get3A_1] : memref<1x1000x128xf32, #tpu.memory_space<vmem>>, vector<1x1000x128xf32>
    %get3A_3 = vector.shape_cast %get3A_2 : vector<1x1000x128xf32> to vector<1000x128xf32>
    %get3A_4 = arith.constant 0 : index
    %get3A_5 = arith.constant 0 : index
    %get3A_6 = arith.constant 0 : index
    %get3A_7 = vector.load %arg2[%get3A_4, %get3A_5, %get3A_6] : memref<1x1000x128xf32, #tpu.memory_space<vmem>>, vector<1x1000x128xf32>
    %get3A_8 = vector.shape_cast %get3A_7 : vector<1x1000x128xf32> to vector<1000x128xf32>
    %add3A = arith.addf %get3A_3, %get3A_8 : vector<1000x128xf32>
    %get3A_9 = arith.constant 0 : index
    %get3A_10 = arith.constant 0 : index
    %get3A_11 = vector.load %arg3[%get3A_9, %get3A_10] : memref<1000x1xf32, #tpu.memory_space<vmem>>, vector<1000x1xf32>
    %mul3A = vector.broadcast %get3A_11 : vector<1000x1xf32> to vector<1000x128xf32>
    %mul3A_12 = arith.mulf %add3A, %mul3A : vector<1000x128xf32>
    %get3A_13 = arith.constant 0 : index
    %get3A_14 = arith.constant 0 : index
    %get3A_15 = vector.load %arg5[%get3A_13, %get3A_14] : memref<1x128xf32, #tpu.memory_space<vmem>>, vector<1x128xf32>
    %add3A_16 = vector.broadcast %get3A_15 : vector<1x128xf32> to vector<1000x128xf32>
    %add3A_17 = arith.addf %mul3A_12, %add3A_16 : vector<1000x128xf32>
    %max3A = arith.constant 0.000000e+00 : f32
    %max3A_18 = vector.broadcast %max3A : f32 to vector<1000x128xf32>
    %max3A_19 = arith.maximumf %add3A_17, %max3A_18 : vector<1000x128xf32>
    %get3A_20 = arith.constant 0 : index
    %get3A_21 = arith.constant 0 : index
    %get3A_22 = vector.load %arg4[%get3A_20, %get3A_21] : memref<1000x1xf32, #tpu.memory_space<vmem>>, vector<1000x1xf32>
    %mul3A_23 = vector.broadcast %get3A_22 : vector<1000x1xf32> to vector<1000x128xf32>
    %mul3A_24 = arith.mulf %max3A_19, %mul3A_23 : vector<1000x128xf32>
    %swap3A = arith.constant 0 : index
    %swap3A_25 = arith.constant 0 : index
    %swap3A_26 = vector.load %arg6[%swap3A, %swap3A_25] : memref<1000x128xf32, #tpu.memory_space<vmem>>, vector<1000x128xf32>
    tpu.vector_store %arg6[%swap3A, %swap3A_25], %mul3A_24 {strides = array<i32>} : memref<1000x128xf32, #tpu.memory_space<vmem>>, vector<1000x128xf32>,
    return
  }
  func.func @transform_0(%arg0: i32) -> (i32, i32, i32) {
    %c0_i32 = arith.constant 0 : i32
    %c0_i32_0 = arith.constant 0 : i32
    %c0_i32_1 = arith.constant 0 : i32
    return %c0_i32, %arg0, %c0_i32_0 : i32, i32, i32
  }
  func.func @transform_1(%arg0: i32) -> (i32, i32, i32) {
    %c1_i32 = arith.constant 1 : i32
    %c0_i32 = arith.constant 0 : i32
    %c0_i32_0 = arith.constant 0 : i32
    return %c1_i32, %arg0, %c0_i32 : i32, i32, i32
  }
  func.func @transform_2(%arg0: i32) -> (i32, i32) {
    %c0_i32 = arith.constant 0 : i32
    %c0_i32_0 = arith.constant 0 : i32
    return %arg0, %c0_i32 : i32, i32
  }
  func.func @transform_3(%arg0: i32) -> (i32, i32) {
    %c0_i32 = arith.constant 0 : i32
    %c0_i32_0 = arith.constant 0 : i32
    return %arg0, %c0_i32 : i32, i32
  }
  func.func @transform_4(%arg0: i32) -> (i32, i32) {
    %c0_i32 = arith.constant 0 : i32
    %c0_i32_0 = arith.constant 0 : i32
    %c0_i32_1 = arith.constant 0 : i32
    return %c0_i32, %c0_i32_0 : i32, i32
  }
  func.func @transform_5(%arg0: i32) -> (i32, i32) {
    %c0_i32 = arith.constant 0 : i32
    %c0_i32_0 = arith.constant 0 : i32
    return %arg0, %c0_i32 : i32, i32
  }
}

module attributes {stable_mosaic.version = 14 : i64} {
  func.func @_fin_body(%arg0: i32, %arg1: memref<1x1000x128xf32, #tpu.memory_space<vmem>>, %arg2: memref<1x1000x128xf32, #tpu.memory_space<vmem>>, %arg3: memref<1000x1xf32, #tpu.memory_space<vmem>>, %arg4: memref<128x64xf32, #tpu.memory_space<vmem>>, %arg5: memref<1x64xf32, #tpu.memory_space<vmem>>, %arg6: memref<1000x64xf32, #tpu.memory_space<vmem>>) attributes {dimension_semantics = [#tpu.dimension_semantics<arbitrary>], iteration_bounds = array<i64: 10>, scalar_prefetch = 0 : i64, scratch_operands = 0 : i64, tpu.core_type = #tpu.core_type<tc>, window_params = [{transform_indices = @transform_0, window_bounds = array<i64: 1, 1000, 128>}, {transform_indices = @transform_1, window_bounds = array<i64: 1, 1000, 128>}, {transform_indices = @transform_2, window_bounds = array<i64: 1000, 1>}, {pipeline_mode = #tpu.pipeline_mode<synchronous>, transform_indices = @transform_3, window_bounds = array<i64: 128, 64>}, {pipeline_mode = #tpu.pipeline_mode<synchronous>, transform_indices = @transform_4, window_bounds = array<i64: 1, 64>}, {transform_indices = @transform_5, window_bounds = array<i64: 1000, 64>}]} {
    %get3A = arith.constant 0 : index
    %get3A_0 = arith.constant 0 : index
    %get3A_1 = arith.constant 0 : index
    %get3A_2 = vector.load %arg1[%get3A, %get3A_0, %get3A_1] : memref<1x1000x128xf32, #tpu.memory_space<vmem>>, vector<1x1000x128xf32>
    %get3A_3 = vector.shape_cast %get3A_2 : vector<1x1000x128xf32> to vector<1000x128xf32>
    %get3A_4 = arith.constant 0 : index
    %get3A_5 = arith.constant 0 : index
    %get3A_6 = arith.constant 0 : index
    %get3A_7 = vector.load %arg2[%get3A_4, %get3A_5, %get3A_6] : memref<1x1000x128xf32, #tpu.memory_space<vmem>>, vector<1x1000x128xf32>
    %get3A_8 = vector.shape_cast %get3A_7 : vector<1x1000x128xf32> to vector<1000x128xf32>
    %add3A = arith.addf %get3A_3, %get3A_8 : vector<1000x128xf32>
    %get3A_9 = arith.constant 0 : index
    %get3A_10 = arith.constant 0 : index
    %get3A_11 = vector.load %arg4[%get3A_9, %get3A_10] : memref<128x64xf32, #tpu.memory_space<vmem>>, vector<128x64xf32>
    %dot_general3A = arith.constant dense<0.000000e+00> : vector<1000x64xf32>
    %dot_general3A_12 = tpu.matmul %add3A, %get3A_11, %dot_general3A {dimension_numbers = #tpu.dot_dimension_numbers<[1], [0], [0], [1], [0, 0, 1, 1], [], []>, transpose_lhs_hint = false} : vector<1000x128xf32>, vector<128x64xf32>, vector<1000x64xf32> -> vector<1000x64xf32>
    %get3A_13 = arith.constant 0 : index
    %get3A_14 = arith.constant 0 : index
    %get3A_15 = vector.load %arg3[%get3A_13, %get3A_14] : memref<1000x1xf32, #tpu.memory_space<vmem>>, vector<1000x1xf32>
    %mul3A = vector.broadcast %get3A_15 : vector<1000x1xf32> to vector<1000x64xf32>
    %mul3A_16 = arith.mulf %dot_general3A_12, %mul3A : vector<1000x64xf32>
    %get3A_17 = arith.constant 0 : index
    %get3A_18 = arith.constant 0 : index
    %get3A_19 = vector.load %arg5[%get3A_17, %get3A_18] : memref<1x64xf32, #tpu.memory_space<vmem>>, vector<1x64xf32>
    %add3A_20 = vector.broadcast %get3A_19 : vector<1x64xf32> to vector<1000x64xf32>
    %add3A_21 = arith.addf %mul3A_16, %add3A_20 : vector<1000x64xf32>
    %swap3A = arith.constant 0 : index
    %swap3A_22 = arith.constant 0 : index
    %swap3A_23 = vector.load %arg6[%swap3A, %swap3A_22] : memref<1000x64xf32, #tpu.memory_space<vmem>>, vector<1000x64xf32>
    tpu.vector_store %arg6[%swap3A, %swap3A_22], %add3A_21 {strides = array<i32>} : memref<1000x64xf32, #tpu.memory_space<vmem>>, vector<1000x64xf32>,
    return
  }
  func.func @transform_0(%arg0: i32) -> (i32, i32, i32) {
    %c0_i32 = arith.constant 0 : i32
    %c0_i32_0 = arith.constant 0 : i32
    %c0_i32_1 = arith.constant 0 : i32
    return %c0_i32, %arg0, %c0_i32_0 : i32, i32, i32
  }
  func.func @transform_1(%arg0: i32) -> (i32, i32, i32) {
    %c1_i32 = arith.constant 1 : i32
    %c0_i32 = arith.constant 0 : i32
    %c0_i32_0 = arith.constant 0 : i32
    return %c1_i32, %arg0, %c0_i32 : i32, i32, i32
  }
  func.func @transform_2(%arg0: i32) -> (i32, i32) {
    %c0_i32 = arith.constant 0 : i32
    %c0_i32_0 = arith.constant 0 : i32
    return %arg0, %c0_i32 : i32, i32
  }
  func.func @transform_3(%arg0: i32) -> (i32, i32) {
    %c0_i32 = arith.constant 0 : i32
    %c0_i32_0 = arith.constant 0 : i32
    %c0_i32_1 = arith.constant 0 : i32
    return %c0_i32, %c0_i32_0 : i32, i32
  }
  func.func @transform_4(%arg0: i32) -> (i32, i32) {
    %c0_i32 = arith.constant 0 : i32
    %c0_i32_0 = arith.constant 0 : i32
    %c0_i32_1 = arith.constant 0 : i32
    return %c0_i32, %c0_i32_0 : i32, i32
  }
  func.func @transform_5(%arg0: i32) -> (i32, i32) {
    %c0_i32 = arith.constant 0 : i32
    %c0_i32_0 = arith.constant 0 : i32
    return %arg0, %c0_i32 : i32, i32
  }
}

</mosaic_0001>

<sc_bundles>
// kernel: kernel.11.cloned.1.call-start
scs
__scs_entry_jumppad:
0x0: {  	(pc) =	sbr.rel $0x88, $3  }
0x1: {  	(tag) =	ssettag $0x0;
	lr =	simm.s32 $0x1  }
0x2: {  	[smem:$0x3F9B] =	sst lr;
	_ =	strace $0xD0000000  }
0x3: {  	_ = 	snop  }
0x4: {  	_ = 	snop  }
0x5: {  	_ = 	snop  }
0x6: {  	_ = 	snop  }
0x7: {  	_ = 	snop  }
__scs_overlays_trampoline_lowered:
0x8: {  	[smem:$0x3FAA] =	sst s0  }
0x9: {  	[smem:$0x3FAB] =	sst s1  }
0xa: {  	[smem:$0x3FAC] =	sst s2  }
0xb: {  	[smem:$0x3FAD] =	sst s3  }
0xc: {  	[smem:$0x3FAE] =	sst s4  }
0xd: {  	[smem:$0x3FAF] =	sst s5  }
0xe: {  	[smem:$0x3FB0] =	sst s6  }
0xf: {  	[smem:$0x3FB1] =	sst s7  }
0x10: {  	[smem:$0x3FB2] =	sst s8  }
0x11: {  	[smem:$0x3FB3] =	sst s9;
	s0 =	simm.s32 @!p0 $0x0  }
0x12: {  	s1 =	sld [smem:$0x3F99];
	s0 =	simm.s32 @p0 $0x1  }
0x13: {  	[smem:$0x3FB4] =	sst s0;
	s0 =	simm.s32 @!p1 $0x0  }
0x14: {  	s2 =	sld [smem:$0x3F98];
	s0 =	simm.s32 @p1 $0x1  }
0x15: {  	[smem:$0x3FB5] =	sst s0;
	s0 =	simm.s32 @!p2 $0x0  }
0x16: {  	s3 =	sld [smem:$0x3FDB];
	s0 =	simm.s32 @p2 $0x1  }
0x17: {  	s4 =	simm.s32 $0x1BF5;
	[smem:$0x3FB7] =	sst s0  }
0x18: {  	s0 =	sld [smem:$0x3F9A];
	_ =	swait.ge [sflag:s4], $0x0  }
0x19: {  	s7 =	sld [smem:$0x3F9B]  }
0x1a: {  	s8 =	sadd.s32 $0xFFFFE003, lr  }
0x1b: {  	s9 =	sadd.s32 $0xFFFFFEF7, lr;
	s5 =	simm.s32 $0xFFFFFFFF;
	p2 =	slt.u32 s8, $0xFFFFF086  }
0x1c: {  	p1 =	slt.u32 s9, $0xF7A;
	s5 =	simm.s32 @!p2 $0x0  }
0x1d: {  	s5 =	simm.s32 @p1 $0x1;
	p0 =	seq.s32 s7, s2  }
0x1e: {  	s7 =	smul.u32 @!p0 $0xF7A, s2;
	p2 =	seq.s32 @!p0 s5, $0x0  }
0x1f: {  	s9 =	smul.u32 $0xF7A, s1;
	s8 =	simm.s32 @!p0 $0x1BF5;
	p2 =	por !p2, p0  }
0x20: {  	[sflag:s8] =	ssyncset.s32 @!p0 $0xFFFFF086;
	s6 =	sadd.s32 @!p0 s3, s7;
	s7 =	simm.s32 @!p0 $0x108  }
0x21: {  	s3 =	sadd.s32 s3, s9;
	s6 =	sadd.s32 @!p0 $0x88, s6;
	s7 =	simm.s32 @p2 $0x1082  }
0x22: {  	[simem:s7], [sflag:s8] =	dma.local @!p0 [hbm:s6], $0xF7A  }
0x23: {  	s9 =	sor.u32 $0xD0000000, s2;
	s6 =	simm.s32 $0x108;
	_ =	swait.ge @!p0 [sflag:s8], $0x0  }
0x24: {  	s3 =	sadd.s32 $0x88, s3;
	s6 =	simm.s32 @!p1 $0x1082;
	[sflag:s4] =	ssyncset.s32 $0xFFFFF086  }
0x25: {  	[simem:s6], [sflag:s4] =	dma.local [hbm:s3], $0xF7A  }
0x26: {  	[smem:$0x3F9B] =	sst s1;
	(tag) =	ssettag s2;
	_ =	strace s9  }
0x27: {  	s1 =	sld [smem:$0x3FAB]  }
0x28: {  	s2 =	sld [smem:$0x3FAC]  }
0x29: {  	s4 =	sld [smem:$0x3FAE]  }
0x2a: {  	p0 =	seq.s32 s5, $0x0;
	s5 =	sld [smem:$0x3FAF]  }
0x2b: {  	s6 =	sld [smem:$0x3FB0]  }
0x2c: {  	s7 =	sld [smem:$0x3FB1]  }
0x2d: {  	s3 =	simm.s32 $0x108;
	s8 =	sld [smem:$0x3FB2]  }
0x2e: {  	s3 =	simm.s32 @!p0 $0x1082;
	s9 =	sld [smem:$0x3FB3]  }
0x2f: {  	lr =	sadd.s32 s0, s3;
	s0 =	sld [smem:$0x3FAA]  }
0x30: {  	s3 =	sld [smem:$0x3FAD]  }
0x31: {  	[smem:$0x3FB6] =	sst s10  }
0x32: {  	s10 =	sld [smem:$0x3FB4];
	_ =	sdelay $0x3  }
0x33: {  	p0 =	seq.s32 s10, $0x1;
	s10 =	sld [smem:$0x3FB6];
	_ =	sdelay $0x3  }
0x34: {  	[smem:$0x3FB6] =	sst s10  }
0x35: {  	s10 =	sld [smem:$0x3FB5];
	_ =	sdelay $0x3  }
0x36: {  	p1 =	seq.s32 s10, $0x1;
	s10 =	sld [smem:$0x3FB6];
	_ =	sdelay $0x3  }
0x37: {  	[smem:$0x3FB6] =	sst s10  }
0x38: {  	s10 =	sld [smem:$0x3FB7]  }
0x39: {  	_ = 	snop;
	(pc) =	sbr.ind lr, $3  }
0x3a: {  	_ = 	snop  }
0x3b: {  	_ = 	snop  }
0x3c: {  	p2 =	seq.s32 s10, $0x1;
	s10 =	sld [smem:$0x3FB6]  }
0x3d: {  	_ =	shalt  }
0x3e: {  	_ =	shalt  }
0x3f: {  	_ =	shalt  }
0x40: {  	_ =	shalt  }
0x41: {  	_ =	shalt  }
0x42: {  	_ =	shalt  }
0x43: {  	_ =	shalt  }
0x44: {  	_ =	shalt  }
0x45: {  	_ =	shalt  }
0x46: {  	_ =	shalt  }
0x47: {  	_ =	shalt  }
0x48: {  	_ =	shalt  }
0x49: {  	_ =	shalt  }
0x4a: {  	_ =	shalt  }
0x4b: {  	_ =	shalt  }
0x4c: {  	_ =	shalt  }
0x4d: {  	_ =	shalt  }
0x4e: {  	_ =	shalt  }
0x4f: {  	_ =	shalt  }
0x50: {  	_ =	shalt  }
0x51: {  	_ =	shalt  }
0x52: {  	_ =	shalt  }
0x53: {  	_ =	shalt  }
0x54: {  	_ =	shalt  }
0x55: {  	_ =	shalt  }
0x56: {  	_ =	shalt  }
0x57: {  	_ =	shalt  }
0x58: {  	_ =	shalt  }
0x59: {  	_ =	shalt  }
0x5a: {  	_ =	shalt  }
0x5b: {  	_ =	shalt  }
0x5c: {  	_ =	shalt  }
0x5d: {  	_ =	shalt  }
0x5e: {  	_ =	shalt  }
0x5f: {  	_ =	shalt  }
0x60: {  	_ =	shalt  }
0x61: {  	_ =	shalt  }
0x62: {  	_ =	shalt  }
0x63: {  	_ =	shalt  }
0x64: {  	_ =	shalt  }
0x65: {  	_ =	shalt  }
0x66: {  	_ =	shalt  }
0x67: {  	_ =	shalt  }
0x68: {  	_ =	shalt  }
0x69: {  	_ =	shalt  }
0x6a: {  	_ =	shalt  }
0x6b: {  	_ =	shalt  }
0x6c: {  	_ =	shalt  }
0x6d: {  	_ =	shalt  }
0x6e: {  	_ =	shalt  }
0x6f: {  	_ =	shalt  }
0x70: {  	_ =	shalt  }
0x71: {  	_ =	shalt  }
0x72: {  	_ =	shalt  }
0x73: {  	_ =	shalt  }
0x74: {  	_ =	shalt  }
0x75: {  	_ =	shalt  }
0x76: {  	_ =	shalt  }
0x77: {  	_ =	shalt  }
0x78: {  	_ =	shalt  }
0x79: {  	_ =	shalt  }
0x7a: {  	_ =	shalt  }
0x7b: {  	_ =	shalt  }
0x7c: {  	_ =	shalt  }
0x7d: {  	_ =	shalt  }
0x7e: {  	_ =	shalt  }
0x7f: {  	_ =	shalt  }
0x80: {  	_ =	shalt  }
0x81: {  	_ =	shalt  }
0x82: {  	_ =	shalt  }
0x83: {  	_ =	shalt  }
0x84: {  	_ =	shalt  }
0x85: {  	_ =	shalt  }
0x86: {  	_ =	shalt  }
0x87: {  	_ =	shalt  }
.Lfunc_end0:
.L_simem_size_0:
called_computation.1_lowered:
.L_overlay_start_0:
0x88: {  	s2 =	sld [smem:$0x3FD9]  }
0x89: {  	s3 =	sld [smem:$0x3FFE];
	_ =	sdelay $0x1  }
0x8a: {  	s1 =	srdreg.scid  }
0x8b: {  	s0 =	sand.u32 $0x1, s1  }
0x8c: {  	s17 =	sshll.u32 s0, $0xA;
	s2 =	sadd.s32 s3, s2  }
0x8d: {  	s2 =	sadd.s32 s2, s17  }
0x8e: {  	[smem:$0x3FC2] =	sst s2  }
0x8f: {  	_ = 	snop  }
0x90: {  	s2 =	sld [smem:$0x3FD0];
	(tm) =	ssettm $0x1  }
0x91: {  	s18 =	sld [smem:$0x3FFB];
	_ =	sdelay $0x3  }
0x92: {  	_ =	strace s18  }
0x93: {  	s3 =	sld [smem:$0x3FFC];
	_ =	sdelay $0x3  }
0x94: {  	_ =	strace s3  }
0x95: {  	s3 =	sld [smem:$0x3FFD];
	_ =	sdelay $0x3  }
0x96: {  	_ =	strace s3  }
0x97: {  	_ =	strace $0x8FFFFFFF  }
0x98: {  	s19 =	sld [smem:$0x3FDB];
	_ =	sdelay $0x1  }
0x99: {  	s4 =	simm.s32 $_scs_section_size  }
0x9a: {  	s5 =	simm.s32 $_size__tile_overlayer_lowered;
	s6 =	simm.s32 $_tile_overlayer_lowered  }
0x9b: {  	s22 =	simm.s32 $0x1BFF;
	s21 =	sshll.u32 s6, $0x1;
	s3 =	sadd.s32 s4, s19  }
0x9c: {  	s7 =	simm.s32 $0x0;
	s20 =	sshll.u32 s5, $0x1;
	s5 =	sadd.s32 s21, s3  }
0x9d: {  	[timem:s7], [sflag:s22] =	dma.local [hbm:s5], s20  }
0x9e: {  	_ =	swait.ge [sflag:s22], s20  }
0x9f: {  	s4 =	ssub.s32 $0x0, s20;
	[sflag:s22] =	ssyncset.done $0x0  }
0xa0: {  	[sflag:s22] =	ssyncadd.s32 s4;
	_ =	sdelay $0x1  }
0xa1: {  	s23 =	simm.s32 $0x1B8B  }
0xa2: {  	_ =	swait.ge [sflag:s23], $0x1  }
0xa3: {  	[sflag:s23] =	ssyncset.done $0x0  }
0xa4: {  	s25 =	simm.s32 $0x1B8E;
	s24 =	sld [smem:$0x3FFE];
	[sflag:s23] =	ssyncadd.s32 $0xFFFFFFFF  }
0xa5: {  	s26 =	simm.s32 $execute0_lowered;
	[smem:$0x3FD2] =	sst s25  }
0xa6: {  	s5 =	sshll.u32 s26, $0x1;
	_ =	strace $0x80000049;
	[dreg:$0x1] =	wrdreg $0xFFFFFFFF  }
0xa7: {  	s28 =	simm.s32 $_size_execute0_lowered;
	s3 =	sadd.s32 s3, s5;
	[dreg:$0x0] =	wrdreg $0x0  }
0xa8: {  	s5 =	sshll.u32 s28, $0x1;
	[dreg:$0x2] =	wrdreg s3  }
0xa9: {  	[dreg:$0x3] =	wrdreg s5  }
0xaa: {  	[dreg:$0x4] =	wrdreg $0xC0  }
0xab: {  	_ =	task [dreg:s7], $0x5FFFF  }
0xac: {  	[dreg:$0x1] =	wrdreg $0xFFFFFFFF  }
0xad: {  	[dreg:$0x0] =	wrdreg $0x60  }
0xae: {  	[dreg:$0x2] =	wrdreg s24  }
0xaf: {  	[dreg:$0x3] =	wrdreg s2  }
0xb0: {  	[dreg:$0x4] =	wrdreg $0xA1000  }
0xb1: {  	[dreg:$0x5] =	wrdreg $0x9  }
0xb2: {  	_ =	task.clear_ibuf [dreg:s7], $0x6FFFF;
	_ =	strace $0x90000049  }
0xb3: {  	s29 =	simm.s32 $0x9;
	_ =	strace $0x8000004B  }
0xb4: {  	_ =	swait.ge [sflag:s29], $0x1  }
0xb5: {  	[sflag:s29] =	ssyncadd.s32 $0xFFFFFFFF  }
0xb6: {  	_ =	strace $0x9000004B  }
0xb7: {  	_ =	sfence  }
0xb8: {  	s30 =	sld [smem:$0x0];
	_ =	sdelay $0x2  }
0xb9: {  	s31 =	sshll.u32 s1, $0xD;
	s1 =	sshrl.u32 s1, $0x2  }
0xba: {  	s3 =	sand.u32 $0x4000, s31;
	s1 =	sadd.s32 s1, s30  }
0xbb: {  	s0 =	sor.u32 s3, s0;
	s1 =	sshll.u32 s1, $0x11  }
0xbc: {  	s0 =	sor.u32 s1, s0  }
0xbd: {  	s0 =	sadd.s32 $0x8F2B, s0  }
0xbe: {  	[sflag:s0] =	ssyncadd.remote.s32 $0x1  }
0xbf: {  	_ =	sfence.sel $0xFFFF  }
0xc0: {  	[dreg:$0x0] =	wrdreg $0xFFFFFFFF;
	(pc) =	sbr.abs _section_cstart, $3  }
0xc1: {  	[dreg:$0x1] =	wrdreg $0xFFFFFFFF  }
0xc2: {  	_ =	task.clear_ibuf [dreg:s7], $0x2FFFF;
	_ =	strace $0x9FFFFFFF  }
0xc3: {  	(tm) =	ssettm $0x7FFFFFFF  }
tec
execute0_lowered:
.L_overlay_start_1:
0x0: {  	(tag) =	ssettag $0x1  }
0x1: {  	s0 =	rddreg [dreg:$0x0]  }
0x2: {  	s2 =	rddreg [dreg:$0x1]  }
0x3: {  	s1 =	rddreg [dreg:$0x2]  }
0x4: {  	s3 =	srdreg.scid;
	s12 =	stileid.u32;
	s28 =	simm.s32 $0x7900  }
0x5: {  	s29 =	simm.s32 $0x2;
	s30 =	simm.s32 $0x5;
	s31 =	simm.s32 $0x7  }
0x6: {  	s5 =	sand.u32 $0x1, s3;
	s3 =	simm.s32 $0x0;
	s7 =	smul.u32 $0x13C00, s12  }
0x7: {  	s4 =	sadd.s32 $0x35200, s0;
	s8 =	sadd.s32 $0x15E00, s0;
	s11 =	smul.u32 $0x4F000, s12  }
0x8: {  	s9 =	sadd.s32 $0x1A00, s0;
	s17 =	sshll.u32 s12, $0x1;
	s22 =	smul.u32 $0xFA0, s12  }
0x9: {  	s20 =	sshll.u32 s12, $0x6;
	s6 =	smul.u32 $0x13C000, s5;
	[smem:$0x7FF] =	sst s3  }
0xa: {  	s16 =	ssub.s32 $0x2, s5;
	_ =	strace $0x8000004A;
	[dreg:$0x4] =	wrdreg s9  }
0xb: {  	s10 =	sshrl.u32 s16, $0x1;
	s9 =	sor.u32 s5, s17;
	s5 =	smul.u32 $0x7D0, s5  }
0xc: {  	s19 =	sshrl.u32 s11, $0x2;
	s17 =	simm.s32 $0xA;
	s18 =	smul.u32 $0x3E80, s9  }
0xd: {  	s6 =	sadd.s32 s7, s6;
	s7 =	ssub.s32 s16, s10;
	s9 =	smul.u32 $0x4F0, s9  }
0xe: {  	s16 =	sadd.s32 s19, s1;
	s19 =	simm.s32 $0x50;
	s6 =	sshrl.u32 s6, $0x3  }
0xf: {  	s14 =	smax.u32 s7, $0x1;
	s16 =	sshrl.u32 s16, $0x3;
	s7 =	simm.s32 $0x0  }
0x10: {  	s0 =	sadd.s32 s6, s0;
	s6 =	sor.u32 $0x1C0A, s20;
	s10 =	sshrl.u32 s18, $0x3  }
0x11: {  	s2 =	sadd.s32 s2, s9;
	s18 =	simm.s32 $0x2780;
	s20 =	simm.s32 $0x2900  }
0x12: {  	[dreg:$0x5] =	wrdreg s2;
	s21 =	sadd.s32 s8, s10;
	s8 =	sadd.s32 s22, s8  }
0x13: {  	s13 =	sadd.s32 $0x5C400, s0;
	s22 =	simm.s32 $0x5100;
	s0 =	simm.s32 $0x3  }
0x14: {  	s2 =	simm.s32 $0x6;
	s10 =	sadd.s32 $0xFA00, s21;
	s23 =	sadd.s32 $0xFA10, s21  }
0x15: {  	s24 =	sadd.s32 $0xFA20, s21;
	s25 =	sadd.s32 $0x101B0, s21;
	[dreg:$0x6] =	wrdreg s10  }
0x16: {  	s12 =	sadd.s32 $0x101C0, s21;
	s26 =	sadd.s32 s5, s8;
	[dreg:$0x7] =	wrdreg s23  }
0x17: {  	s21 =	simm.s32 $0x2800;
	s5 =	simm.s32 $0x9;
	[dreg:$0x8] =	wrdreg s24  }
0x18: {  	[dreg:$0x9] =	wrdreg s25;
	s15 =	sadd.s32 $0xFA50, s26;
	s23 =	simm.s32 $0x1  }
0x19: {  	s24 =	simm.s32 $0x4;
	s25 =	simm.s32 $0x2880;
	s26 =	simm.s32 $0x8  }
.LBB2_1:
0x1a: {  	s8 =	rddreg [dreg:$0x4]  }
0x1b: {  	[spmem:s16], [sflag:s6] =	dma.local [hbm:s8], $0x2780  }
0x1c: {  	_ =	swait.ge [sflag:s17], $0x2780  }
0x1d: {  	[sflag:s17] =	ssyncset.done $0x0  }
0x1e: {  	s11 =	rddreg [dreg:$0x5];
	[sflag:s17] =	ssyncadd.s32 $0xFFFFD880  }
0x1f: {  	[tilespmem:s3], [sflag:$0xA] =	stream.linear.gather [hbm4b:s11+s3], $0x2780, $0x38;
	[tilespmem:$0x1DD00] =	vst v63  }
0x20: {  	_ =	swait.ge [sflag:s17], $0x2780  }
0x21: {  	[sflag:s17] =	ssyncset.done $0x0  }
0x22: {  	[sflag:s17] =	ssyncadd.s32 $0xFFFFD880  }
0x23: {  	[bflag:$0x0] =	sbarrier.arrive $0xFFFF  }
0x24: {  	s9 =	rddreg [dreg:$0x6]  }
0x25: {  	[tilespmem:s18], [sflag:$0x4] =	stream.linear.gather [hbm4b:s9+s3], $0x80, $0x38;
	[tilespmem:$0x1DD00] =	vst v63  }
0x26: {  	_ = 	snop  }
0x27: {  	[tilespmem:s20], [sflag:$0x1] =	stream.indirect.gather [hbm4b:s4+s19], $0x80, s3, s19, $0xb8;
	[tilespmem:$0x1DD00] =	vst v63  }
0x28: {  	s10 =	rddreg [dreg:$0x7]  }
0x29: {  	[tilespmem:s21], [sflag:$0x5] =	stream.linear.gather [hbm4b:s10+s3], $0x80, $0x38;
	[tilespmem:$0x1DD00] =	vst v63  }
0x2a: {  	_ = 	snop  }
0x2b: {  	[tilespmem:s22], [sflag:$0x2] =	stream.indirect.gather [hbm4b:s4+s19], $0x80, s19, s19, $0xb8;
	[tilespmem:$0x1DD00] =	vst v63  }
0x2c: {  	_ =	swait.ge [sflag:s23], $0x2800  }
0x2d: {  	[sflag:s23] =	ssyncset.done $0x0  }
0x2e: {  	[sflag:s23] =	ssyncadd.s32 $0xFFFFD800  }
0x2f: {  	_ =	swait.ge [sflag:s24], $0x80  }
0x30: {  	[sflag:s24] =	ssyncset.done $0x0  }
0x31: {  	[sflag:s24] =	ssyncadd.s32 $0xFFFFFF80  }
0x32: {  	[spmem:s1] =	stream.indirect.scatter.add.f32 [tilespmem:s20], [sflag:$0x7], $0x80, s18, s19, $0xb8;
	[tilespmem:$0x1DD00] =	vst v63  }
0x33: {  	s11 =	rddreg [dreg:$0x8]  }
0x34: {  	[tilespmem:s25], [sflag:$0x6] =	stream.linear.gather [hbm4b:s11+s3], $0x80, $0x38;
	[tilespmem:$0x1DD00] =	vst v63  }
0x35: {  	s9 =	simm.s32 $0xA0  }
0x36: {  	[tilespmem:s28], [sflag:$0x3] =	stream.indirect.gather [hbm4b:s4+s19], $0x80, s9, s19, $0xb8;
	[tilespmem:$0x1DD00] =	vst v63  }
0x37: {  	_ =	swait.ge [sflag:s29], $0x2800  }
0x38: {  	[sflag:s29] =	ssyncset.done $0x0  }
0x39: {  	[sflag:s29] =	ssyncadd.s32 $0xFFFFD800  }
0x3a: {  	_ =	swait.ge [sflag:s30], $0x80  }
0x3b: {  	[sflag:s30] =	ssyncset.done $0x0  }
0x3c: {  	[sflag:s30] =	ssyncadd.s32 $0xFFFFFF80  }
0x3d: {  	[spmem:s1] =	stream.indirect.scatter.add.f32 [tilespmem:s22], [sflag:$0x8], $0x80, s21, s19, $0xb8;
	[tilespmem:$0x1DD00] =	vst v63  }
0x3e: {  	_ =	swait.ge [sflag:s31], $0x2800  }
0x3f: {  	[sflag:s31] =	ssyncset.done $0x0  }
0x40: {  	s10 =	sadd.s32 $0xFFFFFFE0, s15;
	[sflag:s31] =	ssyncadd.s32 $0xFFFFD800  }
0x41: {  	[tilespmem:s18], [sflag:$0x4] =	stream.linear.gather [hbm4b:s10+s3], $0x80, $0x38;
	[tilespmem:$0x1DD00] =	vst v63  }
0x42: {  	s11 =	simm.s32 $0xF0  }
0x43: {  	[tilespmem:s20], [sflag:$0x1] =	stream.indirect.gather [hbm4b:s4+s19], $0x80, s11, s19, $0xb8;
	[tilespmem:$0x1DD00] =	vst v63  }
0x44: {  	_ =	swait.ge [sflag:s0], $0x2800  }
0x45: {  	[sflag:s0] =	ssyncset.done $0x0  }
0x46: {  	[sflag:s0] =	ssyncadd.s32 $0xFFFFD800  }
0x47: {  	_ =	swait.ge [sflag:s2], $0x80  }
0x48: {  	[sflag:s2] =	ssyncset.done $0x0  }
0x49: {  	[sflag:s2] =	ssyncadd.s32 $0xFFFFFF80  }
0x4a: {  	[spmem:s1] =	stream.indirect.scatter.add.f32 [tilespmem:s28], [sflag:$0x9], $0x80, s25, s19, $0xb8;
	[tilespmem:$0x1DD00] =	vst v63  }
0x4b: {  	_ =	swait.ge [sflag:s26], $0x2800  }
0x4c: {  	[sflag:s26] =	ssyncset.done $0x0  }
0x4d: {  	s9 =	sadd.s32 $0xFFFFFFF0, s15;
	[sflag:s26] =	ssyncadd.s32 $0xFFFFD800  }
0x4e: {  	[tilespmem:s21], [sflag:$0x5] =	stream.linear.gather [hbm4b:s9+s3], $0x80, $0x38;
	[tilespmem:$0x1DD00] =	vst v63  }
0x4f: {  	s10 =	simm.s32 $0x140  }
0x50: {  	[tilespmem:s22], [sflag:$0x2] =	stream.indirect.gather [hbm4b:s4+s19], $0x80, s10, s19, $0xb8;
	[tilespmem:$0x1DD00] =	vst v63  }
0x51: {  	_ =	swait.ge [sflag:s23], $0x2800  }
0x52: {  	[sflag:s23] =	ssyncset.done $0x0  }
0x53: {  	[sflag:s23] =	ssyncadd.s32 $0xFFFFD800  }
0x54: {  	_ =	swait.ge [sflag:s24], $0x80  }
0x55: {  	[sflag:s24] =	ssyncset.done $0x0  }
0x56: {  	[sflag:s24] =	ssyncadd.s32 $0xFFFFFF80  }
0x57: {  	[spmem:s1] =	stream.indirect.scatter.add.f32 [tilespmem:s20], [sflag:$0x7], $0x80, s18, s19, $0xb8;
	[tilespmem:$0x1DD00] =	vst v63  }
0x58: {  	_ =	swait.ge [sflag:s5], $0x2800  }
0x59: {  	[sflag:s5] =	ssyncset.done $0x0  }
0x5a: {  	[sflag:s5] =	ssyncadd.s32 $0xFFFFD800  }
0x5b: {  	[tilespmem:s25], [sflag:$0x6] =	stream.linear.gather [hbm4b:s15+s3], $0x80, $0x38;
	[tilespmem:$0x1DD00] =	vst v63  }
0x5c: {  	s11 =	simm.s32 $0x190  }
0x5d: {  	[tilespmem:s28], [sflag:$0x3] =	stream.indirect.gather [hbm4b:s4+s19], $0x80, s11, s19, $0xb8;
	[tilespmem:$0x1DD00] =	vst v63  }
0x5e: {  	_ =	swait.ge [sflag:s29], $0x2800  }
0x5f: {  	[sflag:s29] =	ssyncset.done $0x0  }
0x60: {  	[sflag:s29] =	ssyncadd.s32 $0xFFFFD800  }
0x61: {  	_ =	swait.ge [sflag:s30], $0x80  }
0x62: {  	[sflag:s30] =	ssyncset.done $0x0  }
0x63: {  	s8 =	simm.s32 $0x3C0;
	s9 =	sadd.s32 $0x30, s15;
	[sflag:s30] =	ssyncadd.s32 $0xFFFFFF80  }
.LBB2_2:
0x64: {  	[spmem:s1] =	stream.indirect.scatter.add.f32 [tilespmem:s22], [sflag:$0x8], $0x80, s21, s19, $0xb8;
	[tilespmem:$0x1DD00] =	vst v63  }
0x65: {  	s10 =	smov.u32 s8  }
0x66: {  	p0 =	sne.s32 s8, $0x9240;
	s8 =	sadd.s32 $0x3C0, s8;
	_ =	swait.ge [sflag:s31], $0x2800  }
0x67: {  	[sflag:s31] =	ssyncset.done $0x0  }
0x68: {  	s11 =	sadd.s32 $0xFFFFFFE0, s9;
	s10 =	sshra.s32 s10, $0x2;
	[sflag:s31] =	ssyncadd.s32 $0xFFFFD800  }
0x69: {  	[tilespmem:s18], [sflag:$0x4] =	stream.linear.gather [hbm4b:s11+s3], $0x80, $0x38;
	[tilespmem:$0x1DD00] =	vst v63  }
0x6a: {  	s11 =	sadd.s32 $0xF0, s10  }
0x6b: {  	[tilespmem:s20], [sflag:$0x1] =	stream.indirect.gather [hbm4b:s4+s19], $0x80, s11, s19, $0xb8;
	[tilespmem:$0x1DD00] =	vst v63  }
0x6c: {  	_ =	swait.ge [sflag:s0], $0x2800  }
0x6d: {  	[sflag:s0] =	ssyncset.done $0x0  }
0x6e: {  	[sflag:s0] =	ssyncadd.s32 $0xFFFFD800  }
0x6f: {  	_ =	swait.ge [sflag:s2], $0x80  }
0x70: {  	[sflag:s2] =	ssyncset.done $0x0  }
0x71: {  	[sflag:s2] =	ssyncadd.s32 $0xFFFFFF80  }
0x72: {  	[spmem:s1] =	stream.indirect.scatter.add.f32 [tilespmem:s28], [sflag:$0x9], $0x80, s25, s19, $0xb8;
	[tilespmem:$0x1DD00] =	vst v63  }
0x73: {  	_ =	swait.ge [sflag:s26], $0x2800  }
0x74: {  	[sflag:s26] =	ssyncset.done $0x0  }
0x75: {  	s11 =	sadd.s32 $0xFFFFFFF0, s9;
	[sflag:s26] =	ssyncadd.s32 $0xFFFFD800  }
0x76: {  	[tilespmem:s21], [sflag:$0x5] =	stream.linear.gather [hbm4b:s11+s3], $0x80, $0x38;
	[tilespmem:$0x1DD00] =	vst v63  }
0x77: {  	s11 =	sadd.s32 $0x140, s10  }
0x78: {  	[tilespmem:s22], [sflag:$0x2] =	stream.indirect.gather [hbm4b:s4+s19], $0x80, s11, s19, $0xb8;
	[tilespmem:$0x1DD00] =	vst v63  }
0x79: {  	_ =	swait.ge [sflag:s23], $0x2800  }
0x7a: {  	[sflag:s23] =	ssyncset.done $0x0  }
0x7b: {  	[sflag:s23] =	ssyncadd.s32 $0xFFFFD800  }
0x7c: {  	_ =	swait.ge [sflag:s24], $0x80  }
0x7d: {  	[sflag:s24] =	ssyncset.done $0x0  }
0x7e: {  	[sflag:s24] =	ssyncadd.s32 $0xFFFFFF80  }
0x7f: {  	[spmem:s1] =	stream.indirect.scatter.add.f32 [tilespmem:s20], [sflag:$0x7], $0x80, s18, s19, $0xb8;
	[tilespmem:$0x1DD00] =	vst v63  }
0x80: {  	_ =	swait.ge [sflag:s5], $0x2800  }
0x81: {  	[sflag:s5] =	ssyncset.done $0x0  }
0x82: {  	[sflag:s5] =	ssyncadd.s32 $0xFFFFD800  }
0x83: {  	[tilespmem:s25], [sflag:$0x6] =	stream.linear.gather [hbm4b:s9+s3], $0x80, $0x38;
	[tilespmem:$0x1DD00] =	vst v63  }
0x84: {  	s10 =	sadd.s32 $0x190, s10  }
0x85: {  	[tilespmem:s28], [sflag:$0x3] =	stream.indirect.gather [hbm4b:s4+s19], $0x80, s10, s19, $0xb8;
	[tilespmem:$0x1DD00] =	vst v63  }
0x86: {  	_ =	swait.ge [sflag:s29], $0x2800  }
.Ltmp0:
0x87: {  	[sflag:s29] =	ssyncset.done $0x0;
	(pc) =	sbr.rel @p0 .LBB2_2-.Ltmp0, $4  }
0x88: {  	[sflag:s29] =	ssyncadd.s32 $0xFFFFD800  }
0x89: {  	_ =	swait.ge [sflag:s30], $0x80  }
0x8a: {  	[sflag:s30] =	ssyncset.done $0x0  }
0x8b: {  	s9 =	sadd.s32 $0x30, s9;
	[sflag:s30] =	ssyncadd.s32 $0xFFFFFF80  }
0x8c: {  	[spmem:s1] =	stream.indirect.scatter.add.f32 [tilespmem:s22], [sflag:$0x8], $0x80, s21, s19, $0xb8;
	[tilespmem:$0x1DD00] =	vst v63  }
0x8d: {  	_ =	swait.ge [sflag:s31], $0x2800  }
0x8e: {  	[sflag:s31] =	ssyncset.done $0x0  }
0x8f: {  	s8 =	rddreg [dreg:$0x9];
	[sflag:s31] =	ssyncadd.s32 $0xFFFFD800  }
0x90: {  	[tilespmem:s18], [sflag:$0x4] =	stream.linear.gather [hbm4b:s8+s3], $0x80, $0x38;
	[tilespmem:$0x1DD00] =	vst v63  }
0x91: {  	s10 =	simm.s32 $0x2670  }
0x92: {  	[tilespmem:s20], [sflag:$0x1] =	stream.indirect.gather [hbm4b:s4+s19], $0x80, s10, s19, $0xb8;
	[tilespmem:$0x1DD00] =	vst v63  }
0x93: {  	_ =	swait.ge [sflag:s0], $0x2800  }
0x94: {  	[sflag:s0] =	ssyncset.done $0x0  }
0x95: {  	[sflag:s0] =	ssyncadd.s32 $0xFFFFD800  }
0x96: {  	_ =	swait.ge [sflag:s2], $0x80  }
0x97: {  	[sflag:s2] =	ssyncset.done $0x0  }
0x98: {  	[sflag:s2] =	ssyncadd.s32 $0xFFFFFF80  }
0x99: {  	[spmem:s1] =	stream.indirect.scatter.add.f32 [tilespmem:s28], [sflag:$0x9], $0x80, s25, s19, $0xb8;
	[tilespmem:$0x1DD00] =	vst v63  }
0x9a: {  	_ =	swait.ge [sflag:s26], $0x2800  }
0x9b: {  	[sflag:s26] =	ssyncset.done $0x0  }
0x9c: {  	[sflag:s26] =	ssyncadd.s32 $0xFFFFD800  }
0x9d: {  	[tilespmem:s21], [sflag:$0x5] =	stream.linear.gather [hbm4b:s12+s3], $0x80, $0x38;
	[tilespmem:$0x1DD00] =	vst v63  }
0x9e: {  	s11 =	simm.s32 $0x26C0  }
0x9f: {  	[tilespmem:s22], [sflag:$0x2] =	stream.indirect.gather [hbm4b:s4+s19], $0x80, s11, s19, $0xb8;
	[tilespmem:$0x1DD00] =	vst v63  }
0xa0: {  	_ =	swait.ge [sflag:s23], $0x2800  }
0xa1: {  	[sflag:s23] =	ssyncset.done $0x0  }
0xa2: {  	[sflag:s23] =	ssyncadd.s32 $0xFFFFD800  }
0xa3: {  	_ =	swait.ge [sflag:s24], $0x80  }
0xa4: {  	[sflag:s24] =	ssyncset.done $0x0  }
0xa5: {  	[sflag:s24] =	ssyncadd.s32 $0xFFFFFF80  }
0xa6: {  	[spmem:s1] =	stream.indirect.scatter.add.f32 [tilespmem:s20], [sflag:$0x7], $0x80, s18, s19, $0xb8;
	[tilespmem:$0x1DD00] =	vst v63  }
0xa7: {  	_ =	swait.ge [sflag:s5], $0x2800  }
0xa8: {  	[sflag:s5] =	ssyncset.done $0x0  }
0xa9: {  	[sflag:s5] =	ssyncadd.s32 $0xFFFFD800  }
0xaa: {  	_ =	swait.ge [sflag:s29], $0x2800  }
0xab: {  	[sflag:s29] =	ssyncset.done $0x0  }
0xac: {  	[sflag:s29] =	ssyncadd.s32 $0xFFFFD800  }
0xad: {  	_ =	swait.ge [sflag:s30], $0x80  }
0xae: {  	[sflag:s30] =	ssyncset.done $0x0  }
0xaf: {  	[sflag:s30] =	ssyncadd.s32 $0xFFFFFF80  }
0xb0: {  	[spmem:s1] =	stream.indirect.scatter.add.f32 [tilespmem:s22], [sflag:$0x8], $0x80, s21, s19, $0xb8;
	[tilespmem:$0x1DD00] =	vst v63  }
0xb1: {  	_ =	swait.ge [sflag:s31], $0x2800  }
0xb2: {  	[sflag:s31] =	ssyncset.done $0x0  }
0xb3: {  	[sflag:s31] =	ssyncadd.s32 $0xFFFFD800  }
0xb4: {  	_ =	swait.ge [sflag:s26], $0x2800  }
0xb5: {  	s7 =	sadd.s32 $0x1, s7;
	[sflag:s26] =	ssyncset.done $0x0  }
0xb6: {  	p0 =	sne.s32 s7, s14;
	[sflag:s26] =	ssyncadd.s32 $0xFFFFD800  }
.Ltmp1:
0xb7: {  	[bflag:$0x0] =	sbarrier.arrive $0xFFFF;
	(pc) =	sbr.rel @p0 .LBB2_1-.Ltmp1, $4  }
0xb8: {  	[hbm:s13], [sflag:s6] =	dma.local [spmem:s16], $0x2780  }
0xb9: {  	_ =	swait.ge [sflag:s17], $0x2780  }
0xba: {  	[sflag:s17] =	ssyncset.done $0x0  }
0xbb: {  	[sflag:s17] =	ssyncadd.s32 $0xFFFFD880  }
0xbc: {  	_ =	sfence.sel $0x180000  }
0xbd: {  	[bflag:$0x0] =	sbarrier.arrive $0xFFFF  }
0xbe: {  	_ =	strace $0x9000004A  }
0xbf: {  	s0 =	stileid.u32;
	[bflag:$0x2] =	sbarrier.arrive $0xFFFF  }
0xc0: {  	p0 =	sne.s32 s0, $0x0;
	s0 =	rddreg [dreg:$0x3]  }
0xc1: {  	s0 =	sadd.s32 @!p0 $0x100000, s0  }
0xc2: {  	[sflag:s0] =	ssyncadd.tile.s32 @!p0 $0x1;
	_ =	shalt  }
.Lfunc_end2:
_tile_overlayer_lowered:
.L_overlay_start_2:
0xc3: {  	(tag) =	ssettag $0x2  }
0xc4: {  	s0 =	rddreg [dreg:$0x0];
	s2 =	stileid.u32  }
0xc5: {  	s1 =	rddreg [dreg:$0x1];
	p0 =	sne.s32 s2, $0x0  }
0xc6: {  	s3 =	rddreg [dreg:$0x2];
	[bflag:$0x3] =	sbarrier.arrive $0xFFFF;
	s2 =	simm.s32 @!p0 $0x1C0A  }
0xc7: {  	[timem:s3], [sflag:s2] =	dma.local @!p0 [hbm:s0], s1  }
0xc8: {  	s0 =	simm.s32 @!p0 $0xA  }
0xc9: {  	_ =	swait.ge @!p0 [sflag:s0], s1  }
0xca: {  	s1 =	ssub.s32 @!p0 $0x0, s1;
	[sflag:s0] =	ssyncset.done @!p0 $0x0  }
0xcb: {  	[sflag:s0] =	ssyncadd.s32 @!p0 s1  }
0xcc: {  	[bflag:$0x3] =	sbarrier.arrive $0xFFFF  }
0xcd: {  	_ =	shalt  }

// kernel: kernel.14.cloned.1.call-start
scs
__scs_entry_jumppad:
0x0: {  	(pc) =	sbr.rel $0x88, $3  }
0x1: {  	(tag) =	ssettag $0x0;
	lr =	simm.s32 $0x1  }
0x2: {  	[smem:$0x3F9B] =	sst lr;
	_ =	strace $0xD0000000  }
0x3: {  	_ = 	snop  }
0x4: {  	_ = 	snop  }
0x5: {  	_ = 	snop  }
0x6: {  	_ = 	snop  }
0x7: {  	_ = 	snop  }
__scs_overlays_trampoline_lowered:
0x8: {  	[smem:$0x3FAA] =	sst s0  }
0x9: {  	[smem:$0x3FAB] =	sst s1  }
0xa: {  	[smem:$0x3FAC] =	sst s2  }
0xb: {  	[smem:$0x3FAD] =	sst s3  }
0xc: {  	[smem:$0x3FAE] =	sst s4  }
0xd: {  	[smem:$0x3FAF] =	sst s5  }
0xe: {  	[smem:$0x3FB0] =	sst s6  }
0xf: {  	[smem:$0x3FB1] =	sst s7  }
0x10: {  	[smem:$0x3FB2] =	sst s8  }
0x11: {  	[smem:$0x3FB3] =	sst s9;
	s0 =	simm.s32 @!p0 $0x0  }
0x12: {  	s1 =	sld [smem:$0x3F99];
	s0 =	simm.s32 @p0 $0x1  }
0x13: {  	[smem:$0x3FB4] =	sst s0;
	s0 =	simm.s32 @!p1 $0x0  }
0x14: {  	s2 =	sld [smem:$0x3F98];
	s0 =	simm.s32 @p1 $0x1  }
0x15: {  	[smem:$0x3FB5] =	sst s0;
	s0 =	simm.s32 @!p2 $0x0  }
0x16: {  	s3 =	sld [smem:$0x3FDB];
	s0 =	simm.s32 @p2 $0x1  }
0x17: {  	s4 =	simm.s32 $0x1BF5;
	[smem:$0x3FB7] =	sst s0  }
0x18: {  	s0 =	sld [smem:$0x3F9A];
	_ =	swait.ge [sflag:s4], $0x0  }
0x19: {  	s7 =	sld [smem:$0x3F9B]  }
0x1a: {  	s8 =	sadd.s32 $0xFFFFE003, lr  }
0x1b: {  	s9 =	sadd.s32 $0xFFFFFEF7, lr;
	s5 =	simm.s32 $0xFFFFFFFF;
	p2 =	slt.u32 s8, $0xFFFFF086  }
0x1c: {  	p1 =	slt.u32 s9, $0xF7A;
	s5 =	simm.s32 @!p2 $0x0  }
0x1d: {  	s5 =	simm.s32 @p1 $0x1;
	p0 =	seq.s32 s7, s2  }
0x1e: {  	s7 =	smul.u32 @!p0 $0xF7A, s2;
	p2 =	seq.s32 @!p0 s5, $0x0  }
0x1f: {  	s9 =	smul.u32 $0xF7A, s1;
	s8 =	simm.s32 @!p0 $0x1BF5;
	p2 =	por !p2, p0  }
0x20: {  	[sflag:s8] =	ssyncset.s32 @!p0 $0xFFFFF086;
	s6 =	sadd.s32 @!p0 s3, s7;
	s7 =	simm.s32 @!p0 $0x108  }
0x21: {  	s3 =	sadd.s32 s3, s9;
	s6 =	sadd.s32 @!p0 $0x88, s6;
	s7 =	simm.s32 @p2 $0x1082  }
0x22: {  	[simem:s7], [sflag:s8] =	dma.local @!p0 [hbm:s6], $0xF7A  }
0x23: {  	s9 =	sor.u32 $0xD0000000, s2;
	s6 =	simm.s32 $0x108;
	_ =	swait.ge @!p0 [sflag:s8], $0x0  }
0x24: {  	s3 =	sadd.s32 $0x88, s3;
	s6 =	simm.s32 @!p1 $0x1082;
	[sflag:s4] =	ssyncset.s32 $0xFFFFF086  }
0x25: {  	[simem:s6], [sflag:s4] =	dma.local [hbm:s3], $0xF7A  }
0x26: {  	[smem:$0x3F9B] =	sst s1;
	(tag) =	ssettag s2;
	_ =	strace s9  }
0x27: {  	s1 =	sld [smem:$0x3FAB]  }
0x28: {  	s2 =	sld [smem:$0x3FAC]  }
0x29: {  	s4 =	sld [smem:$0x3FAE]  }
0x2a: {  	p0 =	seq.s32 s5, $0x0;
	s5 =	sld [smem:$0x3FAF]  }
0x2b: {  	s6 =	sld [smem:$0x3FB0]  }
0x2c: {  	s7 =	sld [smem:$0x3FB1]  }
0x2d: {  	s3 =	simm.s32 $0x108;
	s8 =	sld [smem:$0x3FB2]  }
0x2e: {  	s3 =	simm.s32 @!p0 $0x1082;
	s9 =	sld [smem:$0x3FB3]  }
0x2f: {  	lr =	sadd.s32 s0, s3;
	s0 =	sld [smem:$0x3FAA]  }
0x30: {  	s3 =	sld [smem:$0x3FAD]  }
0x31: {  	[smem:$0x3FB6] =	sst s10  }
0x32: {  	s10 =	sld [smem:$0x3FB4];
	_ =	sdelay $0x3  }
0x33: {  	p0 =	seq.s32 s10, $0x1;
	s10 =	sld [smem:$0x3FB6];
	_ =	sdelay $0x3  }
0x34: {  	[smem:$0x3FB6] =	sst s10  }
0x35: {  	s10 =	sld [smem:$0x3FB5];
	_ =	sdelay $0x3  }
0x36: {  	p1 =	seq.s32 s10, $0x1;
	s10 =	sld [smem:$0x3FB6];
	_ =	sdelay $0x3  }
0x37: {  	[smem:$0x3FB6] =	sst s10  }
0x38: {  	s10 =	sld [smem:$0x3FB7]  }
0x39: {  	_ = 	snop;
	(pc) =	sbr.ind lr, $3  }
0x3a: {  	_ = 	snop  }
0x3b: {  	_ = 	snop  }
0x3c: {  	p2 =	seq.s32 s10, $0x1;
	s10 =	sld [smem:$0x3FB6]  }
0x3d: {  	_ =	shalt  }
0x3e: {  	_ =	shalt  }
0x3f: {  	_ =	shalt  }
0x40: {  	_ =	shalt  }
0x41: {  	_ =	shalt  }
0x42: {  	_ =	shalt  }
0x43: {  	_ =	shalt  }
0x44: {  	_ =	shalt  }
0x45: {  	_ =	shalt  }
0x46: {  	_ =	shalt  }
0x47: {  	_ =	shalt  }
0x48: {  	_ =	shalt  }
0x49: {  	_ =	shalt  }
0x4a: {  	_ =	shalt  }
0x4b: {  	_ =	shalt  }
0x4c: {  	_ =	shalt  }
0x4d: {  	_ =	shalt  }
0x4e: {  	_ =	shalt  }
0x4f: {  	_ =	shalt  }
0x50: {  	_ =	shalt  }
0x51: {  	_ =	shalt  }
0x52: {  	_ =	shalt  }
0x53: {  	_ =	shalt  }
0x54: {  	_ =	shalt  }
0x55: {  	_ =	shalt  }
0x56: {  	_ =	shalt  }
0x57: {  	_ =	shalt  }
0x58: {  	_ =	shalt  }
0x59: {  	_ =	shalt  }
0x5a: {  	_ =	shalt  }
0x5b: {  	_ =	shalt  }
0x5c: {  	_ =	shalt  }
0x5d: {  	_ =	shalt  }
0x5e: {  	_ =	shalt  }
0x5f: {  	_ =	shalt  }
0x60: {  	_ =	shalt  }
0x61: {  	_ =	shalt  }
0x62: {  	_ =	shalt  }
0x63: {  	_ =	shalt  }
0x64: {  	_ =	shalt  }
0x65: {  	_ =	shalt  }
0x66: {  	_ =	shalt  }
0x67: {  	_ =	shalt  }
0x68: {  	_ =	shalt  }
0x69: {  	_ =	shalt  }
0x6a: {  	_ =	shalt  }
0x6b: {  	_ =	shalt  }
0x6c: {  	_ =	shalt  }
0x6d: {  	_ =	shalt  }
0x6e: {  	_ =	shalt  }
0x6f: {  	_ =	shalt  }
0x70: {  	_ =	shalt  }
0x71: {  	_ =	shalt  }
0x72: {  	_ =	shalt  }
0x73: {  	_ =	shalt  }
0x74: {  	_ =	shalt  }
0x75: {  	_ =	shalt  }
0x76: {  	_ =	shalt  }
0x77: {  	_ =	shalt  }
0x78: {  	_ =	shalt  }
0x79: {  	_ =	shalt  }
0x7a: {  	_ =	shalt  }
0x7b: {  	_ =	shalt  }
0x7c: {  	_ =	shalt  }
0x7d: {  	_ =	shalt  }
0x7e: {  	_ =	shalt  }
0x7f: {  	_ =	shalt  }
0x80: {  	_ =	shalt  }
0x81: {  	_ =	shalt  }
0x82: {  	_ =	shalt  }
0x83: {  	_ =	shalt  }
0x84: {  	_ =	shalt  }
0x85: {  	_ =	shalt  }
0x86: {  	_ =	shalt  }
0x87: {  	_ =	shalt  }
.Lfunc_end0:
.L_simem_size_0:
called_computation.2_lowered:
.L_overlay_start_0:
0x88: {  	s2 =	sld [smem:$0x3FD9]  }
0x89: {  	s3 =	sld [smem:$0x3FFE];
	_ =	sdelay $0x1  }
0x8a: {  	s1 =	srdreg.scid  }
0x8b: {  	s0 =	sand.u32 $0x1, s1  }
0x8c: {  	s17 =	sshll.u32 s0, $0xA;
	s2 =	sadd.s32 s3, s2  }
0x8d: {  	s2 =	sadd.s32 s2, s17  }
0x8e: {  	[smem:$0x3FC2] =	sst s2  }
0x8f: {  	_ = 	snop  }
0x90: {  	s2 =	sld [smem:$0x3FD0];
	(tm) =	ssettm $0x1  }
0x91: {  	s18 =	sld [smem:$0x3FFB];
	_ =	sdelay $0x3  }
0x92: {  	_ =	strace s18  }
0x93: {  	s3 =	sld [smem:$0x3FFC];
	_ =	sdelay $0x3  }
0x94: {  	_ =	strace s3  }
0x95: {  	s3 =	sld [smem:$0x3FFD];
	_ =	sdelay $0x3  }
0x96: {  	_ =	strace s3  }
0x97: {  	_ =	strace $0x8FFFFFFF  }
0x98: {  	s19 =	sld [smem:$0x3FDB];
	_ =	sdelay $0x1  }
0x99: {  	s4 =	simm.s32 $_scs_section_size  }
0x9a: {  	s5 =	simm.s32 $_size__tile_overlayer_lowered;
	s6 =	simm.s32 $_tile_overlayer_lowered  }
0x9b: {  	s22 =	simm.s32 $0x1BFF;
	s21 =	sshll.u32 s6, $0x1;
	s3 =	sadd.s32 s4, s19  }
0x9c: {  	s7 =	simm.s32 $0x0;
	s20 =	sshll.u32 s5, $0x1;
	s5 =	sadd.s32 s21, s3  }
0x9d: {  	[timem:s7], [sflag:s22] =	dma.local [hbm:s5], s20  }
0x9e: {  	_ =	swait.ge [sflag:s22], s20  }
0x9f: {  	s4 =	ssub.s32 $0x0, s20;
	[sflag:s22] =	ssyncset.done $0x0  }
0xa0: {  	[sflag:s22] =	ssyncadd.s32 s4;
	_ =	sdelay $0x1  }
0xa1: {  	s23 =	simm.s32 $0x1B8B  }
0xa2: {  	_ =	swait.ge [sflag:s23], $0x1  }
0xa3: {  	[sflag:s23] =	ssyncset.done $0x0  }
0xa4: {  	s25 =	simm.s32 $0x1B8E;
	s24 =	sld [smem:$0x3FFE];
	[sflag:s23] =	ssyncadd.s32 $0xFFFFFFFF  }
0xa5: {  	s26 =	simm.s32 $execute0_lowered;
	[smem:$0x3FD2] =	sst s25  }
0xa6: {  	s5 =	sshll.u32 s26, $0x1;
	_ =	strace $0x8000004C;
	[dreg:$0x1] =	wrdreg $0xFFFFFFFF  }
0xa7: {  	s28 =	simm.s32 $_size_execute0_lowered;
	s3 =	sadd.s32 s3, s5;
	[dreg:$0x0] =	wrdreg $0x0  }
0xa8: {  	s5 =	sshll.u32 s28, $0x1;
	[dreg:$0x2] =	wrdreg s3  }
0xa9: {  	[dreg:$0x3] =	wrdreg s5  }
0xaa: {  	[dreg:$0x4] =	wrdreg $0xC0  }
0xab: {  	_ =	task [dreg:s7], $0x5FFFF  }
0xac: {  	[dreg:$0x1] =	wrdreg $0xFFFFFFFF  }
0xad: {  	[dreg:$0x0] =	wrdreg $0x60  }
0xae: {  	[dreg:$0x2] =	wrdreg s24  }
0xaf: {  	[dreg:$0x3] =	wrdreg s2  }
0xb0: {  	[dreg:$0x4] =	wrdreg $0xA1000  }
0xb1: {  	[dreg:$0x5] =	wrdreg $0x9  }
0xb2: {  	_ =	task.clear_ibuf [dreg:s7], $0x6FFFF;
	_ =	strace $0x9000004C  }
0xb3: {  	s29 =	simm.s32 $0x9;
	_ =	strace $0x8000004E  }
0xb4: {  	_ =	swait.ge [sflag:s29], $0x1  }
0xb5: {  	[sflag:s29] =	ssyncadd.s32 $0xFFFFFFFF  }
0xb6: {  	_ =	strace $0x9000004E  }
0xb7: {  	_ =	sfence  }
0xb8: {  	s30 =	sld [smem:$0x0];
	_ =	sdelay $0x2  }
0xb9: {  	s31 =	sshll.u32 s1, $0xD;
	s1 =	sshrl.u32 s1, $0x2  }
0xba: {  	s3 =	sand.u32 $0x4000, s31;
	s1 =	sadd.s32 s1, s30  }
0xbb: {  	s0 =	sor.u32 s3, s0;
	s1 =	sshll.u32 s1, $0x11  }
0xbc: {  	s0 =	sor.u32 s1, s0  }
0xbd: {  	s0 =	sadd.s32 $0x8F2B, s0  }
0xbe: {  	[sflag:s0] =	ssyncadd.remote.s32 $0x1  }
0xbf: {  	_ =	sfence.sel $0xFFFF  }
0xc0: {  	[dreg:$0x0] =	wrdreg $0xFFFFFFFF;
	(pc) =	sbr.abs _section_cstart, $3  }
0xc1: {  	[dreg:$0x1] =	wrdreg $0xFFFFFFFF  }
0xc2: {  	_ =	task.clear_ibuf [dreg:s7], $0x2FFFF;
	_ =	strace $0x9FFFFFFF  }
0xc3: {  	(tm) =	ssettm $0x7FFFFFFF  }
tec
execute0_lowered:
.L_overlay_start_1:
0x0: {  	(tag) =	ssettag $0x1  }
0x1: {  	s0 =	rddreg [dreg:$0x0]  }
0x2: {  	s2 =	rddreg [dreg:$0x1]  }
0x3: {  	s1 =	rddreg [dreg:$0x2]  }
0x4: {  	s3 =	srdreg.scid;
	s12 =	stileid.u32;
	s28 =	simm.s32 $0x7900  }
0x5: {  	s29 =	simm.s32 $0x2;
	s30 =	simm.s32 $0x5;
	s31 =	simm.s32 $0x7  }
0x6: {  	s5 =	sand.u32 $0x1, s3;
	s3 =	simm.s32 $0x0;
	s7 =	smul.u32 $0x13C00, s12  }
0x7: {  	s4 =	sadd.s32 $0x35200, s0;
	s8 =	sadd.s32 $0x15E00, s0;
	s11 =	smul.u32 $0x4F000, s12  }
0x8: {  	s9 =	sadd.s32 $0x1A00, s0;
	s17 =	sshll.u32 s12, $0x1;
	s22 =	smul.u32 $0xFA0, s12  }
0x9: {  	s20 =	sshll.u32 s12, $0x6;
	s6 =	smul.u32 $0x13C000, s5;
	[smem:$0x7FF] =	sst s3  }
0xa: {  	s16 =	ssub.s32 $0x2, s5;
	_ =	strace $0x8000004D;
	[dreg:$0x4] =	wrdreg s9  }
0xb: {  	s10 =	sshrl.u32 s16, $0x1;
	s9 =	sor.u32 s5, s17;
	s5 =	smul.u32 $0x7D0, s5  }
0xc: {  	s19 =	sshrl.u32 s11, $0x2;
	s17 =	simm.s32 $0xA;
	s18 =	smul.u32 $0x3E80, s9  }
0xd: {  	s6 =	sadd.s32 s7, s6;
	s7 =	ssub.s32 s16, s10;
	s9 =	smul.u32 $0x4F0, s9  }
0xe: {  	s16 =	sadd.s32 s19, s1;
	s19 =	simm.s32 $0x50;
	s6 =	sshrl.u32 s6, $0x3  }
0xf: {  	s14 =	smax.u32 s7, $0x1;
	s16 =	sshrl.u32 s16, $0x3;
	s7 =	simm.s32 $0x0  }
0x10: {  	s0 =	sadd.s32 s6, s0;
	s6 =	sor.u32 $0x1C0A, s20;
	s10 =	sshrl.u32 s18, $0x3  }
0x11: {  	s2 =	sadd.s32 s2, s9;
	s18 =	simm.s32 $0x2780;
	s20 =	simm.s32 $0x2900  }
0x12: {  	[dreg:$0x5] =	wrdreg s2;
	s21 =	sadd.s32 s8, s10;
	s8 =	sadd.s32 s22, s8  }
0x13: {  	s13 =	sadd.s32 $0x5C400, s0;
	s22 =	simm.s32 $0x5100;
	s0 =	simm.s32 $0x3  }
0x14: {  	s2 =	simm.s32 $0x6;
	s10 =	sadd.s32 $0xFA00, s21;
	s23 =	sadd.s32 $0xFA10, s21  }
0x15: {  	s24 =	sadd.s32 $0xFA20, s21;
	s25 =	sadd.s32 $0x101B0, s21;
	[dreg:$0x6] =	wrdreg s10  }
0x16: {  	s12 =	sadd.s32 $0x101C0, s21;
	s26 =	sadd.s32 s5, s8;
	[dreg:$0x7] =	wrdreg s23  }
0x17: {  	s21 =	simm.s32 $0x2800;
	s5 =	simm.s32 $0x9;
	[dreg:$0x8] =	wrdreg s24  }
0x18: {  	[dreg:$0x9] =	wrdreg s25;
	s15 =	sadd.s32 $0xFA50, s26;
	s23 =	simm.s32 $0x1  }
0x19: {  	s24 =	simm.s32 $0x4;
	s25 =	simm.s32 $0x2880;
	s26 =	simm.s32 $0x8  }
.LBB2_1:
0x1a: {  	s8 =	rddreg [dreg:$0x4]  }
0x1b: {  	[spmem:s16], [sflag:s6] =	dma.local [hbm:s8], $0x2780  }
0x1c: {  	_ =	swait.ge [sflag:s17], $0x2780  }
0x1d: {  	[sflag:s17] =	ssyncset.done $0x0  }
0x1e: {  	s11 =	rddreg [dreg:$0x5];
	[sflag:s17] =	ssyncadd.s32 $0xFFFFD880  }
0x1f: {  	[tilespmem:s3], [sflag:$0xA] =	stream.linear.gather [hbm4b:s11+s3], $0x2780, $0x38;
	[tilespmem:$0x1DD00] =	vst v63  }
0x20: {  	_ =	swait.ge [sflag:s17], $0x2780  }
0x21: {  	[sflag:s17] =	ssyncset.done $0x0  }
0x22: {  	[sflag:s17] =	ssyncadd.s32 $0xFFFFD880  }
0x23: {  	[bflag:$0x0] =	sbarrier.arrive $0xFFFF  }
0x24: {  	s9 =	rddreg [dreg:$0x6]  }
0x25: {  	[tilespmem:s18], [sflag:$0x4] =	stream.linear.gather [hbm4b:s9+s3], $0x80, $0x38;
	[tilespmem:$0x1DD00] =	vst v63  }
0x26: {  	_ = 	snop  }
0x27: {  	[tilespmem:s20], [sflag:$0x1] =	stream.indirect.gather [hbm4b:s4+s19], $0x80, s3, s19, $0xb8;
	[tilespmem:$0x1DD00] =	vst v63  }
0x28: {  	s10 =	rddreg [dreg:$0x7]  }
0x29: {  	[tilespmem:s21], [sflag:$0x5] =	stream.linear.gather [hbm4b:s10+s3], $0x80, $0x38;
	[tilespmem:$0x1DD00] =	vst v63  }
0x2a: {  	_ = 	snop  }
0x2b: {  	[tilespmem:s22], [sflag:$0x2] =	stream.indirect.gather [hbm4b:s4+s19], $0x80, s19, s19, $0xb8;
	[tilespmem:$0x1DD00] =	vst v63  }
0x2c: {  	_ =	swait.ge [sflag:s23], $0x2800  }
0x2d: {  	[sflag:s23] =	ssyncset.done $0x0  }
0x2e: {  	[sflag:s23] =	ssyncadd.s32 $0xFFFFD800  }
0x2f: {  	_ =	swait.ge [sflag:s24], $0x80  }
0x30: {  	[sflag:s24] =	ssyncset.done $0x0  }
0x31: {  	[sflag:s24] =	ssyncadd.s32 $0xFFFFFF80  }
0x32: {  	[spmem:s1] =	stream.indirect.scatter.add.f32 [tilespmem:s20], [sflag:$0x7], $0x80, s18, s19, $0xb8;
	[tilespmem:$0x1DD00] =	vst v63  }
0x33: {  	s11 =	rddreg [dreg:$0x8]  }
0x34: {  	[tilespmem:s25], [sflag:$0x6] =	stream.linear.gather [hbm4b:s11+s3], $0x80, $0x38;
	[tilespmem:$0x1DD00] =	vst v63  }
0x35: {  	s9 =	simm.s32 $0xA0  }
0x36: {  	[tilespmem:s28], [sflag:$0x3] =	stream.indirect.gather [hbm4b:s4+s19], $0x80, s9, s19, $0xb8;
	[tilespmem:$0x1DD00] =	vst v63  }
0x37: {  	_ =	swait.ge [sflag:s29], $0x2800  }
0x38: {  	[sflag:s29] =	ssyncset.done $0x0  }
0x39: {  	[sflag:s29] =	ssyncadd.s32 $0xFFFFD800  }
0x3a: {  	_ =	swait.ge [sflag:s30], $0x80  }
0x3b: {  	[sflag:s30] =	ssyncset.done $0x0  }
0x3c: {  	[sflag:s30] =	ssyncadd.s32 $0xFFFFFF80  }
0x3d: {  	[spmem:s1] =	stream.indirect.scatter.add.f32 [tilespmem:s22], [sflag:$0x8], $0x80, s21, s19, $0xb8;
	[tilespmem:$0x1DD00] =	vst v63  }
0x3e: {  	_ =	swait.ge [sflag:s31], $0x2800  }
0x3f: {  	[sflag:s31] =	ssyncset.done $0x0  }
0x40: {  	s10 =	sadd.s32 $0xFFFFFFE0, s15;
	[sflag:s31] =	ssyncadd.s32 $0xFFFFD800  }
0x41: {  	[tilespmem:s18], [sflag:$0x4] =	stream.linear.gather [hbm4b:s10+s3], $0x80, $0x38;
	[tilespmem:$0x1DD00] =	vst v63  }
0x42: {  	s11 =	simm.s32 $0xF0  }
0x43: {  	[tilespmem:s20], [sflag:$0x1] =	stream.indirect.gather [hbm4b:s4+s19], $0x80, s11, s19, $0xb8;
	[tilespmem:$0x1DD00] =	vst v63  }
0x44: {  	_ =	swait.ge [sflag:s0], $0x2800  }
0x45: {  	[sflag:s0] =	ssyncset.done $0x0  }
0x46: {  	[sflag:s0] =	ssyncadd.s32 $0xFFFFD800  }
0x47: {  	_ =	swait.ge [sflag:s2], $0x80  }
0x48: {  	[sflag:s2] =	ssyncset.done $0x0  }
0x49: {  	[sflag:s2] =	ssyncadd.s32 $0xFFFFFF80  }
0x4a: {  	[spmem:s1] =	stream.indirect.scatter.add.f32 [tilespmem:s28], [sflag:$0x9], $0x80, s25, s19, $0xb8;
	[tilespmem:$0x1DD00] =	vst v63  }
0x4b: {  	_ =	swait.ge [sflag:s26], $0x2800  }
0x4c: {  	[sflag:s26] =	ssyncset.done $0x0  }
0x4d: {  	s9 =	sadd.s32 $0xFFFFFFF0, s15;
	[sflag:s26] =	ssyncadd.s32 $0xFFFFD800  }
0x4e: {  	[tilespmem:s21], [sflag:$0x5] =	stream.linear.gather [hbm4b:s9+s3], $0x80, $0x38;
	[tilespmem:$0x1DD00] =	vst v63  }
0x4f: {  	s10 =	simm.s32 $0x140  }
0x50: {  	[tilespmem:s22], [sflag:$0x2] =	stream.indirect.gather [hbm4b:s4+s19], $0x80, s10, s19, $0xb8;
	[tilespmem:$0x1DD00] =	vst v63  }
0x51: {  	_ =	swait.ge [sflag:s23], $0x2800  }
0x52: {  	[sflag:s23] =	ssyncset.done $0x0  }
0x53: {  	[sflag:s23] =	ssyncadd.s32 $0xFFFFD800  }
0x54: {  	_ =	swait.ge [sflag:s24], $0x80  }
0x55: {  	[sflag:s24] =	ssyncset.done $0x0  }
0x56: {  	[sflag:s24] =	ssyncadd.s32 $0xFFFFFF80  }
0x57: {  	[spmem:s1] =	stream.indirect.scatter.add.f32 [tilespmem:s20], [sflag:$0x7], $0x80, s18, s19, $0xb8;
	[tilespmem:$0x1DD00] =	vst v63  }
0x58: {  	_ =	swait.ge [sflag:s5], $0x2800  }
0x59: {  	[sflag:s5] =	ssyncset.done $0x0  }
0x5a: {  	[sflag:s5] =	ssyncadd.s32 $0xFFFFD800  }
0x5b: {  	[tilespmem:s25], [sflag:$0x6] =	stream.linear.gather [hbm4b:s15+s3], $0x80, $0x38;
	[tilespmem:$0x1DD00] =	vst v63  }
0x5c: {  	s11 =	simm.s32 $0x190  }
0x5d: {  	[tilespmem:s28], [sflag:$0x3] =	stream.indirect.gather [hbm4b:s4+s19], $0x80, s11, s19, $0xb8;
	[tilespmem:$0x1DD00] =	vst v63  }
0x5e: {  	_ =	swait.ge [sflag:s29], $0x2800  }
0x5f: {  	[sflag:s29] =	ssyncset.done $0x0  }
0x60: {  	[sflag:s29] =	ssyncadd.s32 $0xFFFFD800  }
0x61: {  	_ =	swait.ge [sflag:s30], $0x80  }
0x62: {  	[sflag:s30] =	ssyncset.done $0x0  }
0x63: {  	s8 =	simm.s32 $0x3C0;
	s9 =	sadd.s32 $0x30, s15;
	[sflag:s30] =	ssyncadd.s32 $0xFFFFFF80  }
.LBB2_2:
0x64: {  	[spmem:s1] =	stream.indirect.scatter.add.f32 [tilespmem:s22], [sflag:$0x8], $0x80, s21, s19, $0xb8;
	[tilespmem:$0x1DD00] =	vst v63  }
0x65: {  	s10 =	smov.u32 s8  }
0x66: {  	p0 =	sne.s32 s8, $0x9240;
	s8 =	sadd.s32 $0x3C0, s8;
	_ =	swait.ge [sflag:s31], $0x2800  }
0x67: {  	[sflag:s31] =	ssyncset.done $0x0  }
0x68: {  	s11 =	sadd.s32 $0xFFFFFFE0, s9;
	s10 =	sshra.s32 s10, $0x2;
	[sflag:s31] =	ssyncadd.s32 $0xFFFFD800  }
0x69: {  	[tilespmem:s18], [sflag:$0x4] =	stream.linear.gather [hbm4b:s11+s3], $0x80, $0x38;
	[tilespmem:$0x1DD00] =	vst v63  }
0x6a: {  	s11 =	sadd.s32 $0xF0, s10  }
0x6b: {  	[tilespmem:s20], [sflag:$0x1] =	stream.indirect.gather [hbm4b:s4+s19], $0x80, s11, s19, $0xb8;
	[tilespmem:$0x1DD00] =	vst v63  }
0x6c: {  	_ =	swait.ge [sflag:s0], $0x2800  }
0x6d: {  	[sflag:s0] =	ssyncset.done $0x0  }
0x6e: {  	[sflag:s0] =	ssyncadd.s32 $0xFFFFD800  }
0x6f: {  	_ =	swait.ge [sflag:s2], $0x80  }
0x70: {  	[sflag:s2] =	ssyncset.done $0x0  }
0x71: {  	[sflag:s2] =	ssyncadd.s32 $0xFFFFFF80  }
0x72: {  	[spmem:s1] =	stream.indirect.scatter.add.f32 [tilespmem:s28], [sflag:$0x9], $0x80, s25, s19, $0xb8;
	[tilespmem:$0x1DD00] =	vst v63  }
0x73: {  	_ =	swait.ge [sflag:s26], $0x2800  }
0x74: {  	[sflag:s26] =	ssyncset.done $0x0  }
0x75: {  	s11 =	sadd.s32 $0xFFFFFFF0, s9;
	[sflag:s26] =	ssyncadd.s32 $0xFFFFD800  }
0x76: {  	[tilespmem:s21], [sflag:$0x5] =	stream.linear.gather [hbm4b:s11+s3], $0x80, $0x38;
	[tilespmem:$0x1DD00] =	vst v63  }
0x77: {  	s11 =	sadd.s32 $0x140, s10  }
0x78: {  	[tilespmem:s22], [sflag:$0x2] =	stream.indirect.gather [hbm4b:s4+s19], $0x80, s11, s19, $0xb8;
	[tilespmem:$0x1DD00] =	vst v63  }
0x79: {  	_ =	swait.ge [sflag:s23], $0x2800  }
0x7a: {  	[sflag:s23] =	ssyncset.done $0x0  }
0x7b: {  	[sflag:s23] =	ssyncadd.s32 $0xFFFFD800  }
0x7c: {  	_ =	swait.ge [sflag:s24], $0x80  }
0x7d: {  	[sflag:s24] =	ssyncset.done $0x0  }
0x7e: {  	[sflag:s24] =	ssyncadd.s32 $0xFFFFFF80  }
0x7f: {  	[spmem:s1] =	stream.indirect.scatter.add.f32 [tilespmem:s20], [sflag:$0x7], $0x80, s18, s19, $0xb8;
	[tilespmem:$0x1DD00] =	vst v63  }
0x80: {  	_ =	swait.ge [sflag:s5], $0x2800  }
0x81: {  	[sflag:s5] =	ssyncset.done $0x0  }
0x82: {  	[sflag:s5] =	ssyncadd.s32 $0xFFFFD800  }
0x83: {  	[tilespmem:s25], [sflag:$0x6] =	stream.linear.gather [hbm4b:s9+s3], $0x80, $0x38;
	[tilespmem:$0x1DD00] =	vst v63  }
0x84: {  	s10 =	sadd.s32 $0x190, s10  }
0x85: {  	[tilespmem:s28], [sflag:$0x3] =	stream.indirect.gather [hbm4b:s4+s19], $0x80, s10, s19, $0xb8;
	[tilespmem:$0x1DD00] =	vst v63  }
0x86: {  	_ =	swait.ge [sflag:s29], $0x2800  }
.Ltmp0:
0x87: {  	[sflag:s29] =	ssyncset.done $0x0;
	(pc) =	sbr.rel @p0 .LBB2_2-.Ltmp0, $4  }
0x88: {  	[sflag:s29] =	ssyncadd.s32 $0xFFFFD800  }
0x89: {  	_ =	swait.ge [sflag:s30], $0x80  }
0x8a: {  	[sflag:s30] =	ssyncset.done $0x0  }
0x8b: {  	s9 =	sadd.s32 $0x30, s9;
	[sflag:s30] =	ssyncadd.s32 $0xFFFFFF80  }
0x8c: {  	[spmem:s1] =	stream.indirect.scatter.add.f32 [tilespmem:s22], [sflag:$0x8], $0x80, s21, s19, $0xb8;
	[tilespmem:$0x1DD00] =	vst v63  }
0x8d: {  	_ =	swait.ge [sflag:s31], $0x2800  }
0x8e: {  	[sflag:s31] =	ssyncset.done $0x0  }
0x8f: {  	s8 =	rddreg [dreg:$0x9];
	[sflag:s31] =	ssyncadd.s32 $0xFFFFD800  }
0x90: {  	[tilespmem:s18], [sflag:$0x4] =	stream.linear.gather [hbm4b:s8+s3], $0x80, $0x38;
	[tilespmem:$0x1DD00] =	vst v63  }
0x91: {  	s10 =	simm.s32 $0x2670  }
0x92: {  	[tilespmem:s20], [sflag:$0x1] =	stream.indirect.gather [hbm4b:s4+s19], $0x80, s10, s19, $0xb8;
	[tilespmem:$0x1DD00] =	vst v63  }
0x93: {  	_ =	swait.ge [sflag:s0], $0x2800  }
0x94: {  	[sflag:s0] =	ssyncset.done $0x0  }
0x95: {  	[sflag:s0] =	ssyncadd.s32 $0xFFFFD800  }
0x96: {  	_ =	swait.ge [sflag:s2], $0x80  }
0x97: {  	[sflag:s2] =	ssyncset.done $0x0  }
0x98: {  	[sflag:s2] =	ssyncadd.s32 $0xFFFFFF80  }
0x99: {  	[spmem:s1] =	stream.indirect.scatter.add.f32 [tilespmem:s28], [sflag:$0x9], $0x80, s25, s19, $0xb8;
	[tilespmem:$0x1DD00] =	vst v63  }
0x9a: {  	_ =	swait.ge [sflag:s26], $0x2800  }
0x9b: {  	[sflag:s26] =	ssyncset.done $0x0  }
0x9c: {  	[sflag:s26] =	ssyncadd.s32 $0xFFFFD800  }
0x9d: {  	[tilespmem:s21], [sflag:$0x5] =	stream.linear.gather [hbm4b:s12+s3], $0x80, $0x38;
	[tilespmem:$0x1DD00] =	vst v63  }
0x9e: {  	s11 =	simm.s32 $0x26C0  }
0x9f: {  	[tilespmem:s22], [sflag:$0x2] =	stream.indirect.gather [hbm4b:s4+s19], $0x80, s11, s19, $0xb8;
	[tilespmem:$0x1DD00] =	vst v63  }
0xa0: {  	_ =	swait.ge [sflag:s23], $0x2800  }
0xa1: {  	[sflag:s23] =	ssyncset.done $0x0  }
0xa2: {  	[sflag:s23] =	ssyncadd.s32 $0xFFFFD800  }
0xa3: {  	_ =	swait.ge [sflag:s24], $0x80  }
0xa4: {  	[sflag:s24] =	ssyncset.done $0x0  }
0xa5: {  	[sflag:s24] =	ssyncadd.s32 $0xFFFFFF80  }
0xa6: {  	[spmem:s1] =	stream.indirect.scatter.add.f32 [tilespmem:s20], [sflag:$0x7], $0x80, s18, s19, $0xb8;
	[tilespmem:$0x1DD00] =	vst v63  }
0xa7: {  	_ =	swait.ge [sflag:s5], $0x2800  }
0xa8: {  	[sflag:s5] =	ssyncset.done $0x0  }
0xa9: {  	[sflag:s5] =	ssyncadd.s32 $0xFFFFD800  }
0xaa: {  	_ =	swait.ge [sflag:s29], $0x2800  }
0xab: {  	[sflag:s29] =	ssyncset.done $0x0  }
0xac: {  	[sflag:s29] =	ssyncadd.s32 $0xFFFFD800  }
0xad: {  	_ =	swait.ge [sflag:s30], $0x80  }
0xae: {  	[sflag:s30] =	ssyncset.done $0x0  }
0xaf: {  	[sflag:s30] =	ssyncadd.s32 $0xFFFFFF80  }
0xb0: {  	[spmem:s1] =	stream.indirect.scatter.add.f32 [tilespmem:s22], [sflag:$0x8], $0x80, s21, s19, $0xb8;
	[tilespmem:$0x1DD00] =	vst v63  }
0xb1: {  	_ =	swait.ge [sflag:s31], $0x2800  }
0xb2: {  	[sflag:s31] =	ssyncset.done $0x0  }
0xb3: {  	[sflag:s31] =	ssyncadd.s32 $0xFFFFD800  }
0xb4: {  	_ =	swait.ge [sflag:s26], $0x2800  }
0xb5: {  	s7 =	sadd.s32 $0x1, s7;
	[sflag:s26] =	ssyncset.done $0x0  }
0xb6: {  	p0 =	sne.s32 s7, s14;
	[sflag:s26] =	ssyncadd.s32 $0xFFFFD800  }
.Ltmp1:
0xb7: {  	[bflag:$0x0] =	sbarrier.arrive $0xFFFF;
	(pc) =	sbr.rel @p0 .LBB2_1-.Ltmp1, $4  }
0xb8: {  	[hbm:s13], [sflag:s6] =	dma.local [spmem:s16], $0x2780  }
0xb9: {  	_ =	swait.ge [sflag:s17], $0x2780  }
0xba: {  	[sflag:s17] =	ssyncset.done $0x0  }
0xbb: {  	[sflag:s17] =	ssyncadd.s32 $0xFFFFD880  }
0xbc: {  	_ =	sfence.sel $0x180000  }
0xbd: {  	[bflag:$0x0] =	sbarrier.arrive $0xFFFF  }
0xbe: {  	_ =	strace $0x9000004D  }
0xbf: {  	s0 =	stileid.u32;
	[bflag:$0x2] =	sbarrier.arrive $0xFFFF  }
0xc0: {  	p0 =	sne.s32 s0, $0x0;
	s0 =	rddreg [dreg:$0x3]  }
0xc1: {  	s0 =	sadd.s32 @!p0 $0x100000, s0  }
0xc2: {  	[sflag:s0] =	ssyncadd.tile.s32 @!p0 $0x1;
	_ =	shalt  }
.Lfunc_end2:
_tile_overlayer_lowered:
.L_overlay_start_2:
0xc3: {  	(tag) =	ssettag $0x2  }
0xc4: {  	s0 =	rddreg [dreg:$0x0];
	s2 =	stileid.u32  }
0xc5: {  	s1 =	rddreg [dreg:$0x1];
	p0 =	sne.s32 s2, $0x0  }
0xc6: {  	s3 =	rddreg [dreg:$0x2];
	[bflag:$0x3] =	sbarrier.arrive $0xFFFF;
	s2 =	simm.s32 @!p0 $0x1C0A  }
0xc7: {  	[timem:s3], [sflag:s2] =	dma.local @!p0 [hbm:s0], s1  }
0xc8: {  	s0 =	simm.s32 @!p0 $0xA  }
0xc9: {  	_ =	swait.ge @!p0 [sflag:s0], s1  }
0xca: {  	s1 =	ssub.s32 @!p0 $0x0, s1;
	[sflag:s0] =	ssyncset.done @!p0 $0x0  }
0xcb: {  	[sflag:s0] =	ssyncadd.s32 @!p0 s1  }
0xcc: {  	[bflag:$0x3] =	sbarrier.arrive $0xFFFF  }
0xcd: {  	_ =	shalt  }

// kernel: kernel.8.cloned.1.call-start
scs
__scs_entry_jumppad:
0x0: {  	(pc) =	sbr.rel $0x88, $3  }
0x1: {  	(tag) =	ssettag $0x0;
	lr =	simm.s32 $0x1  }
0x2: {  	[smem:$0x3F9B] =	sst lr;
	_ =	strace $0xD0000000  }
0x3: {  	_ = 	snop  }
0x4: {  	_ = 	snop  }
0x5: {  	_ = 	snop  }
0x6: {  	_ = 	snop  }
0x7: {  	_ = 	snop  }
__scs_overlays_trampoline_lowered:
0x8: {  	[smem:$0x3FAA] =	sst s0  }
0x9: {  	[smem:$0x3FAB] =	sst s1  }
0xa: {  	[smem:$0x3FAC] =	sst s2  }
0xb: {  	[smem:$0x3FAD] =	sst s3  }
0xc: {  	[smem:$0x3FAE] =	sst s4  }
0xd: {  	[smem:$0x3FAF] =	sst s5  }
0xe: {  	[smem:$0x3FB0] =	sst s6  }
0xf: {  	[smem:$0x3FB1] =	sst s7  }
0x10: {  	[smem:$0x3FB2] =	sst s8  }
0x11: {  	[smem:$0x3FB3] =	sst s9;
	s0 =	simm.s32 @!p0 $0x0  }
0x12: {  	s1 =	sld [smem:$0x3F99];
	s0 =	simm.s32 @p0 $0x1  }
0x13: {  	[smem:$0x3FB4] =	sst s0;
	s0 =	simm.s32 @!p1 $0x0  }
0x14: {  	s2 =	sld [smem:$0x3F98];
	s0 =	simm.s32 @p1 $0x1  }
0x15: {  	[smem:$0x3FB5] =	sst s0;
	s0 =	simm.s32 @!p2 $0x0  }
0x16: {  	s3 =	sld [smem:$0x3FDB];
	s0 =	simm.s32 @p2 $0x1  }
0x17: {  	s4 =	simm.s32 $0x1BF5;
	[smem:$0x3FB7] =	sst s0  }
0x18: {  	s0 =	sld [smem:$0x3F9A];
	_ =	swait.ge [sflag:s4], $0x0  }
0x19: {  	s7 =	sld [smem:$0x3F9B]  }
0x1a: {  	s8 =	sadd.s32 $0xFFFFE003, lr  }
0x1b: {  	s9 =	sadd.s32 $0xFFFFFEF7, lr;
	s5 =	simm.s32 $0xFFFFFFFF;
	p2 =	slt.u32 s8, $0xFFFFF086  }
0x1c: {  	p1 =	slt.u32 s9, $0xF7A;
	s5 =	simm.s32 @!p2 $0x0  }
0x1d: {  	s5 =	simm.s32 @p1 $0x1;
	p0 =	seq.s32 s7, s2  }
0x1e: {  	s7 =	smul.u32 @!p0 $0xF7A, s2;
	p2 =	seq.s32 @!p0 s5, $0x0  }
0x1f: {  	s9 =	smul.u32 $0xF7A, s1;
	s8 =	simm.s32 @!p0 $0x1BF5;
	p2 =	por !p2, p0  }
0x20: {  	[sflag:s8] =	ssyncset.s32 @!p0 $0xFFFFF086;
	s6 =	sadd.s32 @!p0 s3, s7;
	s7 =	simm.s32 @!p0 $0x108  }
0x21: {  	s3 =	sadd.s32 s3, s9;
	s6 =	sadd.s32 @!p0 $0x88, s6;
	s7 =	simm.s32 @p2 $0x1082  }
0x22: {  	[simem:s7], [sflag:s8] =	dma.local @!p0 [hbm:s6], $0xF7A  }
0x23: {  	s9 =	sor.u32 $0xD0000000, s2;
	s6 =	simm.s32 $0x108;
	_ =	swait.ge @!p0 [sflag:s8], $0x0  }
0x24: {  	s3 =	sadd.s32 $0x88, s3;
	s6 =	simm.s32 @!p1 $0x1082;
	[sflag:s4] =	ssyncset.s32 $0xFFFFF086  }
0x25: {  	[simem:s6], [sflag:s4] =	dma.local [hbm:s3], $0xF7A  }
0x26: {  	[smem:$0x3F9B] =	sst s1;
	(tag) =	ssettag s2;
	_ =	strace s9  }
0x27: {  	s1 =	sld [smem:$0x3FAB]  }
0x28: {  	s2 =	sld [smem:$0x3FAC]  }
0x29: {  	s4 =	sld [smem:$0x3FAE]  }
0x2a: {  	p0 =	seq.s32 s5, $0x0;
	s5 =	sld [smem:$0x3FAF]  }
0x2b: {  	s6 =	sld [smem:$0x3FB0]  }
0x2c: {  	s7 =	sld [smem:$0x3FB1]  }
0x2d: {  	s3 =	simm.s32 $0x108;
	s8 =	sld [smem:$0x3FB2]  }
0x2e: {  	s3 =	simm.s32 @!p0 $0x1082;
	s9 =	sld [smem:$0x3FB3]  }
0x2f: {  	lr =	sadd.s32 s0, s3;
	s0 =	sld [smem:$0x3FAA]  }
0x30: {  	s3 =	sld [smem:$0x3FAD]  }
0x31: {  	[smem:$0x3FB6] =	sst s10  }
0x32: {  	s10 =	sld [smem:$0x3FB4];
	_ =	sdelay $0x3  }
0x33: {  	p0 =	seq.s32 s10, $0x1;
	s10 =	sld [smem:$0x3FB6];
	_ =	sdelay $0x3  }
0x34: {  	[smem:$0x3FB6] =	sst s10  }
0x35: {  	s10 =	sld [smem:$0x3FB5];
	_ =	sdelay $0x3  }
0x36: {  	p1 =	seq.s32 s10, $0x1;
	s10 =	sld [smem:$0x3FB6];
	_ =	sdelay $0x3  }
0x37: {  	[smem:$0x3FB6] =	sst s10  }
0x38: {  	s10 =	sld [smem:$0x3FB7]  }
0x39: {  	_ = 	snop;
	(pc) =	sbr.ind lr, $3  }
0x3a: {  	_ = 	snop  }
0x3b: {  	_ = 	snop  }
0x3c: {  	p2 =	seq.s32 s10, $0x1;
	s10 =	sld [smem:$0x3FB6]  }
0x3d: {  	_ =	shalt  }
0x3e: {  	_ =	shalt  }
0x3f: {  	_ =	shalt  }
0x40: {  	_ =	shalt  }
0x41: {  	_ =	shalt  }
0x42: {  	_ =	shalt  }
0x43: {  	_ =	shalt  }
0x44: {  	_ =	shalt  }
0x45: {  	_ =	shalt  }
0x46: {  	_ =	shalt  }
0x47: {  	_ =	shalt  }
0x48: {  	_ =	shalt  }
0x49: {  	_ =	shalt  }
0x4a: {  	_ =	shalt  }
0x4b: {  	_ =	shalt  }
0x4c: {  	_ =	shalt  }
0x4d: {  	_ =	shalt  }
0x4e: {  	_ =	shalt  }
0x4f: {  	_ =	shalt  }
0x50: {  	_ =	shalt  }
0x51: {  	_ =	shalt  }
0x52: {  	_ =	shalt  }
0x53: {  	_ =	shalt  }
0x54: {  	_ =	shalt  }
0x55: {  	_ =	shalt  }
0x56: {  	_ =	shalt  }
0x57: {  	_ =	shalt  }
0x58: {  	_ =	shalt  }
0x59: {  	_ =	shalt  }
0x5a: {  	_ =	shalt  }
0x5b: {  	_ =	shalt  }
0x5c: {  	_ =	shalt  }
0x5d: {  	_ =	shalt  }
0x5e: {  	_ =	shalt  }
0x5f: {  	_ =	shalt  }
0x60: {  	_ =	shalt  }
0x61: {  	_ =	shalt  }
0x62: {  	_ =	shalt  }
0x63: {  	_ =	shalt  }
0x64: {  	_ =	shalt  }
0x65: {  	_ =	shalt  }
0x66: {  	_ =	shalt  }
0x67: {  	_ =	shalt  }
0x68: {  	_ =	shalt  }
0x69: {  	_ =	shalt  }
0x6a: {  	_ =	shalt  }
0x6b: {  	_ =	shalt  }
0x6c: {  	_ =	shalt  }
0x6d: {  	_ =	shalt  }
0x6e: {  	_ =	shalt  }
0x6f: {  	_ =	shalt  }
0x70: {  	_ =	shalt  }
0x71: {  	_ =	shalt  }
0x72: {  	_ =	shalt  }
0x73: {  	_ =	shalt  }
0x74: {  	_ =	shalt  }
0x75: {  	_ =	shalt  }
0x76: {  	_ =	shalt  }
0x77: {  	_ =	shalt  }
0x78: {  	_ =	shalt  }
0x79: {  	_ =	shalt  }
0x7a: {  	_ =	shalt  }
0x7b: {  	_ =	shalt  }
0x7c: {  	_ =	shalt  }
0x7d: {  	_ =	shalt  }
0x7e: {  	_ =	shalt  }
0x7f: {  	_ =	shalt  }
0x80: {  	_ =	shalt  }
0x81: {  	_ =	shalt  }
0x82: {  	_ =	shalt  }
0x83: {  	_ =	shalt  }
0x84: {  	_ =	shalt  }
0x85: {  	_ =	shalt  }
0x86: {  	_ =	shalt  }
0x87: {  	_ =	shalt  }
.Lfunc_end0:
.L_simem_size_0:
called_computation_lowered:
.L_overlay_start_0:
0x88: {  	s2 =	sld [smem:$0x3FD9]  }
0x89: {  	s3 =	sld [smem:$0x3FFE];
	_ =	sdelay $0x1  }
0x8a: {  	s1 =	srdreg.scid  }
0x8b: {  	s0 =	sand.u32 $0x1, s1  }
0x8c: {  	s17 =	sshll.u32 s0, $0xA;
	s2 =	sadd.s32 s3, s2  }
0x8d: {  	s2 =	sadd.s32 s2, s17  }
0x8e: {  	[smem:$0x3FC2] =	sst s2  }
0x8f: {  	_ = 	snop  }
0x90: {  	s2 =	sld [smem:$0x3FD0];
	(tm) =	ssettm $0x1  }
0x91: {  	s18 =	sld [smem:$0x3FFB];
	_ =	sdelay $0x3  }
0x92: {  	_ =	strace s18  }
0x93: {  	s3 =	sld [smem:$0x3FFC];
	_ =	sdelay $0x3  }
0x94: {  	_ =	strace s3  }
0x95: {  	s3 =	sld [smem:$0x3FFD];
	_ =	sdelay $0x3  }
0x96: {  	_ =	strace s3  }
0x97: {  	_ =	strace $0x8FFFFFFF  }
0x98: {  	s19 =	sld [smem:$0x3FDB];
	_ =	sdelay $0x1  }
0x99: {  	s4 =	simm.s32 $_scs_section_size  }
0x9a: {  	s5 =	simm.s32 $_size__tile_overlayer_lowered;
	s6 =	simm.s32 $_tile_overlayer_lowered  }
0x9b: {  	s22 =	simm.s32 $0x1BFF;
	s21 =	sshll.u32 s6, $0x1;
	s3 =	sadd.s32 s4, s19  }
0x9c: {  	s7 =	simm.s32 $0x0;
	s20 =	sshll.u32 s5, $0x1;
	s5 =	sadd.s32 s21, s3  }
0x9d: {  	[timem:s7], [sflag:s22] =	dma.local [hbm:s5], s20  }
0x9e: {  	_ =	swait.ge [sflag:s22], s20  }
0x9f: {  	s4 =	ssub.s32 $0x0, s20;
	[sflag:s22] =	ssyncset.done $0x0  }
0xa0: {  	[sflag:s22] =	ssyncadd.s32 s4;
	_ =	sdelay $0x1  }
0xa1: {  	s23 =	simm.s32 $0x1B8B  }
0xa2: {  	_ =	swait.ge [sflag:s23], $0x1  }
0xa3: {  	[sflag:s23] =	ssyncset.done $0x0  }
0xa4: {  	s25 =	simm.s32 $0x1B8E;
	s24 =	sld [smem:$0x3FFE];
	[sflag:s23] =	ssyncadd.s32 $0xFFFFFFFF  }
0xa5: {  	s26 =	simm.s32 $execute0_lowered;
	[smem:$0x3FD2] =	sst s25  }
0xa6: {  	s5 =	sshll.u32 s26, $0x1;
	_ =	strace $0x80000046;
	[dreg:$0x1] =	wrdreg $0xFFFFFFFF  }
0xa7: {  	s28 =	simm.s32 $_size_execute0_lowered;
	s3 =	sadd.s32 s3, s5;
	[dreg:$0x0] =	wrdreg $0x0  }
0xa8: {  	s5 =	sshll.u32 s28, $0x1;
	[dreg:$0x2] =	wrdreg s3  }
0xa9: {  	[dreg:$0x3] =	wrdreg s5  }
0xaa: {  	[dreg:$0x4] =	wrdreg $0xC0  }
0xab: {  	_ =	task [dreg:s7], $0x5FFFF  }
0xac: {  	[dreg:$0x1] =	wrdreg $0xFFFFFFFF  }
0xad: {  	[dreg:$0x0] =	wrdreg $0x60  }
0xae: {  	[dreg:$0x2] =	wrdreg s2  }
0xaf: {  	[dreg:$0x3] =	wrdreg s24  }
0xb0: {  	[dreg:$0x4] =	wrdreg $0x9  }
0xb1: {  	_ =	task.clear_ibuf [dreg:s7], $0x5FFFF;
	_ =	strace $0x90000046  }
0xb2: {  	s29 =	simm.s32 $0x9;
	_ =	strace $0x80000048  }
0xb3: {  	_ =	swait.ge [sflag:s29], $0x1  }
0xb4: {  	[sflag:s29] =	ssyncadd.s32 $0xFFFFFFFF  }
0xb5: {  	_ =	strace $0x90000048  }
0xb6: {  	_ =	sfence  }
0xb7: {  	s30 =	sld [smem:$0x0];
	_ =	sdelay $0x2  }
0xb8: {  	s31 =	sshll.u32 s1, $0xD;
	s1 =	sshrl.u32 s1, $0x2  }
0xb9: {  	s3 =	sand.u32 $0x4000, s31;
	s1 =	sadd.s32 s1, s30  }
0xba: {  	s0 =	sor.u32 s3, s0;
	s1 =	sshll.u32 s1, $0x11  }
0xbb: {  	s0 =	sor.u32 s1, s0  }
0xbc: {  	s0 =	sadd.s32 $0x8F2B, s0  }
0xbd: {  	[sflag:s0] =	ssyncadd.remote.s32 $0x1  }
0xbe: {  	_ =	sfence.sel $0xFFFF  }
0xbf: {  	[dreg:$0x0] =	wrdreg $0xFFFFFFFF;
	(pc) =	sbr.abs _section_cstart, $3  }
0xc0: {  	[dreg:$0x1] =	wrdreg $0xFFFFFFFF  }
0xc1: {  	_ =	task.clear_ibuf [dreg:s7], $0x2FFFF;
	_ =	strace $0x9FFFFFFF  }
0xc2: {  	(tm) =	ssettm $0x7FFFFFFF  }
0xc3: {  	_ =	shalt  }
tec
execute0_lowered:
.L_overlay_start_1:
0x0: {  	(tag) =	ssettag $0x1  }
0x1: {  	s4 =	rddreg [dreg:$0x0]  }
0x2: {  	s5 =	rddreg [dreg:$0x1];
	s2 =	srdreg.scid  }
0x3: {  	s0 =	rddreg [dreg:$0x2];
	s1 =	stileid.u32  }
0x4: {  	s6 =	sand.u32 $0x1, s2;
	s3 =	sshll.u32 s1, $0x1;
	s8 =	smul.u32 $0x4E80, s1  }
0x5: {  	s2 =	simm.s32 $0x0;
	s7 =	smul.u32 $0x4E800, s6;
	s3 =	sor.u32 s6, s3  }
0x6: {  	s10 =	simm.s32 $0x0;
	[smem:$0x7FF] =	sst s2;
	s9 =	smul.u32 $0x2780, s3  }
0x7: {  	s6 =	ssub.s32 $0x2, s6;
	_ =	strace $0x80000047;
	s3 =	sadd.s32 $0x1A00, s5  }
0x8: {  	s31 =	sshrl.u32 s6, $0x1;
	s7 =	sadd.s32 s8, s7;
	s9 =	sshrl.u32 s9, $0x3  }
0x9: {  	s8 =	ssub.s32 s6, s31;
	s7 =	sshrl.u32 s7, $0x3;
	s4 =	sadd.s32 s4, s9  }
0xa: {  	s7 =	sadd.s32 s7, s5;
	s9 =	simm.s32 $0x1;
	s5 =	sadd.s32 $0x9E00, s4  }
0xb: {  	v0 =	vimm.f32 $1.000000000e+00;
	s6 =	sadd.s32 $0x2400, s7;
	s7 =	smax.u32 s8, $0x1;
	s8 =	simm.s32 $0x2780  }
.LBB2_1:
0xc: {  	[tilespmem:s8], [sflag:$0x1] =	stream.linear.gather [hbm4b:s3+s2], $0x4E80, $0x38;
	[tilespmem:$0x7600] =	vst v63  }
0xd: {  	_ =	swait.ge [sflag:s9], $0x4E80  }
0xe: {  	[sflag:s9] =	ssyncset.done $0x0  }
0xf: {  	[sflag:s9] =	ssyncadd.s32 $0xFFFFB180  }
0x10: {  	[tilespmem:s2], [sflag:$0x1] =	stream.linear.gather [hbm4b:s4+s2], $0x2780, $0x38;
	[tilespmem:$0x7600] =	vst v63  }
0x11: {  	_ =	swait.ge [sflag:s9], $0x2780  }
0x12: {  	[sflag:s9] =	ssyncset.done $0x0  }
0x13: {  	s11 =	simm.s32 $0x0;
	[sflag:s9] =	ssyncadd.s32 $0xFFFFD880  }
.LBB2_2:
0x14: {  	s12 =	sshra.s32 s11, $0x2  }
0x15: {  	v1 =	vld [tilespmem:s12+$0x0];
	_ =	sdelay $0x7  }
0x16: {  	[tilespmem:v1+s8+$0x0] =	vst.idx.add.f32.msk $0xffff, v0  }
0x17: {  	v1 =	vld [tilespmem:s12+$0x10];
	_ =	sdelay $0x7  }
0x18: {  	[tilespmem:v1+s8+$0x0] =	vst.idx.add.f32.msk $0xffff, v0  }
0x19: {  	v1 =	vld [tilespmem:s12+$0x20];
	_ =	sdelay $0x7  }
0x1a: {  	[tilespmem:v1+s8+$0x0] =	vst.idx.add.f32.msk $0xffff, v0  }
0x1b: {  	v1 =	vld [tilespmem:s12+$0x30];
	_ =	sdelay $0x7  }
0x1c: {  	[tilespmem:v1+s8+$0x0] =	vst.idx.add.f32.msk $0xffff, v0  }
0x1d: {  	v1 =	vld [tilespmem:s12+$0x40];
	_ =	sdelay $0x2  }
0x1e: {  	p0 =	sne.s32 s11, $0x9B00  }
.Ltmp0:
0x1f: {  	_ = 	snop;
	(pc) =	sbr.rel @p0 .LBB2_2-.Ltmp0, $2  }
0x20: {  	_ =	sdelay $0x2  }
0x21: {  	s11 =	sadd.s32 $0x140, s11;
	[tilespmem:v1+s8+$0x0] =	vst.idx.add.f32.msk $0xffff, v0  }
0x22: {  	s11 =	simm.s32 $0x0  }
0x23: {  	[tilespmem:s11], [sflag:$0x1] =	stream.linear.gather [hbm4b:s5+s11], $0x2780, $0x38;
	[tilespmem:$0x7600] =	vst v63  }
0x24: {  	_ =	swait.ge [sflag:s9], $0x2780  }
0x25: {  	[sflag:s9] =	ssyncset.done $0x0  }
0x26: {  	[sflag:s9] =	ssyncadd.s32 $0xFFFFD880  }
.LBB2_4:
0x27: {  	s12 =	sshra.s32 s11, $0x2  }
0x28: {  	v1 =	vld [tilespmem:s12+$0x0];
	_ =	sdelay $0x4  }
0x29: {  	v1 =	vadd.s32 $0x2710, v1;
	_ =	sdelay $0x4  }
0x2a: {  	[tilespmem:v1+s8+$0x0] =	vst.idx.add.f32.msk $0xffff, v0  }
0x2b: {  	v1 =	vld [tilespmem:s12+$0x10];
	_ =	sdelay $0x4  }
0x2c: {  	v1 =	vadd.s32 $0x2710, v1;
	_ =	sdelay $0x4  }
0x2d: {  	[tilespmem:v1+s8+$0x0] =	vst.idx.add.f32.msk $0xffff, v0  }
0x2e: {  	v1 =	vld [tilespmem:s12+$0x20];
	_ =	sdelay $0x4  }
0x2f: {  	v1 =	vadd.s32 $0x2710, v1;
	_ =	sdelay $0x4  }
0x30: {  	[tilespmem:v1+s8+$0x0] =	vst.idx.add.f32.msk $0xffff, v0  }
0x31: {  	v1 =	vld [tilespmem:s12+$0x30];
	_ =	sdelay $0x4  }
0x32: {  	v1 =	vadd.s32 $0x2710, v1;
	_ =	sdelay $0x4  }
0x33: {  	[tilespmem:v1+s8+$0x0] =	vst.idx.add.f32.msk $0xffff, v0  }
0x34: {  	v1 =	vld [tilespmem:s12+$0x40];
	_ =	sdelay $0x4  }
0x35: {  	p0 =	sne.s32 s11, $0x9B00;
	v1 =	vadd.s32 $0x2710, v1  }
.Ltmp1:
0x36: {  	_ = 	snop;
	(pc) =	sbr.rel @p0 .LBB2_4-.Ltmp1, $2  }
0x37: {  	_ =	sdelay $0x2  }
0x38: {  	s11 =	sadd.s32 $0x140, s11;
	[tilespmem:v1+s8+$0x0] =	vst.idx.add.f32.msk $0xffff, v0  }
0x39: {  	s10 =	sadd.s32 $0x1, s10  }
0x3a: {  	p0 =	sne.s32 s10, s7  }
.Ltmp2:
0x3b: {  	_ = 	snop;
	(pc) =	sbr.rel @p0 .LBB2_1-.Ltmp2, $4  }
0x3c: {  	[hbm4b:s6+s2] =	stream.linear.scatter [tilespmem:s8], [sflag:$0x1], $0x4E80, $0x38;
	[tilespmem:$0x7600] =	vst v63  }
0x3d: {  	_ =	swait.ge [sflag:s9], $0x4E80  }
0x3e: {  	[sflag:s9] =	ssyncset.done $0x0  }
0x3f: {  	[sflag:s9] =	ssyncadd.s32 $0xFFFFB180  }
0x40: {  	_ =	sfence.sel $0x180000  }
0x41: {  	[bflag:$0x0] =	sbarrier.arrive $0xFFFF  }
0x42: {  	p0 =	sne.s32 s1, $0x0;
	_ =	strace $0x90000047  }
0x43: {  	s0 =	sadd.s32 @!p0 $0x100000, s0;
	[bflag:$0x2] =	sbarrier.arrive $0xFFFF  }
0x44: {  	[sflag:s0] =	ssyncadd.tile.s32 @!p0 $0x1;
	_ =	shalt  }
.Lfunc_end2:
_tile_overlayer_lowered:
.L_overlay_start_2:
0x45: {  	(tag) =	ssettag $0x2  }
0x46: {  	s0 =	rddreg [dreg:$0x0];
	s2 =	stileid.u32  }
0x47: {  	s1 =	rddreg [dreg:$0x1];
	p0 =	sne.s32 s2, $0x0  }
0x48: {  	s3 =	rddreg [dreg:$0x2];
	[bflag:$0x3] =	sbarrier.arrive $0xFFFF;
	s2 =	simm.s32 @!p0 $0x1C01  }
0x49: {  	[timem:s3], [sflag:s2] =	dma.local @!p0 [hbm:s0], s1  }
0x4a: {  	s0 =	simm.s32 @!p0 $0x1  }
0x4b: {  	_ =	swait.ge @!p0 [sflag:s0], s1  }
0x4c: {  	s1 =	ssub.s32 @!p0 $0x0, s1;
	[sflag:s0] =	ssyncset.done @!p0 $0x0  }
0x4d: {  	[sflag:s0] =	ssyncadd.s32 @!p0 s1  }
0x4e: {  	[bflag:$0x3] =	sbarrier.arrive $0xFFFF  }
0x4f: {  	_ =	shalt  }

</sc_bundles>
